<compile_context>
chip_gen: v7x
topology: tpu7x:2x2x1
jax: 0.10.2.dev20260603
libtpu: 0.0.44.dev20260713+nightly
codegen_flags: <defaults>
</compile_context>

<pallas_src>
import functools

import jax
import jax.numpy as jnp
from jax import lax
from jax.experimental import pallas as pl
from jax.experimental.pallas import tpu as pltpu
from jax.experimental.pallas import tpu_sc as plsc

_NLVL, _LAT, _LON = 37, 721, 1440
_NQ = 13
_NCORES = 2
_HB = _LON // _NCORES
_QB = _HB // 3
_NBUF = 6
_LOOKAHEAD = 3


def kernel(field, indices):
    idx = indices.astype(jnp.int32)
    lvls = [idx[i] for i in range(_NQ)]

    @functools.partial(
        pl.kernel,
        out_type=jax.ShapeDtypeStruct((_NQ, _LON, _LAT), jnp.float32),
        mesh=plsc.ScalarSubcoreMesh(axis_name="c", num_cores=_NCORES),
        scratch_types=[
            pltpu.VMEM_SHARED((_NBUF, _QB, _LAT), jnp.float32),
        ] + [pltpu.SemaphoreType.DMA] * (2 * _NBUF),
    )
    def run(field_hbm, out_hbm, buf, *sems):
        gsems, osems = sems[:_NBUF], sems[_NBUF:]
        cid = lax.axis_index("c")
        r0 = pl.multiple_of(cid * _HB, _HB)
        items = [(i, h) for i in range(_NQ) for h in range(3)]
        n = len(items)
        gh, sh = {}, {}

        def g_start(k):
            i, h = items[k]
            b = k % _NBUF
            if k - _NBUF in sh:
                sh[k - _NBUF].wait()
            g = pltpu.make_async_copy(
                field_hbm.at[lvls[i], pl.ds(r0 + h * _QB, _QB)],
                buf.at[b], gsems[b])
            g.start()
            gh[k] = g

        for k in range(_LOOKAHEAD):
            g_start(k)
        for k in range(n):
            i, h = items[k]
            b = k % _NBUF
            gh[k].wait()
            s = pltpu.make_async_copy(
                buf.at[b], out_hbm.at[i, pl.ds(r0 + h * _QB, _QB)], osems[b])
            s.start()
            sh[k] = s
            if k + _LOOKAHEAD < n:
                g_start(k + _LOOKAHEAD)
        for k in range(n - _NBUF, n):
            sh[k].wait()

    field_t = jnp.swapaxes(field, 1, 2)
    out_t = run(field_t)
    return jnp.swapaxes(out_t, 1, 2)

# --- scband reference (transcript-rebuilt; emitter-appended) ---
"""Pipeline reference for scband-data-observation-operator-30562987279044 (READ-ONLY COPY).

The authoritative reference and input builder live on the scoring server;
editing this copy changes nothing except your own understanding.
"""

import jax, jax.numpy as jnp
import numpy as np


def setup_inputs(seed: int = 0) -> dict:
    key = jax.random.key(seed)
    k1, k2 = jax.random.split(key)
    # Stored pre-computed field: [pressure_levels, lat, lon] (ERA5-like grid).
    field = jax.random.normal(k1, (37, 721, 1440), dtype=jnp.float32)
    # Query vertical coordinate: a sorted subset of the stored pressure levels,
    # expressed as indices into the field's level axis (result of
    # field_levels.index(query_level) in the original code).
    indices = jnp.sort(jax.random.randint(k2, (13,), 0, 37))
    return {"field": field, "indices": indices}


def reference(field, indices):
    # DataObservationOperator.observe -> _subset_query_from_field.
    # After key matching / coordinate validation (pure Python, no tensor math),
    # the only numerical work is:
    #   untagged_field -> cx.cmap(lambda x: x[np.array(indices)])(untagged_field)
    # i.e. a gather of the requested vertical levels along the level axis.
    observations = jnp.take(field, indices, axis=0)
    return observations

if __name__ == "__main__":
    import jax
    _d = setup_inputs()
    print(jax.jit(kernel)(*tuple(_d.values())))

</pallas_src>

<mosaic_0001>
#map = affine_map<(d0) -> (0, 0, 0)>
#map1 = affine_map<(d0) -> (0)>
module attributes {stable_mosaic.version = 14 : i64} {
  func.func @_rewritten_body(%arg0: i32, %arg1: memref<37x1440x721xf32, #tpu.memory_space<hbm>>, %arg2: memref<1xi32, #tpu.memory_space<hbm>>, %arg3: memref<1xi32, #tpu.memory_space<hbm>>, %arg4: memref<1xi32, #tpu.memory_space<hbm>>, %arg5: memref<1xi32, #tpu.memory_space<hbm>>, %arg6: memref<1xi32, #tpu.memory_space<hbm>>, %arg7: memref<1xi32, #tpu.memory_space<hbm>>, %arg8: memref<1xi32, #tpu.memory_space<hbm>>, %arg9: memref<1xi32, #tpu.memory_space<hbm>>, %arg10: memref<1xi32, #tpu.memory_space<hbm>>, %arg11: memref<1xi32, #tpu.memory_space<hbm>>, %arg12: memref<1xi32, #tpu.memory_space<hbm>>, %arg13: memref<1xi32, #tpu.memory_space<hbm>>, %arg14: memref<1xi32, #tpu.memory_space<hbm>>, %arg15: memref<13x1440x721xf32, #tpu.memory_space<hbm>>, %arg16: memref<6x240x721xf32, #tpu.memory_space<vmem_shared>>, %arg17: memref<!tpu.dma_semaphore, #tpu.memory_space<semaphore_mem>>, %arg18: memref<!tpu.dma_semaphore, #tpu.memory_space<semaphore_mem>>, %arg19: memref<!tpu.dma_semaphore, #tpu.memory_space<semaphore_mem>>, %arg20: memref<!tpu.dma_semaphore, #tpu.memory_space<semaphore_mem>>, %arg21: memref<!tpu.dma_semaphore, #tpu.memory_space<semaphore_mem>>, %arg22: memref<!tpu.dma_semaphore, #tpu.memory_space<semaphore_mem>>, %arg23: memref<!tpu.dma_semaphore, #tpu.memory_space<semaphore_mem>>, %arg24: memref<!tpu.dma_semaphore, #tpu.memory_space<semaphore_mem>>, %arg25: memref<!tpu.dma_semaphore, #tpu.memory_space<semaphore_mem>>, %arg26: memref<!tpu.dma_semaphore, #tpu.memory_space<semaphore_mem>>, %arg27: memref<!tpu.dma_semaphore, #tpu.memory_space<semaphore_mem>>, %arg28: memref<!tpu.dma_semaphore, #tpu.memory_space<semaphore_mem>>) attributes {dimension_semantics = [#tpu.dimension_semantics<core_parallel>], iteration_bounds = array<i64: 2>, scalar_prefetch = 0 : i64, scratch_operands = 13 : i64, tpu.core_type = #tpu.core_type<sc_scalar_subcore>, window_params = [{transform_indices = #map}, {transform_indices = #map1}, {transform_indices = #map1}, {transform_indices = #map1}, {transform_indices = #map1}, {transform_indices = #map1}, {transform_indices = #map1}, {transform_indices = #map1}, {transform_indices = #map1}, {transform_indices = #map1}, {transform_indices = #map1}, {transform_indices = #map1}, {transform_indices = #map1}, {transform_indices = #map1}, {transform_indices = #map}]} {
    %empty_ref3A = memref.alloca() : memref<1xi32, #tpu.memory_space<smem>>
    %empty_ref3A_0 = memref.alloca() : memref<1xi32, #tpu.memory_space<smem>>
    %empty_ref3A_1 = memref.alloca() : memref<1xi32, #tpu.memory_space<smem>>
    %empty_ref3A_2 = memref.alloca() : memref<1xi32, #tpu.memory_space<smem>>
    %empty_ref3A_3 = memref.alloca() : memref<1xi32, #tpu.memory_space<smem>>
    %empty_ref3A_4 = memref.alloca() : memref<1xi32, #tpu.memory_space<smem>>
    %empty_ref3A_5 = memref.alloca() : memref<1xi32, #tpu.memory_space<smem>>
    %empty_ref3A_6 = memref.alloca() : memref<1xi32, #tpu.memory_space<smem>>
    %empty_ref3A_7 = memref.alloca() : memref<1xi32, #tpu.memory_space<smem>>
    %empty_ref3A_8 = memref.alloca() : memref<1xi32, #tpu.memory_space<smem>>
    %empty_ref3A_9 = memref.alloca() : memref<1xi32, #tpu.memory_space<smem>>
    %empty_ref3A_10 = memref.alloca() : memref<1xi32, #tpu.memory_space<smem>>
    %empty_ref3A_11 = memref.alloca() : memref<1xi32, #tpu.memory_space<smem>>
    "tpu.region"() ({
      %run_scoped3A = tpu.sem_alloc : memref<!tpu.dma_semaphore, #tpu.memory_space<semaphore_mem>>
      tpu.enqueue_dma source(%arg2 : memref<1xi32, #tpu.memory_space<hbm>>) target(%empty_ref3A : memref<1xi32, #tpu.memory_space<smem>>) target_semaphore(%run_scoped3A : memref<!tpu.dma_semaphore, #tpu.memory_space<semaphore_mem>>)
      tpu.enqueue_dma source(%arg3 : memref<1xi32, #tpu.memory_space<hbm>>) target(%empty_ref3A_0 : memref<1xi32, #tpu.memory_space<smem>>) target_semaphore(%run_scoped3A : memref<!tpu.dma_semaphore, #tpu.memory_space<semaphore_mem>>)
      tpu.enqueue_dma source(%arg4 : memref<1xi32, #tpu.memory_space<hbm>>) target(%empty_ref3A_1 : memref<1xi32, #tpu.memory_space<smem>>) target_semaphore(%run_scoped3A : memref<!tpu.dma_semaphore, #tpu.memory_space<semaphore_mem>>)
      tpu.enqueue_dma source(%arg5 : memref<1xi32, #tpu.memory_space<hbm>>) target(%empty_ref3A_2 : memref<1xi32, #tpu.memory_space<smem>>) target_semaphore(%run_scoped3A : memref<!tpu.dma_semaphore, #tpu.memory_space<semaphore_mem>>)
      tpu.enqueue_dma source(%arg6 : memref<1xi32, #tpu.memory_space<hbm>>) target(%empty_ref3A_3 : memref<1xi32, #tpu.memory_space<smem>>) target_semaphore(%run_scoped3A : memref<!tpu.dma_semaphore, #tpu.memory_space<semaphore_mem>>)
      tpu.enqueue_dma source(%arg7 : memref<1xi32, #tpu.memory_space<hbm>>) target(%empty_ref3A_4 : memref<1xi32, #tpu.memory_space<smem>>) target_semaphore(%run_scoped3A : memref<!tpu.dma_semaphore, #tpu.memory_space<semaphore_mem>>)
      tpu.enqueue_dma source(%arg8 : memref<1xi32, #tpu.memory_space<hbm>>) target(%empty_ref3A_5 : memref<1xi32, #tpu.memory_space<smem>>) target_semaphore(%run_scoped3A : memref<!tpu.dma_semaphore, #tpu.memory_space<semaphore_mem>>)
      tpu.enqueue_dma source(%arg9 : memref<1xi32, #tpu.memory_space<hbm>>) target(%empty_ref3A_6 : memref<1xi32, #tpu.memory_space<smem>>) target_semaphore(%run_scoped3A : memref<!tpu.dma_semaphore, #tpu.memory_space<semaphore_mem>>)
      tpu.enqueue_dma source(%arg10 : memref<1xi32, #tpu.memory_space<hbm>>) target(%empty_ref3A_7 : memref<1xi32, #tpu.memory_space<smem>>) target_semaphore(%run_scoped3A : memref<!tpu.dma_semaphore, #tpu.memory_space<semaphore_mem>>)
      tpu.enqueue_dma source(%arg11 : memref<1xi32, #tpu.memory_space<hbm>>) target(%empty_ref3A_8 : memref<1xi32, #tpu.memory_space<smem>>) target_semaphore(%run_scoped3A : memref<!tpu.dma_semaphore, #tpu.memory_space<semaphore_mem>>)
      tpu.enqueue_dma source(%arg12 : memref<1xi32, #tpu.memory_space<hbm>>) target(%empty_ref3A_9 : memref<1xi32, #tpu.memory_space<smem>>) target_semaphore(%run_scoped3A : memref<!tpu.dma_semaphore, #tpu.memory_space<semaphore_mem>>)
      tpu.enqueue_dma source(%arg13 : memref<1xi32, #tpu.memory_space<hbm>>) target(%empty_ref3A_10 : memref<1xi32, #tpu.memory_space<smem>>) target_semaphore(%run_scoped3A : memref<!tpu.dma_semaphore, #tpu.memory_space<semaphore_mem>>)
      tpu.enqueue_dma source(%arg14 : memref<1xi32, #tpu.memory_space<hbm>>) target(%empty_ref3A_11 : memref<1xi32, #tpu.memory_space<smem>>) target_semaphore(%run_scoped3A : memref<!tpu.dma_semaphore, #tpu.memory_space<semaphore_mem>>)
      tpu.wait_dma2 semaphore(%run_scoped3A : memref<!tpu.dma_semaphore, #tpu.memory_space<semaphore_mem>>) src(%arg2 : memref<1xi32, #tpu.memory_space<hbm>>) dst(%empty_ref3A : memref<1xi32, #tpu.memory_space<smem>>)
      tpu.wait_dma2 semaphore(%run_scoped3A : memref<!tpu.dma_semaphore, #tpu.memory_space<semaphore_mem>>) src(%arg3 : memref<1xi32, #tpu.memory_space<hbm>>) dst(%empty_ref3A_0 : memref<1xi32, #tpu.memory_space<smem>>)
      tpu.wait_dma2 semaphore(%run_scoped3A : memref<!tpu.dma_semaphore, #tpu.memory_space<semaphore_mem>>) src(%arg4 : memref<1xi32, #tpu.memory_space<hbm>>) dst(%empty_ref3A_1 : memref<1xi32, #tpu.memory_space<smem>>)
      tpu.wait_dma2 semaphore(%run_scoped3A : memref<!tpu.dma_semaphore, #tpu.memory_space<semaphore_mem>>) src(%arg5 : memref<1xi32, #tpu.memory_space<hbm>>) dst(%empty_ref3A_2 : memref<1xi32, #tpu.memory_space<smem>>)
      tpu.wait_dma2 semaphore(%run_scoped3A : memref<!tpu.dma_semaphore, #tpu.memory_space<semaphore_mem>>) src(%arg6 : memref<1xi32, #tpu.memory_space<hbm>>) dst(%empty_ref3A_3 : memref<1xi32, #tpu.memory_space<smem>>)
      tpu.wait_dma2 semaphore(%run_scoped3A : memref<!tpu.dma_semaphore, #tpu.memory_space<semaphore_mem>>) src(%arg7 : memref<1xi32, #tpu.memory_space<hbm>>) dst(%empty_ref3A_4 : memref<1xi32, #tpu.memory_space<smem>>)
      tpu.wait_dma2 semaphore(%run_scoped3A : memref<!tpu.dma_semaphore, #tpu.memory_space<semaphore_mem>>) src(%arg8 : memref<1xi32, #tpu.memory_space<hbm>>) dst(%empty_ref3A_5 : memref<1xi32, #tpu.memory_space<smem>>)
      tpu.wait_dma2 semaphore(%run_scoped3A : memref<!tpu.dma_semaphore, #tpu.memory_space<semaphore_mem>>) src(%arg9 : memref<1xi32, #tpu.memory_space<hbm>>) dst(%empty_ref3A_6 : memref<1xi32, #tpu.memory_space<smem>>)
      tpu.wait_dma2 semaphore(%run_scoped3A : memref<!tpu.dma_semaphore, #tpu.memory_space<semaphore_mem>>) src(%arg10 : memref<1xi32, #tpu.memory_space<hbm>>) dst(%empty_ref3A_7 : memref<1xi32, #tpu.memory_space<smem>>)
      tpu.wait_dma2 semaphore(%run_scoped3A : memref<!tpu.dma_semaphore, #tpu.memory_space<semaphore_mem>>) src(%arg11 : memref<1xi32, #tpu.memory_space<hbm>>) dst(%empty_ref3A_8 : memref<1xi32, #tpu.memory_space<smem>>)
      tpu.wait_dma2 semaphore(%run_scoped3A : memref<!tpu.dma_semaphore, #tpu.memory_space<semaphore_mem>>) src(%arg12 : memref<1xi32, #tpu.memory_space<hbm>>) dst(%empty_ref3A_9 : memref<1xi32, #tpu.memory_space<smem>>)
      tpu.wait_dma2 semaphore(%run_scoped3A : memref<!tpu.dma_semaphore, #tpu.memory_space<semaphore_mem>>) src(%arg13 : memref<1xi32, #tpu.memory_space<hbm>>) dst(%empty_ref3A_10 : memref<1xi32, #tpu.memory_space<smem>>)
      tpu.wait_dma2 semaphore(%run_scoped3A : memref<!tpu.dma_semaphore, #tpu.memory_space<semaphore_mem>>) src(%arg14 : memref<1xi32, #tpu.memory_space<hbm>>) dst(%empty_ref3A_11 : memref<1xi32, #tpu.memory_space<smem>>)
      tpu.yield
    }) : () -> ()
    %get3A = arith.constant 0 : i32
    %get3A_12 = arith.index_cast %get3A : i32 to index
    %get3A_13 = memref.load %empty_ref3A[%get3A_12] : memref<1xi32, #tpu.memory_space<smem>>
    %get3A_14 = arith.constant 0 : i32
    %get3A_15 = arith.index_cast %get3A_14 : i32 to index
    %get3A_16 = memref.load %empty_ref3A_0[%get3A_15] : memref<1xi32, #tpu.memory_space<smem>>
    %get3A_17 = arith.constant 0 : i32
    %get3A_18 = arith.index_cast %get3A_17 : i32 to index
    %get3A_19 = memref.load %empty_ref3A_1[%get3A_18] : memref<1xi32, #tpu.memory_space<smem>>
    %get3A_20 = arith.constant 0 : i32
    %get3A_21 = arith.index_cast %get3A_20 : i32 to index
    %get3A_22 = memref.load %empty_ref3A_2[%get3A_21] : memref<1xi32, #tpu.memory_space<smem>>
    %get3A_23 = arith.constant 0 : i32
    %get3A_24 = arith.index_cast %get3A_23 : i32 to index
    %get3A_25 = memref.load %empty_ref3A_3[%get3A_24] : memref<1xi32, #tpu.memory_space<smem>>
    %get3A_26 = arith.constant 0 : i32
    %get3A_27 = arith.index_cast %get3A_26 : i32 to index
    %get3A_28 = memref.load %empty_ref3A_4[%get3A_27] : memref<1xi32, #tpu.memory_space<smem>>
    %get3A_29 = arith.constant 0 : i32
    %get3A_30 = arith.index_cast %get3A_29 : i32 to index
    %get3A_31 = memref.load %empty_ref3A_5[%get3A_30] : memref<1xi32, #tpu.memory_space<smem>>
    %get3A_32 = arith.constant 0 : i32
    %get3A_33 = arith.index_cast %get3A_32 : i32 to index
    %get3A_34 = memref.load %empty_ref3A_6[%get3A_33] : memref<1xi32, #tpu.memory_space<smem>>
    %get3A_35 = arith.constant 0 : i32
    %get3A_36 = arith.index_cast %get3A_35 : i32 to index
    %get3A_37 = memref.load %empty_ref3A_7[%get3A_36] : memref<1xi32, #tpu.memory_space<smem>>
    %get3A_38 = arith.constant 0 : i32
    %get3A_39 = arith.index_cast %get3A_38 : i32 to index
    %get3A_40 = memref.load %empty_ref3A_8[%get3A_39] : memref<1xi32, #tpu.memory_space<smem>>
    %get3A_41 = arith.constant 0 : i32
    %get3A_42 = arith.index_cast %get3A_41 : i32 to index
    %get3A_43 = memref.load %empty_ref3A_9[%get3A_42] : memref<1xi32, #tpu.memory_space<smem>>
    %get3A_44 = arith.constant 0 : i32
    %get3A_45 = arith.index_cast %get3A_44 : i32 to index
    %get3A_46 = memref.load %empty_ref3A_10[%get3A_45] : memref<1xi32, #tpu.memory_space<smem>>
    %get3A_47 = arith.constant 0 : i32
    %get3A_48 = arith.index_cast %get3A_47 : i32 to index
    %get3A_49 = memref.load %empty_ref3A_11[%get3A_48] : memref<1xi32, #tpu.memory_space<smem>>
    %mul3A = arith.constant 720 : i32
    %mul3A_50 = arith.muli %arg0, %mul3A : i32
    %multiple_of3A = tpu.assume_multiple %mul3A_50, 720 : i32
    %add3A = arith.constant 0 : i32
    %add3A_51 = arith.addi %multiple_of3A, %add3A : i32
    %dma_start3A = arith.constant 0 : i32
    %dma_start3A_52 = arith.constant 0 : i32
    %dma_start3A_53 = arith.constant 0 : i32
    %dma_start3A_54 = tpu.memref_slice %arg16[%dma_start3A, %dma_start3A_52, %dma_start3A_53] : memref<6x240x721xf32, #tpu.memory_space<vmem_shared>> -> memref<1x240x721xf32, #tpu.memory_space<vmem_shared>>
    %dma_start3A_55 = tpu.memref_squeeze %dma_start3A_54 : memref<1x240x721xf32, #tpu.memory_space<vmem_shared>> -> memref<240x721xf32, #tpu.memory_space<vmem_shared>>
    %dma_start3A_56 = arith.constant 0 : i32
    %dma_start3A_57 = tpu.memref_slice %arg1[%get3A_13, %add3A_51, %dma_start3A_56] : memref<37x1440x721xf32, #tpu.memory_space<hbm>> -> memref<1x240x721xf32, #tpu.memory_space<hbm>>
    %dma_start3A_58 = tpu.memref_squeeze %dma_start3A_57 : memref<1x240x721xf32, #tpu.memory_space<hbm>> -> memref<240x721xf32, #tpu.memory_space<hbm>>
    tpu.enqueue_dma source(%dma_start3A_58 : memref<240x721xf32, #tpu.memory_space<hbm>>) target(%dma_start3A_55 : memref<240x721xf32, #tpu.memory_space<vmem_shared>>) target_semaphore(%arg17 : memref<!tpu.dma_semaphore, #tpu.memory_space<semaphore_mem>>)
    %add3A_59 = arith.constant 240 : i32
    %add3A_60 = arith.addi %multiple_of3A, %add3A_59 : i32
    %dma_start3A_61 = arith.constant 1 : i32
    %dma_start3A_62 = arith.constant 0 : i32
    %dma_start3A_63 = arith.constant 0 : i32
    %dma_start3A_64 = tpu.memref_slice %arg16[%dma_start3A_61, %dma_start3A_62, %dma_start3A_63] : memref<6x240x721xf32, #tpu.memory_space<vmem_shared>> -> memref<1x240x721xf32, #tpu.memory_space<vmem_shared>>
    %dma_start3A_65 = tpu.memref_squeeze %dma_start3A_64 : memref<1x240x721xf32, #tpu.memory_space<vmem_shared>> -> memref<240x721xf32, #tpu.memory_space<vmem_shared>>
    %dma_start3A_66 = arith.constant 0 : i32
    %dma_start3A_67 = tpu.memref_slice %arg1[%get3A_13, %add3A_60, %dma_start3A_66] : memref<37x1440x721xf32, #tpu.memory_space<hbm>> -> memref<1x240x721xf32, #tpu.memory_space<hbm>>
    %dma_start3A_68 = tpu.memref_squeeze %dma_start3A_67 : memref<1x240x721xf32, #tpu.memory_space<hbm>> -> memref<240x721xf32, #tpu.memory_space<hbm>>
    tpu.enqueue_dma source(%dma_start3A_68 : memref<240x721xf32, #tpu.memory_space<hbm>>) target(%dma_start3A_65 : memref<240x721xf32, #tpu.memory_space<vmem_shared>>) target_semaphore(%arg18 : memref<!tpu.dma_semaphore, #tpu.memory_space<semaphore_mem>>)
    %add3A_69 = arith.constant 480 : i32
    %add3A_70 = arith.addi %multiple_of3A, %add3A_69 : i32
    %dma_start3A_71 = arith.constant 2 : i32
    %dma_start3A_72 = arith.constant 0 : i32
    %dma_start3A_73 = arith.constant 0 : i32
    %dma_start3A_74 = tpu.memref_slice %arg16[%dma_start3A_71, %dma_start3A_72, %dma_start3A_73] : memref<6x240x721xf32, #tpu.memory_space<vmem_shared>> -> memref<1x240x721xf32, #tpu.memory_space<vmem_shared>>
    %dma_start3A_75 = tpu.memref_squeeze %dma_start3A_74 : memref<1x240x721xf32, #tpu.memory_space<vmem_shared>> -> memref<240x721xf32, #tpu.memory_space<vmem_shared>>
    %dma_start3A_76 = arith.constant 0 : i32
    %dma_start3A_77 = tpu.memref_slice %arg1[%get3A_13, %add3A_70, %dma_start3A_76] : memref<37x1440x721xf32, #tpu.memory_space<hbm>> -> memref<1x240x721xf32, #tpu.memory_space<hbm>>
    %dma_start3A_78 = tpu.memref_squeeze %dma_start3A_77 : memref<1x240x721xf32, #tpu.memory_space<hbm>> -> memref<240x721xf32, #tpu.memory_space<hbm>>
    tpu.enqueue_dma source(%dma_start3A_78 : memref<240x721xf32, #tpu.memory_space<hbm>>) target(%dma_start3A_75 : memref<240x721xf32, #tpu.memory_space<vmem_shared>>) target_semaphore(%arg19 : memref<!tpu.dma_semaphore, #tpu.memory_space<semaphore_mem>>)
    %dma_wait3A = arith.constant 0 : i32
    %dma_wait3A_79 = arith.constant 0 : i32
    %dma_wait3A_80 = arith.constant 0 : i32
    %dma_wait3A_81 = tpu.memref_slice %arg16[%dma_wait3A, %dma_wait3A_79, %dma_wait3A_80] : memref<6x240x721xf32, #tpu.memory_space<vmem_shared>> -> memref<1x240x721xf32, #tpu.memory_space<vmem_shared>>
    %dma_wait3A_82 = tpu.memref_squeeze %dma_wait3A_81 : memref<1x240x721xf32, #tpu.memory_space<vmem_shared>> -> memref<240x721xf32, #tpu.memory_space<vmem_shared>>
    %dma_wait3A_83 = arith.constant 0 : i32
    %dma_wait3A_84 = tpu.memref_slice %arg1[%get3A_13, %add3A_51, %dma_wait3A_83] : memref<37x1440x721xf32, #tpu.memory_space<hbm>> -> memref<1x240x721xf32, #tpu.memory_space<hbm>>
    %dma_wait3A_85 = tpu.memref_squeeze %dma_wait3A_84 : memref<1x240x721xf32, #tpu.memory_space<hbm>> -> memref<240x721xf32, #tpu.memory_space<hbm>>
    tpu.wait_dma2 semaphore(%arg17 : memref<!tpu.dma_semaphore, #tpu.memory_space<semaphore_mem>>) src(%dma_wait3A_85 : memref<240x721xf32, #tpu.memory_space<hbm>>) dst(%dma_wait3A_82 : memref<240x721xf32, #tpu.memory_space<vmem_shared>>)
    %add3A_86 = arith.constant 0 : i32
    %add3A_87 = arith.addi %multiple_of3A, %add3A_86 : i32
    %dma_start3A_88 = arith.constant 0 : i32
    %dma_start3A_89 = arith.constant 0 : i32
    %dma_start3A_90 = arith.constant 0 : i32
    %dma_start3A_91 = tpu.memref_slice %arg15[%dma_start3A_89, %add3A_87, %dma_start3A_90] : memref<13x1440x721xf32, #tpu.memory_space<hbm>> -> memref<1x240x721xf32, #tpu.memory_space<hbm>>
    %dma_start3A_92 = tpu.memref_squeeze %dma_start3A_91 : memref<1x240x721xf32, #tpu.memory_space<hbm>> -> memref<240x721xf32, #tpu.memory_space<hbm>>
    %dma_start3A_93 = arith.constant 0 : i32
    %dma_start3A_94 = arith.constant 0 : i32
    %dma_start3A_95 = tpu.memref_slice %arg16[%dma_start3A_88, %dma_start3A_93, %dma_start3A_94] : memref<6x240x721xf32, #tpu.memory_space<vmem_shared>> -> memref<1x240x721xf32, #tpu.memory_space<vmem_shared>>
    %dma_start3A_96 = tpu.memref_squeeze %dma_start3A_95 : memref<1x240x721xf32, #tpu.memory_space<vmem_shared>> -> memref<240x721xf32, #tpu.memory_space<vmem_shared>>
    tpu.enqueue_dma source(%dma_start3A_96 : memref<240x721xf32, #tpu.memory_space<vmem_shared>>) target(%dma_start3A_92 : memref<240x721xf32, #tpu.memory_space<hbm>>) target_semaphore(%arg23 : memref<!tpu.dma_semaphore, #tpu.memory_space<semaphore_mem>>)
    %add3A_97 = arith.constant 0 : i32
    %add3A_98 = arith.addi %multiple_of3A, %add3A_97 : i32
    %dma_start3A_99 = arith.constant 3 : i32
    %dma_start3A_100 = arith.constant 0 : i32
    %dma_start3A_101 = arith.constant 0 : i32
    %dma_start3A_102 = tpu.memref_slice %arg16[%dma_start3A_99, %dma_start3A_100, %dma_start3A_101] : memref<6x240x721xf32, #tpu.memory_space<vmem_shared>> -> memref<1x240x721xf32, #tpu.memory_space<vmem_shared>>
    %dma_start3A_103 = tpu.memref_squeeze %dma_start3A_102 : memref<1x240x721xf32, #tpu.memory_space<vmem_shared>> -> memref<240x721xf32, #tpu.memory_space<vmem_shared>>
    %dma_start3A_104 = arith.constant 0 : i32
    %dma_start3A_105 = tpu.memref_slice %arg1[%get3A_16, %add3A_98, %dma_start3A_104] : memref<37x1440x721xf32, #tpu.memory_space<hbm>> -> memref<1x240x721xf32, #tpu.memory_space<hbm>>
    %dma_start3A_106 = tpu.memref_squeeze %dma_start3A_105 : memref<1x240x721xf32, #tpu.memory_space<hbm>> -> memref<240x721xf32, #tpu.memory_space<hbm>>
    tpu.enqueue_dma source(%dma_start3A_106 : memref<240x721xf32, #tpu.memory_space<hbm>>) target(%dma_start3A_103 : memref<240x721xf32, #tpu.memory_space<vmem_shared>>) target_semaphore(%arg20 : memref<!tpu.dma_semaphore, #tpu.memory_space<semaphore_mem>>)
    %dma_wait3A_107 = arith.constant 1 : i32
    %dma_wait3A_108 = arith.constant 0 : i32
    %dma_wait3A_109 = arith.constant 0 : i32
    %dma_wait3A_110 = tpu.memref_slice %arg16[%dma_wait3A_107, %dma_wait3A_108, %dma_wait3A_109] : memref<6x240x721xf32, #tpu.memory_space<vmem_shared>> -> memref<1x240x721xf32, #tpu.memory_space<vmem_shared>>
    %dma_wait3A_111 = tpu.memref_squeeze %dma_wait3A_110 : memref<1x240x721xf32, #tpu.memory_space<vmem_shared>> -> memref<240x721xf32, #tpu.memory_space<vmem_shared>>
    %dma_wait3A_112 = arith.constant 0 : i32
    %dma_wait3A_113 = tpu.memref_slice %arg1[%get3A_13, %add3A_60, %dma_wait3A_112] : memref<37x1440x721xf32, #tpu.memory_space<hbm>> -> memref<1x240x721xf32, #tpu.memory_space<hbm>>
    %dma_wait3A_114 = tpu.memref_squeeze %dma_wait3A_113 : memref<1x240x721xf32, #tpu.memory_space<hbm>> -> memref<240x721xf32, #tpu.memory_space<hbm>>
    tpu.wait_dma2 semaphore(%arg18 : memref<!tpu.dma_semaphore, #tpu.memory_space<semaphore_mem>>) src(%dma_wait3A_114 : memref<240x721xf32, #tpu.memory_space<hbm>>) dst(%dma_wait3A_111 : memref<240x721xf32, #tpu.memory_space<vmem_shared>>)
    %add3A_115 = arith.constant 240 : i32
    %add3A_116 = arith.addi %multiple_of3A, %add3A_115 : i32
    %dma_start3A_117 = arith.constant 1 : i32
    %dma_start3A_118 = arith.constant 0 : i32
    %dma_start3A_119 = arith.constant 0 : i32
    %dma_start3A_120 = tpu.memref_slice %arg15[%dma_start3A_118, %add3A_116, %dma_start3A_119] : memref<13x1440x721xf32, #tpu.memory_space<hbm>> -> memref<1x240x721xf32, #tpu.memory_space<hbm>>
    %dma_start3A_121 = tpu.memref_squeeze %dma_start3A_120 : memref<1x240x721xf32, #tpu.memory_space<hbm>> -> memref<240x721xf32, #tpu.memory_space<hbm>>
    %dma_start3A_122 = arith.constant 0 : i32
    %dma_start3A_123 = arith.constant 0 : i32
    %dma_start3A_124 = tpu.memref_slice %arg16[%dma_start3A_117, %dma_start3A_122, %dma_start3A_123] : memref<6x240x721xf32, #tpu.memory_space<vmem_shared>> -> memref<1x240x721xf32, #tpu.memory_space<vmem_shared>>
    %dma_start3A_125 = tpu.memref_squeeze %dma_start3A_124 : memref<1x240x721xf32, #tpu.memory_space<vmem_shared>> -> memref<240x721xf32, #tpu.memory_space<vmem_shared>>
    tpu.enqueue_dma source(%dma_start3A_125 : memref<240x721xf32, #tpu.memory_space<vmem_shared>>) target(%dma_start3A_121 : memref<240x721xf32, #tpu.memory_space<hbm>>) target_semaphore(%arg24 : memref<!tpu.dma_semaphore, #tpu.memory_space<semaphore_mem>>)
    %add3A_126 = arith.constant 240 : i32
    %add3A_127 = arith.addi %multiple_of3A, %add3A_126 : i32
    %dma_start3A_128 = arith.constant 4 : i32
    %dma_start3A_129 = arith.constant 0 : i32
    %dma_start3A_130 = arith.constant 0 : i32
    %dma_start3A_131 = tpu.memref_slice %arg16[%dma_start3A_128, %dma_start3A_129, %dma_start3A_130] : memref<6x240x721xf32, #tpu.memory_space<vmem_shared>> -> memref<1x240x721xf32, #tpu.memory_space<vmem_shared>>
    %dma_start3A_132 = tpu.memref_squeeze %dma_start3A_131 : memref<1x240x721xf32, #tpu.memory_space<vmem_shared>> -> memref<240x721xf32, #tpu.memory_space<vmem_shared>>
    %dma_start3A_133 = arith.constant 0 : i32
    %dma_start3A_134 = tpu.memref_slice %arg1[%get3A_16, %add3A_127, %dma_start3A_133] : memref<37x1440x721xf32, #tpu.memory_space<hbm>> -> memref<1x240x721xf32, #tpu.memory_space<hbm>>
    %dma_start3A_135 = tpu.memref_squeeze %dma_start3A_134 : memref<1x240x721xf32, #tpu.memory_space<hbm>> -> memref<240x721xf32, #tpu.memory_space<hbm>>
    tpu.enqueue_dma source(%dma_start3A_135 : memref<240x721xf32, #tpu.memory_space<hbm>>) target(%dma_start3A_132 : memref<240x721xf32, #tpu.memory_space<vmem_shared>>) target_semaphore(%arg21 : memref<!tpu.dma_semaphore, #tpu.memory_space<semaphore_mem>>)
    %dma_wait3A_136 = arith.constant 2 : i32
    %dma_wait3A_137 = arith.constant 0 : i32
    %dma_wait3A_138 = arith.constant 0 : i32
    %dma_wait3A_139 = tpu.memref_slice %arg16[%dma_wait3A_136, %dma_wait3A_137, %dma_wait3A_138] : memref<6x240x721xf32, #tpu.memory_space<vmem_shared>> -> memref<1x240x721xf32, #tpu.memory_space<vmem_shared>>
    %dma_wait3A_140 = tpu.memref_squeeze %dma_wait3A_139 : memref<1x240x721xf32, #tpu.memory_space<vmem_shared>> -> memref<240x721xf32, #tpu.memory_space<vmem_shared>>
    %dma_wait3A_141 = arith.constant 0 : i32
    %dma_wait3A_142 = tpu.memref_slice %arg1[%get3A_13, %add3A_70, %dma_wait3A_141] : memref<37x1440x721xf32, #tpu.memory_space<hbm>> -> memref<1x240x721xf32, #tpu.memory_space<hbm>>
    %dma_wait3A_143 = tpu.memref_squeeze %dma_wait3A_142 : memref<1x240x721xf32, #tpu.memory_space<hbm>> -> memref<240x721xf32, #tpu.memory_space<hbm>>
    tpu.wait_dma2 semaphore(%arg19 : memref<!tpu.dma_semaphore, #tpu.memory_space<semaphore_mem>>) src(%dma_wait3A_143 : memref<240x721xf32, #tpu.memory_space<hbm>>) dst(%dma_wait3A_140 : memref<240x721xf32, #tpu.memory_space<vmem_shared>>)
    %add3A_144 = arith.constant 480 : i32
    %add3A_145 = arith.addi %multiple_of3A, %add3A_144 : i32
    %dma_start3A_146 = arith.constant 2 : i32
    %dma_start3A_147 = arith.constant 0 : i32
    %dma_start3A_148 = arith.constant 0 : i32
    %dma_start3A_149 = tpu.memref_slice %arg15[%dma_start3A_147, %add3A_145, %dma_start3A_148] : memref<13x1440x721xf32, #tpu.memory_space<hbm>> -> memref<1x240x721xf32, #tpu.memory_space<hbm>>
    %dma_start3A_150 = tpu.memref_squeeze %dma_start3A_149 : memref<1x240x721xf32, #tpu.memory_space<hbm>> -> memref<240x721xf32, #tpu.memory_space<hbm>>
    %dma_start3A_151 = arith.constant 0 : i32
    %dma_start3A_152 = arith.constant 0 : i32
    %dma_start3A_153 = tpu.memref_slice %arg16[%dma_start3A_146, %dma_start3A_151, %dma_start3A_152] : memref<6x240x721xf32, #tpu.memory_space<vmem_shared>> -> memref<1x240x721xf32, #tpu.memory_space<vmem_shared>>
    %dma_start3A_154 = tpu.memref_squeeze %dma_start3A_153 : memref<1x240x721xf32, #tpu.memory_space<vmem_shared>> -> memref<240x721xf32, #tpu.memory_space<vmem_shared>>
    tpu.enqueue_dma source(%dma_start3A_154 : memref<240x721xf32, #tpu.memory_space<vmem_shared>>) target(%dma_start3A_150 : memref<240x721xf32, #tpu.memory_space<hbm>>) target_semaphore(%arg25 : memref<!tpu.dma_semaphore, #tpu.memory_space<semaphore_mem>>)
    %add3A_155 = arith.constant 480 : i32
    %add3A_156 = arith.addi %multiple_of3A, %add3A_155 : i32
    %dma_start3A_157 = arith.constant 5 : i32
    %dma_start3A_158 = arith.constant 0 : i32
    %dma_start3A_159 = arith.constant 0 : i32
    %dma_start3A_160 = tpu.memref_slice %arg16[%dma_start3A_157, %dma_start3A_158, %dma_start3A_159] : memref<6x240x721xf32, #tpu.memory_space<vmem_shared>> -> memref<1x240x721xf32, #tpu.memory_space<vmem_shared>>
    %dma_start3A_161 = tpu.memref_squeeze %dma_start3A_160 : memref<1x240x721xf32, #tpu.memory_space<vmem_shared>> -> memref<240x721xf32, #tpu.memory_space<vmem_shared>>
    %dma_start3A_162 = arith.constant 0 : i32
    %dma_start3A_163 = tpu.memref_slice %arg1[%get3A_16, %add3A_156, %dma_start3A_162] : memref<37x1440x721xf32, #tpu.memory_space<hbm>> -> memref<1x240x721xf32, #tpu.memory_space<hbm>>
    %dma_start3A_164 = tpu.memref_squeeze %dma_start3A_163 : memref<1x240x721xf32, #tpu.memory_space<hbm>> -> memref<240x721xf32, #tpu.memory_space<hbm>>
    tpu.enqueue_dma source(%dma_start3A_164 : memref<240x721xf32, #tpu.memory_space<hbm>>) target(%dma_start3A_161 : memref<240x721xf32, #tpu.memory_space<vmem_shared>>) target_semaphore(%arg22 : memref<!tpu.dma_semaphore, #tpu.memory_space<semaphore_mem>>)
    %dma_wait3A_165 = arith.constant 3 : i32
    %dma_wait3A_166 = arith.constant 0 : i32
    %dma_wait3A_167 = arith.constant 0 : i32
    %dma_wait3A_168 = tpu.memref_slice %arg16[%dma_wait3A_165, %dma_wait3A_166, %dma_wait3A_167] : memref<6x240x721xf32, #tpu.memory_space<vmem_shared>> -> memref<1x240x721xf32, #tpu.memory_space<vmem_shared>>
    %dma_wait3A_169 = tpu.memref_squeeze %dma_wait3A_168 : memref<1x240x721xf32, #tpu.memory_space<vmem_shared>> -> memref<240x721xf32, #tpu.memory_space<vmem_shared>>
    %dma_wait3A_170 = arith.constant 0 : i32
    %dma_wait3A_171 = tpu.memref_slice %arg1[%get3A_16, %add3A_98, %dma_wait3A_170] : memref<37x1440x721xf32, #tpu.memory_space<hbm>> -> memref<1x240x721xf32, #tpu.memory_space<hbm>>
    %dma_wait3A_172 = tpu.memref_squeeze %dma_wait3A_171 : memref<1x240x721xf32, #tpu.memory_space<hbm>> -> memref<240x721xf32, #tpu.memory_space<hbm>>
    tpu.wait_dma2 semaphore(%arg20 : memref<!tpu.dma_semaphore, #tpu.memory_space<semaphore_mem>>) src(%dma_wait3A_172 : memref<240x721xf32, #tpu.memory_space<hbm>>) dst(%dma_wait3A_169 : memref<240x721xf32, #tpu.memory_space<vmem_shared>>)
    %add3A_173 = arith.constant 0 : i32
    %add3A_174 = arith.addi %multiple_of3A, %add3A_173 : i32
    %dma_start3A_175 = arith.constant 3 : i32
    %dma_start3A_176 = arith.constant 1 : i32
    %dma_start3A_177 = arith.constant 0 : i32
    %dma_start3A_178 = tpu.memref_slice %arg15[%dma_start3A_176, %add3A_174, %dma_start3A_177] : memref<13x1440x721xf32, #tpu.memory_space<hbm>> -> memref<1x240x721xf32, #tpu.memory_space<hbm>>
    %dma_start3A_179 = tpu.memref_squeeze %dma_start3A_178 : memref<1x240x721xf32, #tpu.memory_space<hbm>> -> memref<240x721xf32, #tpu.memory_space<hbm>>
    %dma_start3A_180 = arith.constant 0 : i32
    %dma_start3A_181 = arith.constant 0 : i32
    %dma_start3A_182 = tpu.memref_slice %arg16[%dma_start3A_175, %dma_start3A_180, %dma_start3A_181] : memref<6x240x721xf32, #tpu.memory_space<vmem_shared>> -> memref<1x240x721xf32, #tpu.memory_space<vmem_shared>>
    %dma_start3A_183 = tpu.memref_squeeze %dma_start3A_182 : memref<1x240x721xf32, #tpu.memory_space<vmem_shared>> -> memref<240x721xf32, #tpu.memory_space<vmem_shared>>
    tpu.enqueue_dma source(%dma_start3A_183 : memref<240x721xf32, #tpu.memory_space<vmem_shared>>) target(%dma_start3A_179 : memref<240x721xf32, #tpu.memory_space<hbm>>) target_semaphore(%arg26 : memref<!tpu.dma_semaphore, #tpu.memory_space<semaphore_mem>>)
    %dma_wait3A_184 = arith.constant 0 : i32
    %dma_wait3A_185 = arith.constant 0 : i32
    %dma_wait3A_186 = arith.constant 0 : i32
    %dma_wait3A_187 = tpu.memref_slice %arg15[%dma_wait3A_185, %add3A_87, %dma_wait3A_186] : memref<13x1440x721xf32, #tpu.memory_space<hbm>> -> memref<1x240x721xf32, #tpu.memory_space<hbm>>
    %dma_wait3A_188 = tpu.memref_squeeze %dma_wait3A_187 : memref<1x240x721xf32, #tpu.memory_space<hbm>> -> memref<240x721xf32, #tpu.memory_space<hbm>>
    %dma_wait3A_189 = arith.constant 0 : i32
    %dma_wait3A_190 = arith.constant 0 : i32
    %dma_wait3A_191 = tpu.memref_slice %arg16[%dma_wait3A_184, %dma_wait3A_189, %dma_wait3A_190] : memref<6x240x721xf32, #tpu.memory_space<vmem_shared>> -> memref<1x240x721xf32, #tpu.memory_space<vmem_shared>>
    %dma_wait3A_192 = tpu.memref_squeeze %dma_wait3A_191 : memref<1x240x721xf32, #tpu.memory_space<vmem_shared>> -> memref<240x721xf32, #tpu.memory_space<vmem_shared>>
    tpu.wait_dma2 semaphore(%arg23 : memref<!tpu.dma_semaphore, #tpu.memory_space<semaphore_mem>>) src(%dma_wait3A_192 : memref<240x721xf32, #tpu.memory_space<vmem_shared>>) dst(%dma_wait3A_188 : memref<240x721xf32, #tpu.memory_space<hbm>>)
    %add3A_193 = arith.constant 0 : i32
    %add3A_194 = arith.addi %multiple_of3A, %add3A_193 : i32
    %dma_start3A_195 = arith.constant 0 : i32
    %dma_start3A_196 = arith.constant 0 : i32
    %dma_start3A_197 = arith.constant 0 : i32
    %dma_start3A_198 = tpu.memref_slice %arg16[%dma_start3A_195, %dma_start3A_196, %dma_start3A_197] : memref<6x240x721xf32, #tpu.memory_space<vmem_shared>> -> memref<1x240x721xf32, #tpu.memory_space<vmem_shared>>
    %dma_start3A_199 = tpu.memref_squeeze %dma_start3A_198 : memref<1x240x721xf32, #tpu.memory_space<vmem_shared>> -> memref<240x721xf32, #tpu.memory_space<vmem_shared>>
    %dma_start3A_200 = arith.constant 0 : i32
    %dma_start3A_201 = tpu.memref_slice %arg1[%get3A_19, %add3A_194, %dma_start3A_200] : memref<37x1440x721xf32, #tpu.memory_space<hbm>> -> memref<1x240x721xf32, #tpu.memory_space<hbm>>
    %dma_start3A_202 = tpu.memref_squeeze %dma_start3A_201 : memref<1x240x721xf32, #tpu.memory_space<hbm>> -> memref<240x721xf32, #tpu.memory_space<hbm>>
    tpu.enqueue_dma source(%dma_start3A_202 : memref<240x721xf32, #tpu.memory_space<hbm>>) target(%dma_start3A_199 : memref<240x721xf32, #tpu.memory_space<vmem_shared>>) target_semaphore(%arg17 : memref<!tpu.dma_semaphore, #tpu.memory_space<semaphore_mem>>)
    %dma_wait3A_203 = arith.constant 4 : i32
    %dma_wait3A_204 = arith.constant 0 : i32
    %dma_wait3A_205 = arith.constant 0 : i32
    %dma_wait3A_206 = tpu.memref_slice %arg16[%dma_wait3A_203, %dma_wait3A_204, %dma_wait3A_205] : memref<6x240x721xf32, #tpu.memory_space<vmem_shared>> -> memref<1x240x721xf32, #tpu.memory_space<vmem_shared>>
    %dma_wait3A_207 = tpu.memref_squeeze %dma_wait3A_206 : memref<1x240x721xf32, #tpu.memory_space<vmem_shared>> -> memref<240x721xf32, #tpu.memory_space<vmem_shared>>
    %dma_wait3A_208 = arith.constant 0 : i32
    %dma_wait3A_209 = tpu.memref_slice %arg1[%get3A_16, %add3A_127, %dma_wait3A_208] : memref<37x1440x721xf32, #tpu.memory_space<hbm>> -> memref<1x240x721xf32, #tpu.memory_space<hbm>>
    %dma_wait3A_210 = tpu.memref_squeeze %dma_wait3A_209 : memref<1x240x721xf32, #tpu.memory_space<hbm>> -> memref<240x721xf32, #tpu.memory_space<hbm>>
    tpu.wait_dma2 semaphore(%arg21 : memref<!tpu.dma_semaphore, #tpu.memory_space<semaphore_mem>>) src(%dma_wait3A_210 : memref<240x721xf32, #tpu.memory_space<hbm>>) dst(%dma_wait3A_207 : memref<240x721xf32, #tpu.memory_space<vmem_shared>>)
    %add3A_211 = arith.constant 240 : i32
    %add3A_212 = arith.addi %multiple_of3A, %add3A_211 : i32
    %dma_start3A_213 = arith.constant 4 : i32
    %dma_start3A_214 = arith.constant 1 : i32
    %dma_start3A_215 = arith.constant 0 : i32
    %dma_start3A_216 = tpu.memref_slice %arg15[%dma_start3A_214, %add3A_212, %dma_start3A_215] : memref<13x1440x721xf32, #tpu.memory_space<hbm>> -> memref<1x240x721xf32, #tpu.memory_space<hbm>>
    %dma_start3A_217 = tpu.memref_squeeze %dma_start3A_216 : memref<1x240x721xf32, #tpu.memory_space<hbm>> -> memref<240x721xf32, #tpu.memory_space<hbm>>
    %dma_start3A_218 = arith.constant 0 : i32
    %dma_start3A_219 = arith.constant 0 : i32
    %dma_start3A_220 = tpu.memref_slice %arg16[%dma_start3A_213, %dma_start3A_218, %dma_start3A_219] : memref<6x240x721xf32, #tpu.memory_space<vmem_shared>> -> memref<1x240x721xf32, #tpu.memory_space<vmem_shared>>
    %dma_start3A_221 = tpu.memref_squeeze %dma_start3A_220 : memref<1x240x721xf32, #tpu.memory_space<vmem_shared>> -> memref<240x721xf32, #tpu.memory_space<vmem_shared>>
    tpu.enqueue_dma source(%dma_start3A_221 : memref<240x721xf32, #tpu.memory_space<vmem_shared>>) target(%dma_start3A_217 : memref<240x721xf32, #tpu.memory_space<hbm>>) target_semaphore(%arg27 : memref<!tpu.dma_semaphore, #tpu.memory_space<semaphore_mem>>)
    %dma_wait3A_222 = arith.constant 1 : i32
    %dma_wait3A_223 = arith.constant 0 : i32
    %dma_wait3A_224 = arith.constant 0 : i32
    %dma_wait3A_225 = tpu.memref_slice %arg15[%dma_wait3A_223, %add3A_116, %dma_wait3A_224] : memref<13x1440x721xf32, #tpu.memory_space<hbm>> -> memref<1x240x721xf32, #tpu.memory_space<hbm>>
    %dma_wait3A_226 = tpu.memref_squeeze %dma_wait3A_225 : memref<1x240x721xf32, #tpu.memory_space<hbm>> -> memref<240x721xf32, #tpu.memory_space<hbm>>
    %dma_wait3A_227 = arith.constant 0 : i32
    %dma_wait3A_228 = arith.constant 0 : i32
    %dma_wait3A_229 = tpu.memref_slice %arg16[%dma_wait3A_222, %dma_wait3A_227, %dma_wait3A_228] : memref<6x240x721xf32, #tpu.memory_space<vmem_shared>> -> memref<1x240x721xf32, #tpu.memory_space<vmem_shared>>
    %dma_wait3A_230 = tpu.memref_squeeze %dma_wait3A_229 : memref<1x240x721xf32, #tpu.memory_space<vmem_shared>> -> memref<240x721xf32, #tpu.memory_space<vmem_shared>>
    tpu.wait_dma2 semaphore(%arg24 : memref<!tpu.dma_semaphore, #tpu.memory_space<semaphore_mem>>) src(%dma_wait3A_230 : memref<240x721xf32, #tpu.memory_space<vmem_shared>>) dst(%dma_wait3A_226 : memref<240x721xf32, #tpu.memory_space<hbm>>)
    %add3A_231 = arith.constant 240 : i32
    %add3A_232 = arith.addi %multiple_of3A, %add3A_231 : i32
    %dma_start3A_233 = arith.constant 1 : i32
    %dma_start3A_234 = arith.constant 0 : i32
    %dma_start3A_235 = arith.constant 0 : i32
    %dma_start3A_236 = tpu.memref_slice %arg16[%dma_start3A_233, %dma_start3A_234, %dma_start3A_235] : memref<6x240x721xf32, #tpu.memory_space<vmem_shared>> -> memref<1x240x721xf32, #tpu.memory_space<vmem_shared>>
    %dma_start3A_237 = tpu.memref_squeeze %dma_start3A_236 : memref<1x240x721xf32, #tpu.memory_space<vmem_shared>> -> memref<240x721xf32, #tpu.memory_space<vmem_shared>>
    %dma_start3A_238 = arith.constant 0 : i32
    %dma_start3A_239 = tpu.memref_slice %arg1[%get3A_19, %add3A_232, %dma_start3A_238] : memref<37x1440x721xf32, #tpu.memory_space<hbm>> -> memref<1x240x721xf32, #tpu.memory_space<hbm>>
    %dma_start3A_240 = tpu.memref_squeeze %dma_start3A_239 : memref<1x240x721xf32, #tpu.memory_space<hbm>> -> memref<240x721xf32, #tpu.memory_space<hbm>>
    tpu.enqueue_dma source(%dma_start3A_240 : memref<240x721xf32, #tpu.memory_space<hbm>>) target(%dma_start3A_237 : memref<240x721xf32, #tpu.memory_space<vmem_shared>>) target_semaphore(%arg18 : memref<!tpu.dma_semaphore, #tpu.memory_space<semaphore_mem>>)
    %dma_wait3A_241 = arith.constant 5 : i32
    %dma_wait3A_242 = arith.constant 0 : i32
    %dma_wait3A_243 = arith.constant 0 : i32
    %dma_wait3A_244 = tpu.memref_slice %arg16[%dma_wait3A_241, %dma_wait3A_242, %dma_wait3A_243] : memref<6x240x721xf32, #tpu.memory_space<vmem_shared>> -> memref<1x240x721xf32, #tpu.memory_space<vmem_shared>>
    %dma_wait3A_245 = tpu.memref_squeeze %dma_wait3A_244 : memref<1x240x721xf32, #tpu.memory_space<vmem_shared>> -> memref<240x721xf32, #tpu.memory_space<vmem_shared>>
    %dma_wait3A_246 = arith.constant 0 : i32
    %dma_wait3A_247 = tpu.memref_slice %arg1[%get3A_16, %add3A_156, %dma_wait3A_246] : memref<37x1440x721xf32, #tpu.memory_space<hbm>> -> memref<1x240x721xf32, #tpu.memory_space<hbm>>
    %dma_wait3A_248 = tpu.memref_squeeze %dma_wait3A_247 : memref<1x240x721xf32, #tpu.memory_space<hbm>> -> memref<240x721xf32, #tpu.memory_space<hbm>>
    tpu.wait_dma2 semaphore(%arg22 : memref<!tpu.dma_semaphore, #tpu.memory_space<semaphore_mem>>) src(%dma_wait3A_248 : memref<240x721xf32, #tpu.memory_space<hbm>>) dst(%dma_wait3A_245 : memref<240x721xf32, #tpu.memory_space<vmem_shared>>)
    %add3A_249 = arith.constant 480 : i32
    %add3A_250 = arith.addi %multiple_of3A, %add3A_249 : i32
    %dma_start3A_251 = arith.constant 5 : i32
    %dma_start3A_252 = arith.constant 1 : i32
    %dma_start3A_253 = arith.constant 0 : i32
    %dma_start3A_254 = tpu.memref_slice %arg15[%dma_start3A_252, %add3A_250, %dma_start3A_253] : memref<13x1440x721xf32, #tpu.memory_space<hbm>> -> memref<1x240x721xf32, #tpu.memory_space<hbm>>
    %dma_start3A_255 = tpu.memref_squeeze %dma_start3A_254 : memref<1x240x721xf32, #tpu.memory_space<hbm>> -> memref<240x721xf32, #tpu.memory_space<hbm>>
    %dma_start3A_256 = arith.constant 0 : i32
    %dma_start3A_257 = arith.constant 0 : i32
    %dma_start3A_258 = tpu.memref_slice %arg16[%dma_start3A_251, %dma_start3A_256, %dma_start3A_257] : memref<6x240x721xf32, #tpu.memory_space<vmem_shared>> -> memref<1x240x721xf32, #tpu.memory_space<vmem_shared>>
    %dma_start3A_259 = tpu.memref_squeeze %dma_start3A_258 : memref<1x240x721xf32, #tpu.memory_space<vmem_shared>> -> memref<240x721xf32, #tpu.memory_space<vmem_shared>>
    tpu.enqueue_dma source(%dma_start3A_259 : memref<240x721xf32, #tpu.memory_space<vmem_shared>>) target(%dma_start3A_255 : memref<240x721xf32, #tpu.memory_space<hbm>>) target_semaphore(%arg28 : memref<!tpu.dma_semaphore, #tpu.memory_space<semaphore_mem>>)
    %dma_wait3A_260 = arith.constant 2 : i32
    %dma_wait3A_261 = arith.constant 0 : i32
    %dma_wait3A_262 = arith.constant 0 : i32
    %dma_wait3A_263 = tpu.memref_slice %arg15[%dma_wait3A_261, %add3A_145, %dma_wait3A_262] : memref<13x1440x721xf32, #tpu.memory_space<hbm>> -> memref<1x240x721xf32, #tpu.memory_space<hbm>>
    %dma_wait3A_264 = tpu.memref_squeeze %dma_wait3A_263 : memref<1x240x721xf32, #tpu.memory_space<hbm>> -> memref<240x721xf32, #tpu.memory_space<hbm>>
    %dma_wait3A_265 = arith.constant 0 : i32
    %dma_wait3A_266 = arith.constant 0 : i32
    %dma_wait3A_267 = tpu.memref_slice %arg16[%dma_wait3A_260, %dma_wait3A_265, %dma_wait3A_266] : memref<6x240x721xf32, #tpu.memory_space<vmem_shared>> -> memref<1x240x721xf32, #tpu.memory_space<vmem_shared>>
    %dma_wait3A_268 = tpu.memref_squeeze %dma_wait3A_267 : memref<1x240x721xf32, #tpu.memory_space<vmem_shared>> -> memref<240x721xf32, #tpu.memory_space<vmem_shared>>
    tpu.wait_dma2 semaphore(%arg25 : memref<!tpu.dma_semaphore, #tpu.memory_space<semaphore_mem>>) src(%dma_wait3A_268 : memref<240x721xf32, #tpu.memory_space<vmem_shared>>) dst(%dma_wait3A_264 : memref<240x721xf32, #tpu.memory_space<hbm>>)
    %add3A_269 = arith.constant 480 : i32
    %add3A_270 = arith.addi %multiple_of3A, %add3A_269 : i32
    %dma_start3A_271 = arith.constant 2 : i32
    %dma_start3A_272 = arith.constant 0 : i32
    %dma_start3A_273 = arith.constant 0 : i32
    %dma_start3A_274 = tpu.memref_slice %arg16[%dma_start3A_271, %dma_start3A_272, %dma_start3A_273] : memref<6x240x721xf32, #tpu.memory_space<vmem_shared>> -> memref<1x240x721xf32, #tpu.memory_space<vmem_shared>>
    %dma_start3A_275 = tpu.memref_squeeze %dma_start3A_274 : memref<1x240x721xf32, #tpu.memory_space<vmem_shared>> -> memref<240x721xf32, #tpu.memory_space<vmem_shared>>
    %dma_start3A_276 = arith.constant 0 : i32
    %dma_start3A_277 = tpu.memref_slice %arg1[%get3A_19, %add3A_270, %dma_start3A_276] : memref<37x1440x721xf32, #tpu.memory_space<hbm>> -> memref<1x240x721xf32, #tpu.memory_space<hbm>>
    %dma_start3A_278 = tpu.memref_squeeze %dma_start3A_277 : memref<1x240x721xf32, #tpu.memory_space<hbm>> -> memref<240x721xf32, #tpu.memory_space<hbm>>
    tpu.enqueue_dma source(%dma_start3A_278 : memref<240x721xf32, #tpu.memory_space<hbm>>) target(%dma_start3A_275 : memref<240x721xf32, #tpu.memory_space<vmem_shared>>) target_semaphore(%arg19 : memref<!tpu.dma_semaphore, #tpu.memory_space<semaphore_mem>>)
    %dma_wait3A_279 = arith.constant 0 : i32
    %dma_wait3A_280 = arith.constant 0 : i32
    %dma_wait3A_281 = arith.constant 0 : i32
    %dma_wait3A_282 = tpu.memref_slice %arg16[%dma_wait3A_279, %dma_wait3A_280, %dma_wait3A_281] : memref<6x240x721xf32, #tpu.memory_space<vmem_shared>> -> memref<1x240x721xf32, #tpu.memory_space<vmem_shared>>
    %dma_wait3A_283 = tpu.memref_squeeze %dma_wait3A_282 : memref<1x240x721xf32, #tpu.memory_space<vmem_shared>> -> memref<240x721xf32, #tpu.memory_space<vmem_shared>>
    %dma_wait3A_284 = arith.constant 0 : i32
    %dma_wait3A_285 = tpu.memref_slice %arg1[%get3A_19, %add3A_194, %dma_wait3A_284] : memref<37x1440x721xf32, #tpu.memory_space<hbm>> -> memref<1x240x721xf32, #tpu.memory_space<hbm>>
    %dma_wait3A_286 = tpu.memref_squeeze %dma_wait3A_285 : memref<1x240x721xf32, #tpu.memory_space<hbm>> -> memref<240x721xf32, #tpu.memory_space<hbm>>
    tpu.wait_dma2 semaphore(%arg17 : memref<!tpu.dma_semaphore, #tpu.memory_space<semaphore_mem>>) src(%dma_wait3A_286 : memref<240x721xf32, #tpu.memory_space<hbm>>) dst(%dma_wait3A_283 : memref<240x721xf32, #tpu.memory_space<vmem_shared>>)
    %add3A_287 = arith.constant 0 : i32
    %add3A_288 = arith.addi %multiple_of3A, %add3A_287 : i32
    %dma_start3A_289 = arith.constant 0 : i32
    %dma_start3A_290 = arith.constant 2 : i32
    %dma_start3A_291 = arith.constant 0 : i32
    %dma_start3A_292 = tpu.memref_slice %arg15[%dma_start3A_290, %add3A_288, %dma_start3A_291] : memref<13x1440x721xf32, #tpu.memory_space<hbm>> -> memref<1x240x721xf32, #tpu.memory_space<hbm>>
    %dma_start3A_293 = tpu.memref_squeeze %dma_start3A_292 : memref<1x240x721xf32, #tpu.memory_space<hbm>> -> memref<240x721xf32, #tpu.memory_space<hbm>>
    %dma_start3A_294 = arith.constant 0 : i32
    %dma_start3A_295 = arith.constant 0 : i32
    %dma_start3A_296 = tpu.memref_slice %arg16[%dma_start3A_289, %dma_start3A_294, %dma_start3A_295] : memref<6x240x721xf32, #tpu.memory_space<vmem_shared>> -> memref<1x240x721xf32, #tpu.memory_space<vmem_shared>>
    %dma_start3A_297 = tpu.memref_squeeze %dma_start3A_296 : memref<1x240x721xf32, #tpu.memory_space<vmem_shared>> -> memref<240x721xf32, #tpu.memory_space<vmem_shared>>
    tpu.enqueue_dma source(%dma_start3A_297 : memref<240x721xf32, #tpu.memory_space<vmem_shared>>) target(%dma_start3A_293 : memref<240x721xf32, #tpu.memory_space<hbm>>) target_semaphore(%arg23 : memref<!tpu.dma_semaphore, #tpu.memory_space<semaphore_mem>>)
    %dma_wait3A_298 = arith.constant 3 : i32
    %dma_wait3A_299 = arith.constant 1 : i32
    %dma_wait3A_300 = arith.constant 0 : i32
    %dma_wait3A_301 = tpu.memref_slice %arg15[%dma_wait3A_299, %add3A_174, %dma_wait3A_300] : memref<13x1440x721xf32, #tpu.memory_space<hbm>> -> memref<1x240x721xf32, #tpu.memory_space<hbm>>
    %dma_wait3A_302 = tpu.memref_squeeze %dma_wait3A_301 : memref<1x240x721xf32, #tpu.memory_space<hbm>> -> memref<240x721xf32, #tpu.memory_space<hbm>>
    %dma_wait3A_303 = arith.constant 0 : i32
    %dma_wait3A_304 = arith.constant 0 : i32
    %dma_wait3A_305 = tpu.memref_slice %arg16[%dma_wait3A_298, %dma_wait3A_303, %dma_wait3A_304] : memref<6x240x721xf32, #tpu.memory_space<vmem_shared>> -> memref<1x240x721xf32, #tpu.memory_space<vmem_shared>>
    %dma_wait3A_306 = tpu.memref_squeeze %dma_wait3A_305 : memref<1x240x721xf32, #tpu.memory_space<vmem_shared>> -> memref<240x721xf32, #tpu.memory_space<vmem_shared>>
    tpu.wait_dma2 semaphore(%arg26 : memref<!tpu.dma_semaphore, #tpu.memory_space<semaphore_mem>>) src(%dma_wait3A_306 : memref<240x721xf32, #tpu.memory_space<vmem_shared>>) dst(%dma_wait3A_302 : memref<240x721xf32, #tpu.memory_space<hbm>>)
    %add3A_307 = arith.constant 0 : i32
    %add3A_308 = arith.addi %multiple_of3A, %add3A_307 : i32
    %dma_start3A_309 = arith.constant 3 : i32
    %dma_start3A_310 = arith.constant 0 : i32
    %dma_start3A_311 = arith.constant 0 : i32
    %dma_start3A_312 = tpu.memref_slice %arg16[%dma_start3A_309, %dma_start3A_310, %dma_start3A_311] : memref<6x240x721xf32, #tpu.memory_space<vmem_shared>> -> memref<1x240x721xf32, #tpu.memory_space<vmem_shared>>
    %dma_start3A_313 = tpu.memref_squeeze %dma_start3A_312 : memref<1x240x721xf32, #tpu.memory_space<vmem_shared>> -> memref<240x721xf32, #tpu.memory_space<vmem_shared>>
    %dma_start3A_314 = arith.constant 0 : i32
    %dma_start3A_315 = tpu.memref_slice %arg1[%get3A_22, %add3A_308, %dma_start3A_314] : memref<37x1440x721xf32, #tpu.memory_space<hbm>> -> memref<1x240x721xf32, #tpu.memory_space<hbm>>
    %dma_start3A_316 = tpu.memref_squeeze %dma_start3A_315 : memref<1x240x721xf32, #tpu.memory_space<hbm>> -> memref<240x721xf32, #tpu.memory_space<hbm>>
    tpu.enqueue_dma source(%dma_start3A_316 : memref<240x721xf32, #tpu.memory_space<hbm>>) target(%dma_start3A_313 : memref<240x721xf32, #tpu.memory_space<vmem_shared>>) target_semaphore(%arg20 : memref<!tpu.dma_semaphore, #tpu.memory_space<semaphore_mem>>)
    %dma_wait3A_317 = arith.constant 1 : i32
    %dma_wait3A_318 = arith.constant 0 : i32
    %dma_wait3A_319 = arith.constant 0 : i32
    %dma_wait3A_320 = tpu.memref_slice %arg16[%dma_wait3A_317, %dma_wait3A_318, %dma_wait3A_319] : memref<6x240x721xf32, #tpu.memory_space<vmem_shared>> -> memref<1x240x721xf32, #tpu.memory_space<vmem_shared>>
    %dma_wait3A_321 = tpu.memref_squeeze %dma_wait3A_320 : memref<1x240x721xf32, #tpu.memory_space<vmem_shared>> -> memref<240x721xf32, #tpu.memory_space<vmem_shared>>
    %dma_wait3A_322 = arith.constant 0 : i32
    %dma_wait3A_323 = tpu.memref_slice %arg1[%get3A_19, %add3A_232, %dma_wait3A_322] : memref<37x1440x721xf32, #tpu.memory_space<hbm>> -> memref<1x240x721xf32, #tpu.memory_space<hbm>>
    %dma_wait3A_324 = tpu.memref_squeeze %dma_wait3A_323 : memref<1x240x721xf32, #tpu.memory_space<hbm>> -> memref<240x721xf32, #tpu.memory_space<hbm>>
    tpu.wait_dma2 semaphore(%arg18 : memref<!tpu.dma_semaphore, #tpu.memory_space<semaphore_mem>>) src(%dma_wait3A_324 : memref<240x721xf32, #tpu.memory_space<hbm>>) dst(%dma_wait3A_321 : memref<240x721xf32, #tpu.memory_space<vmem_shared>>)
    %add3A_325 = arith.constant 240 : i32
    %add3A_326 = arith.addi %multiple_of3A, %add3A_325 : i32
    %dma_start3A_327 = arith.constant 1 : i32
    %dma_start3A_328 = arith.constant 2 : i32
    %dma_start3A_329 = arith.constant 0 : i32
    %dma_start3A_330 = tpu.memref_slice %arg15[%dma_start3A_328, %add3A_326, %dma_start3A_329] : memref<13x1440x721xf32, #tpu.memory_space<hbm>> -> memref<1x240x721xf32, #tpu.memory_space<hbm>>
    %dma_start3A_331 = tpu.memref_squeeze %dma_start3A_330 : memref<1x240x721xf32, #tpu.memory_space<hbm>> -> memref<240x721xf32, #tpu.memory_space<hbm>>
    %dma_start3A_332 = arith.constant 0 : i32
    %dma_start3A_333 = arith.constant 0 : i32
    %dma_start3A_334 = tpu.memref_slice %arg16[%dma_start3A_327, %dma_start3A_332, %dma_start3A_333] : memref<6x240x721xf32, #tpu.memory_space<vmem_shared>> -> memref<1x240x721xf32, #tpu.memory_space<vmem_shared>>
    %dma_start3A_335 = tpu.memref_squeeze %dma_start3A_334 : memref<1x240x721xf32, #tpu.memory_space<vmem_shared>> -> memref<240x721xf32, #tpu.memory_space<vmem_shared>>
    tpu.enqueue_dma source(%dma_start3A_335 : memref<240x721xf32, #tpu.memory_space<vmem_shared>>) target(%dma_start3A_331 : memref<240x721xf32, #tpu.memory_space<hbm>>) target_semaphore(%arg24 : memref<!tpu.dma_semaphore, #tpu.memory_space<semaphore_mem>>)
    %dma_wait3A_336 = arith.constant 4 : i32
    %dma_wait3A_337 = arith.constant 1 : i32
    %dma_wait3A_338 = arith.constant 0 : i32
    %dma_wait3A_339 = tpu.memref_slice %arg15[%dma_wait3A_337, %add3A_212, %dma_wait3A_338] : memref<13x1440x721xf32, #tpu.memory_space<hbm>> -> memref<1x240x721xf32, #tpu.memory_space<hbm>>
    %dma_wait3A_340 = tpu.memref_squeeze %dma_wait3A_339 : memref<1x240x721xf32, #tpu.memory_space<hbm>> -> memref<240x721xf32, #tpu.memory_space<hbm>>
    %dma_wait3A_341 = arith.constant 0 : i32
    %dma_wait3A_342 = arith.constant 0 : i32
    %dma_wait3A_343 = tpu.memref_slice %arg16[%dma_wait3A_336, %dma_wait3A_341, %dma_wait3A_342] : memref<6x240x721xf32, #tpu.memory_space<vmem_shared>> -> memref<1x240x721xf32, #tpu.memory_space<vmem_shared>>
    %dma_wait3A_344 = tpu.memref_squeeze %dma_wait3A_343 : memref<1x240x721xf32, #tpu.memory_space<vmem_shared>> -> memref<240x721xf32, #tpu.memory_space<vmem_shared>>
    tpu.wait_dma2 semaphore(%arg27 : memref<!tpu.dma_semaphore, #tpu.memory_space<semaphore_mem>>) src(%dma_wait3A_344 : memref<240x721xf32, #tpu.memory_space<vmem_shared>>) dst(%dma_wait3A_340 : memref<240x721xf32, #tpu.memory_space<hbm>>)
    %add3A_345 = arith.constant 240 : i32
    %add3A_346 = arith.addi %multiple_of3A, %add3A_345 : i32
    %dma_start3A_347 = arith.constant 4 : i32
    %dma_start3A_348 = arith.constant 0 : i32
    %dma_start3A_349 = arith.constant 0 : i32
    %dma_start3A_350 = tpu.memref_slice %arg16[%dma_start3A_347, %dma_start3A_348, %dma_start3A_349] : memref<6x240x721xf32, #tpu.memory_space<vmem_shared>> -> memref<1x240x721xf32, #tpu.memory_space<vmem_shared>>
    %dma_start3A_351 = tpu.memref_squeeze %dma_start3A_350 : memref<1x240x721xf32, #tpu.memory_space<vmem_shared>> -> memref<240x721xf32, #tpu.memory_space<vmem_shared>>
    %dma_start3A_352 = arith.constant 0 : i32
    %dma_start3A_353 = tpu.memref_slice %arg1[%get3A_22, %add3A_346, %dma_start3A_352] : memref<37x1440x721xf32, #tpu.memory_space<hbm>> -> memref<1x240x721xf32, #tpu.memory_space<hbm>>
    %dma_start3A_354 = tpu.memref_squeeze %dma_start3A_353 : memref<1x240x721xf32, #tpu.memory_space<hbm>> -> memref<240x721xf32, #tpu.memory_space<hbm>>
    tpu.enqueue_dma source(%dma_start3A_354 : memref<240x721xf32, #tpu.memory_space<hbm>>) target(%dma_start3A_351 : memref<240x721xf32, #tpu.memory_space<vmem_shared>>) target_semaphore(%arg21 : memref<!tpu.dma_semaphore, #tpu.memory_space<semaphore_mem>>)
    %dma_wait3A_355 = arith.constant 2 : i32
    %dma_wait3A_356 = arith.constant 0 : i32
    %dma_wait3A_357 = arith.constant 0 : i32
    %dma_wait3A_358 = tpu.memref_slice %arg16[%dma_wait3A_355, %dma_wait3A_356, %dma_wait3A_357] : memref<6x240x721xf32, #tpu.memory_space<vmem_shared>> -> memref<1x240x721xf32, #tpu.memory_space<vmem_shared>>
    %dma_wait3A_359 = tpu.memref_squeeze %dma_wait3A_358 : memref<1x240x721xf32, #tpu.memory_space<vmem_shared>> -> memref<240x721xf32, #tpu.memory_space<vmem_shared>>
    %dma_wait3A_360 = arith.constant 0 : i32
    %dma_wait3A_361 = tpu.memref_slice %arg1[%get3A_19, %add3A_270, %dma_wait3A_360] : memref<37x1440x721xf32, #tpu.memory_space<hbm>> -> memref<1x240x721xf32, #tpu.memory_space<hbm>>
    %dma_wait3A_362 = tpu.memref_squeeze %dma_wait3A_361 : memref<1x240x721xf32, #tpu.memory_space<hbm>> -> memref<240x721xf32, #tpu.memory_space<hbm>>
    tpu.wait_dma2 semaphore(%arg19 : memref<!tpu.dma_semaphore, #tpu.memory_space<semaphore_mem>>) src(%dma_wait3A_362 : memref<240x721xf32, #tpu.memory_space<hbm>>) dst(%dma_wait3A_359 : memref<240x721xf32, #tpu.memory_space<vmem_shared>>)
    %add3A_363 = arith.constant 480 : i32
    %add3A_364 = arith.addi %multiple_of3A, %add3A_363 : i32
    %dma_start3A_365 = arith.constant 2 : i32
    %dma_start3A_366 = arith.constant 2 : i32
    %dma_start3A_367 = arith.constant 0 : i32
    %dma_start3A_368 = tpu.memref_slice %arg15[%dma_start3A_366, %add3A_364, %dma_start3A_367] : memref<13x1440x721xf32, #tpu.memory_space<hbm>> -> memref<1x240x721xf32, #tpu.memory_space<hbm>>
    %dma_start3A_369 = tpu.memref_squeeze %dma_start3A_368 : memref<1x240x721xf32, #tpu.memory_space<hbm>> -> memref<240x721xf32, #tpu.memory_space<hbm>>
    %dma_start3A_370 = arith.constant 0 : i32
    %dma_start3A_371 = arith.constant 0 : i32
    %dma_start3A_372 = tpu.memref_slice %arg16[%dma_start3A_365, %dma_start3A_370, %dma_start3A_371] : memref<6x240x721xf32, #tpu.memory_space<vmem_shared>> -> memref<1x240x721xf32, #tpu.memory_space<vmem_shared>>
    %dma_start3A_373 = tpu.memref_squeeze %dma_start3A_372 : memref<1x240x721xf32, #tpu.memory_space<vmem_shared>> -> memref<240x721xf32, #tpu.memory_space<vmem_shared>>
    tpu.enqueue_dma source(%dma_start3A_373 : memref<240x721xf32, #tpu.memory_space<vmem_shared>>) target(%dma_start3A_369 : memref<240x721xf32, #tpu.memory_space<hbm>>) target_semaphore(%arg25 : memref<!tpu.dma_semaphore, #tpu.memory_space<semaphore_mem>>)
    %dma_wait3A_374 = arith.constant 5 : i32
    %dma_wait3A_375 = arith.constant 1 : i32
    %dma_wait3A_376 = arith.constant 0 : i32
    %dma_wait3A_377 = tpu.memref_slice %arg15[%dma_wait3A_375, %add3A_250, %dma_wait3A_376] : memref<13x1440x721xf32, #tpu.memory_space<hbm>> -> memref<1x240x721xf32, #tpu.memory_space<hbm>>
    %dma_wait3A_378 = tpu.memref_squeeze %dma_wait3A_377 : memref<1x240x721xf32, #tpu.memory_space<hbm>> -> memref<240x721xf32, #tpu.memory_space<hbm>>
    %dma_wait3A_379 = arith.constant 0 : i32
    %dma_wait3A_380 = arith.constant 0 : i32
    %dma_wait3A_381 = tpu.memref_slice %arg16[%dma_wait3A_374, %dma_wait3A_379, %dma_wait3A_380] : memref<6x240x721xf32, #tpu.memory_space<vmem_shared>> -> memref<1x240x721xf32, #tpu.memory_space<vmem_shared>>
    %dma_wait3A_382 = tpu.memref_squeeze %dma_wait3A_381 : memref<1x240x721xf32, #tpu.memory_space<vmem_shared>> -> memref<240x721xf32, #tpu.memory_space<vmem_shared>>
    tpu.wait_dma2 semaphore(%arg28 : memref<!tpu.dma_semaphore, #tpu.memory_space<semaphore_mem>>) src(%dma_wait3A_382 : memref<240x721xf32, #tpu.memory_space<vmem_shared>>) dst(%dma_wait3A_378 : memref<240x721xf32, #tpu.memory_space<hbm>>)
    %add3A_383 = arith.constant 480 : i32
    %add3A_384 = arith.addi %multiple_of3A, %add3A_383 : i32
    %dma_start3A_385 = arith.constant 5 : i32
    %dma_start3A_386 = arith.constant 0 : i32
    %dma_start3A_387 = arith.constant 0 : i32
    %dma_start3A_388 = tpu.memref_slice %arg16[%dma_start3A_385, %dma_start3A_386, %dma_start3A_387] : memref<6x240x721xf32, #tpu.memory_space<vmem_shared>> -> memref<1x240x721xf32, #tpu.memory_space<vmem_shared>>
    %dma_start3A_389 = tpu.memref_squeeze %dma_start3A_388 : memref<1x240x721xf32, #tpu.memory_space<vmem_shared>> -> memref<240x721xf32, #tpu.memory_space<vmem_shared>>
    %dma_start3A_390 = arith.constant 0 : i32
    %dma_start3A_391 = tpu.memref_slice %arg1[%get3A_22, %add3A_384, %dma_start3A_390] : memref<37x1440x721xf32, #tpu.memory_space<hbm>> -> memref<1x240x721xf32, #tpu.memory_space<hbm>>
    %dma_start3A_392 = tpu.memref_squeeze %dma_start3A_391 : memref<1x240x721xf32, #tpu.memory_space<hbm>> -> memref<240x721xf32, #tpu.memory_space<hbm>>
    tpu.enqueue_dma source(%dma_start3A_392 : memref<240x721xf32, #tpu.memory_space<hbm>>) target(%dma_start3A_389 : memref<240x721xf32, #tpu.memory_space<vmem_shared>>) target_semaphore(%arg22 : memref<!tpu.dma_semaphore, #tpu.memory_space<semaphore_mem>>)
    %dma_wait3A_393 = arith.constant 3 : i32
    %dma_wait3A_394 = arith.constant 0 : i32
    %dma_wait3A_395 = arith.constant 0 : i32
    %dma_wait3A_396 = tpu.memref_slice %arg16[%dma_wait3A_393, %dma_wait3A_394, %dma_wait3A_395] : memref<6x240x721xf32, #tpu.memory_space<vmem_shared>> -> memref<1x240x721xf32, #tpu.memory_space<vmem_shared>>
    %dma_wait3A_397 = tpu.memref_squeeze %dma_wait3A_396 : memref<1x240x721xf32, #tpu.memory_space<vmem_shared>> -> memref<240x721xf32, #tpu.memory_space<vmem_shared>>
    %dma_wait3A_398 = arith.constant 0 : i32
    %dma_wait3A_399 = tpu.memref_slice %arg1[%get3A_22, %add3A_308, %dma_wait3A_398] : memref<37x1440x721xf32, #tpu.memory_space<hbm>> -> memref<1x240x721xf32, #tpu.memory_space<hbm>>
    %dma_wait3A_400 = tpu.memref_squeeze %dma_wait3A_399 : memref<1x240x721xf32, #tpu.memory_space<hbm>> -> memref<240x721xf32, #tpu.memory_space<hbm>>
    tpu.wait_dma2 semaphore(%arg20 : memref<!tpu.dma_semaphore, #tpu.memory_space<semaphore_mem>>) src(%dma_wait3A_400 : memref<240x721xf32, #tpu.memory_space<hbm>>) dst(%dma_wait3A_397 : memref<240x721xf32, #tpu.memory_space<vmem_shared>>)
    %add3A_401 = arith.constant 0 : i32
    %add3A_402 = arith.addi %multiple_of3A, %add3A_401 : i32
    %dma_start3A_403 = arith.constant 3 : i32
    %dma_start3A_404 = arith.constant 3 : i32
    %dma_start3A_405 = arith.constant 0 : i32
    %dma_start3A_406 = tpu.memref_slice %arg15[%dma_start3A_404, %add3A_402, %dma_start3A_405] : memref<13x1440x721xf32, #tpu.memory_space<hbm>> -> memref<1x240x721xf32, #tpu.memory_space<hbm>>
    %dma_start3A_407 = tpu.memref_squeeze %dma_start3A_406 : memref<1x240x721xf32, #tpu.memory_space<hbm>> -> memref<240x721xf32, #tpu.memory_space<hbm>>
    %dma_start3A_408 = arith.constant 0 : i32
    %dma_start3A_409 = arith.constant 0 : i32
    %dma_start3A_410 = tpu.memref_slice %arg16[%dma_start3A_403, %dma_start3A_408, %dma_start3A_409] : memref<6x240x721xf32, #tpu.memory_space<vmem_shared>> -> memref<1x240x721xf32, #tpu.memory_space<vmem_shared>>
    %dma_start3A_411 = tpu.memref_squeeze %dma_start3A_410 : memref<1x240x721xf32, #tpu.memory_space<vmem_shared>> -> memref<240x721xf32, #tpu.memory_space<vmem_shared>>
    tpu.enqueue_dma source(%dma_start3A_411 : memref<240x721xf32, #tpu.memory_space<vmem_shared>>) target(%dma_start3A_407 : memref<240x721xf32, #tpu.memory_space<hbm>>) target_semaphore(%arg26 : memref<!tpu.dma_semaphore, #tpu.memory_space<semaphore_mem>>)
    %dma_wait3A_412 = arith.constant 0 : i32
    %dma_wait3A_413 = arith.constant 2 : i32
    %dma_wait3A_414 = arith.constant 0 : i32
    %dma_wait3A_415 = tpu.memref_slice %arg15[%dma_wait3A_413, %add3A_288, %dma_wait3A_414] : memref<13x1440x721xf32, #tpu.memory_space<hbm>> -> memref<1x240x721xf32, #tpu.memory_space<hbm>>
    %dma_wait3A_416 = tpu.memref_squeeze %dma_wait3A_415 : memref<1x240x721xf32, #tpu.memory_space<hbm>> -> memref<240x721xf32, #tpu.memory_space<hbm>>
    %dma_wait3A_417 = arith.constant 0 : i32
    %dma_wait3A_418 = arith.constant 0 : i32
    %dma_wait3A_419 = tpu.memref_slice %arg16[%dma_wait3A_412, %dma_wait3A_417, %dma_wait3A_418] : memref<6x240x721xf32, #tpu.memory_space<vmem_shared>> -> memref<1x240x721xf32, #tpu.memory_space<vmem_shared>>
    %dma_wait3A_420 = tpu.memref_squeeze %dma_wait3A_419 : memref<1x240x721xf32, #tpu.memory_space<vmem_shared>> -> memref<240x721xf32, #tpu.memory_space<vmem_shared>>
    tpu.wait_dma2 semaphore(%arg23 : memref<!tpu.dma_semaphore, #tpu.memory_space<semaphore_mem>>) src(%dma_wait3A_420 : memref<240x721xf32, #tpu.memory_space<vmem_shared>>) dst(%dma_wait3A_416 : memref<240x721xf32, #tpu.memory_space<hbm>>)
    %add3A_421 = arith.constant 0 : i32
    %add3A_422 = arith.addi %multiple_of3A, %add3A_421 : i32
    %dma_start3A_423 = arith.constant 0 : i32
    %dma_start3A_424 = arith.constant 0 : i32
    %dma_start3A_425 = arith.constant 0 : i32
    %dma_start3A_426 = tpu.memref_slice %arg16[%dma_start3A_423, %dma_start3A_424, %dma_start3A_425] : memref<6x240x721xf32, #tpu.memory_space<vmem_shared>> -> memref<1x240x721xf32, #tpu.memory_space<vmem_shared>>
    %dma_start3A_427 = tpu.memref_squeeze %dma_start3A_426 : memref<1x240x721xf32, #tpu.memory_space<vmem_shared>> -> memref<240x721xf32, #tpu.memory_space<vmem_shared>>
    %dma_start3A_428 = arith.constant 0 : i32
    %dma_start3A_429 = tpu.memref_slice %arg1[%get3A_25, %add3A_422, %dma_start3A_428] : memref<37x1440x721xf32, #tpu.memory_space<hbm>> -> memref<1x240x721xf32, #tpu.memory_space<hbm>>
    %dma_start3A_430 = tpu.memref_squeeze %dma_start3A_429 : memref<1x240x721xf32, #tpu.memory_space<hbm>> -> memref<240x721xf32, #tpu.memory_space<hbm>>
    tpu.enqueue_dma source(%dma_start3A_430 : memref<240x721xf32, #tpu.memory_space<hbm>>) target(%dma_start3A_427 : memref<240x721xf32, #tpu.memory_space<vmem_shared>>) target_semaphore(%arg17 : memref<!tpu.dma_semaphore, #tpu.memory_space<semaphore_mem>>)
    %dma_wait3A_431 = arith.constant 4 : i32
    %dma_wait3A_432 = arith.constant 0 : i32
    %dma_wait3A_433 = arith.constant 0 : i32
    %dma_wait3A_434 = tpu.memref_slice %arg16[%dma_wait3A_431, %dma_wait3A_432, %dma_wait3A_433] : memref<6x240x721xf32, #tpu.memory_space<vmem_shared>> -> memref<1x240x721xf32, #tpu.memory_space<vmem_shared>>
    %dma_wait3A_435 = tpu.memref_squeeze %dma_wait3A_434 : memref<1x240x721xf32, #tpu.memory_space<vmem_shared>> -> memref<240x721xf32, #tpu.memory_space<vmem_shared>>
    %dma_wait3A_436 = arith.constant 0 : i32
    %dma_wait3A_437 = tpu.memref_slice %arg1[%get3A_22, %add3A_346, %dma_wait3A_436] : memref<37x1440x721xf32, #tpu.memory_space<hbm>> -> memref<1x240x721xf32, #tpu.memory_space<hbm>>
    %dma_wait3A_438 = tpu.memref_squeeze %dma_wait3A_437 : memref<1x240x721xf32, #tpu.memory_space<hbm>> -> memref<240x721xf32, #tpu.memory_space<hbm>>
    tpu.wait_dma2 semaphore(%arg21 : memref<!tpu.dma_semaphore, #tpu.memory_space<semaphore_mem>>) src(%dma_wait3A_438 : memref<240x721xf32, #tpu.memory_space<hbm>>) dst(%dma_wait3A_435 : memref<240x721xf32, #tpu.memory_space<vmem_shared>>)
    %add3A_439 = arith.constant 240 : i32
    %add3A_440 = arith.addi %multiple_of3A, %add3A_439 : i32
    %dma_start3A_441 = arith.constant 4 : i32
    %dma_start3A_442 = arith.constant 3 : i32
    %dma_start3A_443 = arith.constant 0 : i32
    %dma_start3A_444 = tpu.memref_slice %arg15[%dma_start3A_442, %add3A_440, %dma_start3A_443] : memref<13x1440x721xf32, #tpu.memory_space<hbm>> -> memref<1x240x721xf32, #tpu.memory_space<hbm>>
    %dma_start3A_445 = tpu.memref_squeeze %dma_start3A_444 : memref<1x240x721xf32, #tpu.memory_space<hbm>> -> memref<240x721xf32, #tpu.memory_space<hbm>>
    %dma_start3A_446 = arith.constant 0 : i32
    %dma_start3A_447 = arith.constant 0 : i32
    %dma_start3A_448 = tpu.memref_slice %arg16[%dma_start3A_441, %dma_start3A_446, %dma_start3A_447] : memref<6x240x721xf32, #tpu.memory_space<vmem_shared>> -> memref<1x240x721xf32, #tpu.memory_space<vmem_shared>>
    %dma_start3A_449 = tpu.memref_squeeze %dma_start3A_448 : memref<1x240x721xf32, #tpu.memory_space<vmem_shared>> -> memref<240x721xf32, #tpu.memory_space<vmem_shared>>
    tpu.enqueue_dma source(%dma_start3A_449 : memref<240x721xf32, #tpu.memory_space<vmem_shared>>) target(%dma_start3A_445 : memref<240x721xf32, #tpu.memory_space<hbm>>) target_semaphore(%arg27 : memref<!tpu.dma_semaphore, #tpu.memory_space<semaphore_mem>>)
    %dma_wait3A_450 = arith.constant 1 : i32
    %dma_wait3A_451 = arith.constant 2 : i32
    %dma_wait3A_452 = arith.constant 0 : i32
    %dma_wait3A_453 = tpu.memref_slice %arg15[%dma_wait3A_451, %add3A_326, %dma_wait3A_452] : memref<13x1440x721xf32, #tpu.memory_space<hbm>> -> memref<1x240x721xf32, #tpu.memory_space<hbm>>
    %dma_wait3A_454 = tpu.memref_squeeze %dma_wait3A_453 : memref<1x240x721xf32, #tpu.memory_space<hbm>> -> memref<240x721xf32, #tpu.memory_space<hbm>>
    %dma_wait3A_455 = arith.constant 0 : i32
    %dma_wait3A_456 = arith.constant 0 : i32
    %dma_wait3A_457 = tpu.memref_slice %arg16[%dma_wait3A_450, %dma_wait3A_455, %dma_wait3A_456] : memref<6x240x721xf32, #tpu.memory_space<vmem_shared>> -> memref<1x240x721xf32, #tpu.memory_space<vmem_shared>>
    %dma_wait3A_458 = tpu.memref_squeeze %dma_wait3A_457 : memref<1x240x721xf32, #tpu.memory_space<vmem_shared>> -> memref<240x721xf32, #tpu.memory_space<vmem_shared>>
    tpu.wait_dma2 semaphore(%arg24 : memref<!tpu.dma_semaphore, #tpu.memory_space<semaphore_mem>>) src(%dma_wait3A_458 : memref<240x721xf32, #tpu.memory_space<vmem_shared>>) dst(%dma_wait3A_454 : memref<240x721xf32, #tpu.memory_space<hbm>>)
    %add3A_459 = arith.constant 240 : i32
    %add3A_460 = arith.addi %multiple_of3A, %add3A_459 : i32
    %dma_start3A_461 = arith.constant 1 : i32
    %dma_start3A_462 = arith.constant 0 : i32
    %dma_start3A_463 = arith.constant 0 : i32
    %dma_start3A_464 = tpu.memref_slice %arg16[%dma_start3A_461, %dma_start3A_462, %dma_start3A_463] : memref<6x240x721xf32, #tpu.memory_space<vmem_shared>> -> memref<1x240x721xf32, #tpu.memory_space<vmem_shared>>
    %dma_start3A_465 = tpu.memref_squeeze %dma_start3A_464 : memref<1x240x721xf32, #tpu.memory_space<vmem_shared>> -> memref<240x721xf32, #tpu.memory_space<vmem_shared>>
    %dma_start3A_466 = arith.constant 0 : i32
    %dma_start3A_467 = tpu.memref_slice %arg1[%get3A_25, %add3A_460, %dma_start3A_466] : memref<37x1440x721xf32, #tpu.memory_space<hbm>> -> memref<1x240x721xf32, #tpu.memory_space<hbm>>
    %dma_start3A_468 = tpu.memref_squeeze %dma_start3A_467 : memref<1x240x721xf32, #tpu.memory_space<hbm>> -> memref<240x721xf32, #tpu.memory_space<hbm>>
    tpu.enqueue_dma source(%dma_start3A_468 : memref<240x721xf32, #tpu.memory_space<hbm>>) target(%dma_start3A_465 : memref<240x721xf32, #tpu.memory_space<vmem_shared>>) target_semaphore(%arg18 : memref<!tpu.dma_semaphore, #tpu.memory_space<semaphore_mem>>)
    %dma_wait3A_469 = arith.constant 5 : i32
    %dma_wait3A_470 = arith.constant 0 : i32
    %dma_wait3A_471 = arith.constant 0 : i32
    %dma_wait3A_472 = tpu.memref_slice %arg16[%dma_wait3A_469, %dma_wait3A_470, %dma_wait3A_471] : memref<6x240x721xf32, #tpu.memory_space<vmem_shared>> -> memref<1x240x721xf32, #tpu.memory_space<vmem_shared>>
    %dma_wait3A_473 = tpu.memref_squeeze %dma_wait3A_472 : memref<1x240x721xf32, #tpu.memory_space<vmem_shared>> -> memref<240x721xf32, #tpu.memory_space<vmem_shared>>
    %dma_wait3A_474 = arith.constant 0 : i32
    %dma_wait3A_475 = tpu.memref_slice %arg1[%get3A_22, %add3A_384, %dma_wait3A_474] : memref<37x1440x721xf32, #tpu.memory_space<hbm>> -> memref<1x240x721xf32, #tpu.memory_space<hbm>>
    %dma_wait3A_476 = tpu.memref_squeeze %dma_wait3A_475 : memref<1x240x721xf32, #tpu.memory_space<hbm>> -> memref<240x721xf32, #tpu.memory_space<hbm>>
    tpu.wait_dma2 semaphore(%arg22 : memref<!tpu.dma_semaphore, #tpu.memory_space<semaphore_mem>>) src(%dma_wait3A_476 : memref<240x721xf32, #tpu.memory_space<hbm>>) dst(%dma_wait3A_473 : memref<240x721xf32, #tpu.memory_space<vmem_shared>>)
    %add3A_477 = arith.constant 480 : i32
    %add3A_478 = arith.addi %multiple_of3A, %add3A_477 : i32
    %dma_start3A_479 = arith.constant 5 : i32
    %dma_start3A_480 = arith.constant 3 : i32
    %dma_start3A_481 = arith.constant 0 : i32
    %dma_start3A_482 = tpu.memref_slice %arg15[%dma_start3A_480, %add3A_478, %dma_start3A_481] : memref<13x1440x721xf32, #tpu.memory_space<hbm>> -> memref<1x240x721xf32, #tpu.memory_space<hbm>>
    %dma_start3A_483 = tpu.memref_squeeze %dma_start3A_482 : memref<1x240x721xf32, #tpu.memory_space<hbm>> -> memref<240x721xf32, #tpu.memory_space<hbm>>
    %dma_start3A_484 = arith.constant 0 : i32
    %dma_start3A_485 = arith.constant 0 : i32
    %dma_start3A_486 = tpu.memref_slice %arg16[%dma_start3A_479, %dma_start3A_484, %dma_start3A_485] : memref<6x240x721xf32, #tpu.memory_space<vmem_shared>> -> memref<1x240x721xf32, #tpu.memory_space<vmem_shared>>
    %dma_start3A_487 = tpu.memref_squeeze %dma_start3A_486 : memref<1x240x721xf32, #tpu.memory_space<vmem_shared>> -> memref<240x721xf32, #tpu.memory_space<vmem_shared>>
    tpu.enqueue_dma source(%dma_start3A_487 : memref<240x721xf32, #tpu.memory_space<vmem_shared>>) target(%dma_start3A_483 : memref<240x721xf32, #tpu.memory_space<hbm>>) target_semaphore(%arg28 : memref<!tpu.dma_semaphore, #tpu.memory_space<semaphore_mem>>)
    %dma_wait3A_488 = arith.constant 2 : i32
    %dma_wait3A_489 = arith.constant 2 : i32
    %dma_wait3A_490 = arith.constant 0 : i32
    %dma_wait3A_491 = tpu.memref_slice %arg15[%dma_wait3A_489, %add3A_364, %dma_wait3A_490] : memref<13x1440x721xf32, #tpu.memory_space<hbm>> -> memref<1x240x721xf32, #tpu.memory_space<hbm>>
    %dma_wait3A_492 = tpu.memref_squeeze %dma_wait3A_491 : memref<1x240x721xf32, #tpu.memory_space<hbm>> -> memref<240x721xf32, #tpu.memory_space<hbm>>
    %dma_wait3A_493 = arith.constant 0 : i32
    %dma_wait3A_494 = arith.constant 0 : i32
    %dma_wait3A_495 = tpu.memref_slice %arg16[%dma_wait3A_488, %dma_wait3A_493, %dma_wait3A_494] : memref<6x240x721xf32, #tpu.memory_space<vmem_shared>> -> memref<1x240x721xf32, #tpu.memory_space<vmem_shared>>
    %dma_wait3A_496 = tpu.memref_squeeze %dma_wait3A_495 : memref<1x240x721xf32, #tpu.memory_space<vmem_shared>> -> memref<240x721xf32, #tpu.memory_space<vmem_shared>>
    tpu.wait_dma2 semaphore(%arg25 : memref<!tpu.dma_semaphore, #tpu.memory_space<semaphore_mem>>) src(%dma_wait3A_496 : memref<240x721xf32, #tpu.memory_space<vmem_shared>>) dst(%dma_wait3A_492 : memref<240x721xf32, #tpu.memory_space<hbm>>)
    %add3A_497 = arith.constant 480 : i32
    %add3A_498 = arith.addi %multiple_of3A, %add3A_497 : i32
    %dma_start3A_499 = arith.constant 2 : i32
    %dma_start3A_500 = arith.constant 0 : i32
    %dma_start3A_501 = arith.constant 0 : i32
    %dma_start3A_502 = tpu.memref_slice %arg16[%dma_start3A_499, %dma_start3A_500, %dma_start3A_501] : memref<6x240x721xf32, #tpu.memory_space<vmem_shared>> -> memref<1x240x721xf32, #tpu.memory_space<vmem_shared>>
    %dma_start3A_503 = tpu.memref_squeeze %dma_start3A_502 : memref<1x240x721xf32, #tpu.memory_space<vmem_shared>> -> memref<240x721xf32, #tpu.memory_space<vmem_shared>>
    %dma_start3A_504 = arith.constant 0 : i32
    %dma_start3A_505 = tpu.memref_slice %arg1[%get3A_25, %add3A_498, %dma_start3A_504] : memref<37x1440x721xf32, #tpu.memory_space<hbm>> -> memref<1x240x721xf32, #tpu.memory_space<hbm>>
    %dma_start3A_506 = tpu.memref_squeeze %dma_start3A_505 : memref<1x240x721xf32, #tpu.memory_space<hbm>> -> memref<240x721xf32, #tpu.memory_space<hbm>>
    tpu.enqueue_dma source(%dma_start3A_506 : memref<240x721xf32, #tpu.memory_space<hbm>>) target(%dma_start3A_503 : memref<240x721xf32, #tpu.memory_space<vmem_shared>>) target_semaphore(%arg19 : memref<!tpu.dma_semaphore, #tpu.memory_space<semaphore_mem>>)
    %dma_wait3A_507 = arith.constant 0 : i32
    %dma_wait3A_508 = arith.constant 0 : i32
    %dma_wait3A_509 = arith.constant 0 : i32
    %dma_wait3A_510 = tpu.memref_slice %arg16[%dma_wait3A_507, %dma_wait3A_508, %dma_wait3A_509] : memref<6x240x721xf32, #tpu.memory_space<vmem_shared>> -> memref<1x240x721xf32, #tpu.memory_space<vmem_shared>>
    %dma_wait3A_511 = tpu.memref_squeeze %dma_wait3A_510 : memref<1x240x721xf32, #tpu.memory_space<vmem_shared>> -> memref<240x721xf32, #tpu.memory_space<vmem_shared>>
    %dma_wait3A_512 = arith.constant 0 : i32
    %dma_wait3A_513 = tpu.memref_slice %arg1[%get3A_25, %add3A_422, %dma_wait3A_512] : memref<37x1440x721xf32, #tpu.memory_space<hbm>> -> memref<1x240x721xf32, #tpu.memory_space<hbm>>
    %dma_wait3A_514 = tpu.memref_squeeze %dma_wait3A_513 : memref<1x240x721xf32, #tpu.memory_space<hbm>> -> memref<240x721xf32, #tpu.memory_space<hbm>>
    tpu.wait_dma2 semaphore(%arg17 : memref<!tpu.dma_semaphore, #tpu.memory_space<semaphore_mem>>) src(%dma_wait3A_514 : memref<240x721xf32, #tpu.memory_space<hbm>>) dst(%dma_wait3A_511 : memref<240x721xf32, #tpu.memory_space<vmem_shared>>)
    %add3A_515 = arith.constant 0 : i32
    %add3A_516 = arith.addi %multiple_of3A, %add3A_515 : i32
    %dma_start3A_517 = arith.constant 0 : i32
    %dma_start3A_518 = arith.constant 4 : i32
    %dma_start3A_519 = arith.constant 0 : i32
    %dma_start3A_520 = tpu.memref_slice %arg15[%dma_start3A_518, %add3A_516, %dma_start3A_519] : memref<13x1440x721xf32, #tpu.memory_space<hbm>> -> memref<1x240x721xf32, #tpu.memory_space<hbm>>
    %dma_start3A_521 = tpu.memref_squeeze %dma_start3A_520 : memref<1x240x721xf32, #tpu.memory_space<hbm>> -> memref<240x721xf32, #tpu.memory_space<hbm>>
    %dma_start3A_522 = arith.constant 0 : i32
    %dma_start3A_523 = arith.constant 0 : i32
    %dma_start3A_524 = tpu.memref_slice %arg16[%dma_start3A_517, %dma_start3A_522, %dma_start3A_523] : memref<6x240x721xf32, #tpu.memory_space<vmem_shared>> -> memref<1x240x721xf32, #tpu.memory_space<vmem_shared>>
    %dma_start3A_525 = tpu.memref_squeeze %dma_start3A_524 : memref<1x240x721xf32, #tpu.memory_space<vmem_shared>> -> memref<240x721xf32, #tpu.memory_space<vmem_shared>>
    tpu.enqueue_dma source(%dma_start3A_525 : memref<240x721xf32, #tpu.memory_space<vmem_shared>>) target(%dma_start3A_521 : memref<240x721xf32, #tpu.memory_space<hbm>>) target_semaphore(%arg23 : memref<!tpu.dma_semaphore, #tpu.memory_space<semaphore_mem>>)
    %dma_wait3A_526 = arith.constant 3 : i32
    %dma_wait3A_527 = arith.constant 3 : i32
    %dma_wait3A_528 = arith.constant 0 : i32
    %dma_wait3A_529 = tpu.memref_slice %arg15[%dma_wait3A_527, %add3A_402, %dma_wait3A_528] : memref<13x1440x721xf32, #tpu.memory_space<hbm>> -> memref<1x240x721xf32, #tpu.memory_space<hbm>>
    %dma_wait3A_530 = tpu.memref_squeeze %dma_wait3A_529 : memref<1x240x721xf32, #tpu.memory_space<hbm>> -> memref<240x721xf32, #tpu.memory_space<hbm>>
    %dma_wait3A_531 = arith.constant 0 : i32
    %dma_wait3A_532 = arith.constant 0 : i32
    %dma_wait3A_533 = tpu.memref_slice %arg16[%dma_wait3A_526, %dma_wait3A_531, %dma_wait3A_532] : memref<6x240x721xf32, #tpu.memory_space<vmem_shared>> -> memref<1x240x721xf32, #tpu.memory_space<vmem_shared>>
    %dma_wait3A_534 = tpu.memref_squeeze %dma_wait3A_533 : memref<1x240x721xf32, #tpu.memory_space<vmem_shared>> -> memref<240x721xf32, #tpu.memory_space<vmem_shared>>
    tpu.wait_dma2 semaphore(%arg26 : memref<!tpu.dma_semaphore, #tpu.memory_space<semaphore_mem>>) src(%dma_wait3A_534 : memref<240x721xf32, #tpu.memory_space<vmem_shared>>) dst(%dma_wait3A_530 : memref<240x721xf32, #tpu.memory_space<hbm>>)
    %add3A_535 = arith.constant 0 : i32
    %add3A_536 = arith.addi %multiple_of3A, %add3A_535 : i32
    %dma_start3A_537 = arith.constant 3 : i32
    %dma_start3A_538 = arith.constant 0 : i32
    %dma_start3A_539 = arith.constant 0 : i32
    %dma_start3A_540 = tpu.memref_slice %arg16[%dma_start3A_537, %dma_start3A_538, %dma_start3A_539] : memref<6x240x721xf32, #tpu.memory_space<vmem_shared>> -> memref<1x240x721xf32, #tpu.memory_space<vmem_shared>>
    %dma_start3A_541 = tpu.memref_squeeze %dma_start3A_540 : memref<1x240x721xf32, #tpu.memory_space<vmem_shared>> -> memref<240x721xf32, #tpu.memory_space<vmem_shared>>
    %dma_start3A_542 = arith.constant 0 : i32
    %dma_start3A_543 = tpu.memref_slice %arg1[%get3A_28, %add3A_536, %dma_start3A_542] : memref<37x1440x721xf32, #tpu.memory_space<hbm>> -> memref<1x240x721xf32, #tpu.memory_space<hbm>>
    %dma_start3A_544 = tpu.memref_squeeze %dma_start3A_543 : memref<1x240x721xf32, #tpu.memory_space<hbm>> -> memref<240x721xf32, #tpu.memory_space<hbm>>
    tpu.enqueue_dma source(%dma_start3A_544 : memref<240x721xf32, #tpu.memory_space<hbm>>) target(%dma_start3A_541 : memref<240x721xf32, #tpu.memory_space<vmem_shared>>) target_semaphore(%arg20 : memref<!tpu.dma_semaphore, #tpu.memory_space<semaphore_mem>>)
    %dma_wait3A_545 = arith.constant 1 : i32
    %dma_wait3A_546 = arith.constant 0 : i32
    %dma_wait3A_547 = arith.constant 0 : i32
    %dma_wait3A_548 = tpu.memref_slice %arg16[%dma_wait3A_545, %dma_wait3A_546, %dma_wait3A_547] : memref<6x240x721xf32, #tpu.memory_space<vmem_shared>> -> memref<1x240x721xf32, #tpu.memory_space<vmem_shared>>
    %dma_wait3A_549 = tpu.memref_squeeze %dma_wait3A_548 : memref<1x240x721xf32, #tpu.memory_space<vmem_shared>> -> memref<240x721xf32, #tpu.memory_space<vmem_shared>>
    %dma_wait3A_550 = arith.constant 0 : i32
    %dma_wait3A_551 = tpu.memref_slice %arg1[%get3A_25, %add3A_460, %dma_wait3A_550] : memref<37x1440x721xf32, #tpu.memory_space<hbm>> -> memref<1x240x721xf32, #tpu.memory_space<hbm>>
    %dma_wait3A_552 = tpu.memref_squeeze %dma_wait3A_551 : memref<1x240x721xf32, #tpu.memory_space<hbm>> -> memref<240x721xf32, #tpu.memory_space<hbm>>
    tpu.wait_dma2 semaphore(%arg18 : memref<!tpu.dma_semaphore, #tpu.memory_space<semaphore_mem>>) src(%dma_wait3A_552 : memref<240x721xf32, #tpu.memory_space<hbm>>) dst(%dma_wait3A_549 : memref<240x721xf32, #tpu.memory_space<vmem_shared>>)
    %add3A_553 = arith.constant 240 : i32
    %add3A_554 = arith.addi %multiple_of3A, %add3A_553 : i32
    %dma_start3A_555 = arith.constant 1 : i32
    %dma_start3A_556 = arith.constant 4 : i32
    %dma_start3A_557 = arith.constant 0 : i32
    %dma_start3A_558 = tpu.memref_slice %arg15[%dma_start3A_556, %add3A_554, %dma_start3A_557] : memref<13x1440x721xf32, #tpu.memory_space<hbm>> -> memref<1x240x721xf32, #tpu.memory_space<hbm>>
    %dma_start3A_559 = tpu.memref_squeeze %dma_start3A_558 : memref<1x240x721xf32, #tpu.memory_space<hbm>> -> memref<240x721xf32, #tpu.memory_space<hbm>>
    %dma_start3A_560 = arith.constant 0 : i32
    %dma_start3A_561 = arith.constant 0 : i32
    %dma_start3A_562 = tpu.memref_slice %arg16[%dma_start3A_555, %dma_start3A_560, %dma_start3A_561] : memref<6x240x721xf32, #tpu.memory_space<vmem_shared>> -> memref<1x240x721xf32, #tpu.memory_space<vmem_shared>>
    %dma_start3A_563 = tpu.memref_squeeze %dma_start3A_562 : memref<1x240x721xf32, #tpu.memory_space<vmem_shared>> -> memref<240x721xf32, #tpu.memory_space<vmem_shared>>
    tpu.enqueue_dma source(%dma_start3A_563 : memref<240x721xf32, #tpu.memory_space<vmem_shared>>) target(%dma_start3A_559 : memref<240x721xf32, #tpu.memory_space<hbm>>) target_semaphore(%arg24 : memref<!tpu.dma_semaphore, #tpu.memory_space<semaphore_mem>>)
    %dma_wait3A_564 = arith.constant 4 : i32
    %dma_wait3A_565 = arith.constant 3 : i32
    %dma_wait3A_566 = arith.constant 0 : i32
    %dma_wait3A_567 = tpu.memref_slice %arg15[%dma_wait3A_565, %add3A_440, %dma_wait3A_566] : memref<13x1440x721xf32, #tpu.memory_space<hbm>> -> memref<1x240x721xf32, #tpu.memory_space<hbm>>
    %dma_wait3A_568 = tpu.memref_squeeze %dma_wait3A_567 : memref<1x240x721xf32, #tpu.memory_space<hbm>> -> memref<240x721xf32, #tpu.memory_space<hbm>>
    %dma_wait3A_569 = arith.constant 0 : i32
    %dma_wait3A_570 = arith.constant 0 : i32
    %dma_wait3A_571 = tpu.memref_slice %arg16[%dma_wait3A_564, %dma_wait3A_569, %dma_wait3A_570] : memref<6x240x721xf32, #tpu.memory_space<vmem_shared>> -> memref<1x240x721xf32, #tpu.memory_space<vmem_shared>>
    %dma_wait3A_572 = tpu.memref_squeeze %dma_wait3A_571 : memref<1x240x721xf32, #tpu.memory_space<vmem_shared>> -> memref<240x721xf32, #tpu.memory_space<vmem_shared>>
    tpu.wait_dma2 semaphore(%arg27 : memref<!tpu.dma_semaphore, #tpu.memory_space<semaphore_mem>>) src(%dma_wait3A_572 : memref<240x721xf32, #tpu.memory_space<vmem_shared>>) dst(%dma_wait3A_568 : memref<240x721xf32, #tpu.memory_space<hbm>>)
    %add3A_573 = arith.constant 240 : i32
    %add3A_574 = arith.addi %multiple_of3A, %add3A_573 : i32
    %dma_start3A_575 = arith.constant 4 : i32
    %dma_start3A_576 = arith.constant 0 : i32
    %dma_start3A_577 = arith.constant 0 : i32
    %dma_start3A_578 = tpu.memref_slice %arg16[%dma_start3A_575, %dma_start3A_576, %dma_start3A_577] : memref<6x240x721xf32, #tpu.memory_space<vmem_shared>> -> memref<1x240x721xf32, #tpu.memory_space<vmem_shared>>
    %dma_start3A_579 = tpu.memref_squeeze %dma_start3A_578 : memref<1x240x721xf32, #tpu.memory_space<vmem_shared>> -> memref<240x721xf32, #tpu.memory_space<vmem_shared>>
    %dma_start3A_580 = arith.constant 0 : i32
    %dma_start3A_581 = tpu.memref_slice %arg1[%get3A_28, %add3A_574, %dma_start3A_580] : memref<37x1440x721xf32, #tpu.memory_space<hbm>> -> memref<1x240x721xf32, #tpu.memory_space<hbm>>
    %dma_start3A_582 = tpu.memref_squeeze %dma_start3A_581 : memref<1x240x721xf32, #tpu.memory_space<hbm>> -> memref<240x721xf32, #tpu.memory_space<hbm>>
    tpu.enqueue_dma source(%dma_start3A_582 : memref<240x721xf32, #tpu.memory_space<hbm>>) target(%dma_start3A_579 : memref<240x721xf32, #tpu.memory_space<vmem_shared>>) target_semaphore(%arg21 : memref<!tpu.dma_semaphore, #tpu.memory_space<semaphore_mem>>)
    %dma_wait3A_583 = arith.constant 2 : i32
    %dma_wait3A_584 = arith.constant 0 : i32
    %dma_wait3A_585 = arith.constant 0 : i32
    %dma_wait3A_586 = tpu.memref_slice %arg16[%dma_wait3A_583, %dma_wait3A_584, %dma_wait3A_585] : memref<6x240x721xf32, #tpu.memory_space<vmem_shared>> -> memref<1x240x721xf32, #tpu.memory_space<vmem_shared>>
    %dma_wait3A_587 = tpu.memref_squeeze %dma_wait3A_586 : memref<1x240x721xf32, #tpu.memory_space<vmem_shared>> -> memref<240x721xf32, #tpu.memory_space<vmem_shared>>
    %dma_wait3A_588 = arith.constant 0 : i32
    %dma_wait3A_589 = tpu.memref_slice %arg1[%get3A_25, %add3A_498, %dma_wait3A_588] : memref<37x1440x721xf32, #tpu.memory_space<hbm>> -> memref<1x240x721xf32, #tpu.memory_space<hbm>>
    %dma_wait3A_590 = tpu.memref_squeeze %dma_wait3A_589 : memref<1x240x721xf32, #tpu.memory_space<hbm>> -> memref<240x721xf32, #tpu.memory_space<hbm>>
    tpu.wait_dma2 semaphore(%arg19 : memref<!tpu.dma_semaphore, #tpu.memory_space<semaphore_mem>>) src(%dma_wait3A_590 : memref<240x721xf32, #tpu.memory_space<hbm>>) dst(%dma_wait3A_587 : memref<240x721xf32, #tpu.memory_space<vmem_shared>>)
    %add3A_591 = arith.constant 480 : i32
    %add3A_592 = arith.addi %multiple_of3A, %add3A_591 : i32
    %dma_start3A_593 = arith.constant 2 : i32
    %dma_start3A_594 = arith.constant 4 : i32
    %dma_start3A_595 = arith.constant 0 : i32
    %dma_start3A_596 = tpu.memref_slice %arg15[%dma_start3A_594, %add3A_592, %dma_start3A_595] : memref<13x1440x721xf32, #tpu.memory_space<hbm>> -> memref<1x240x721xf32, #tpu.memory_space<hbm>>
    %dma_start3A_597 = tpu.memref_squeeze %dma_start3A_596 : memref<1x240x721xf32, #tpu.memory_space<hbm>> -> memref<240x721xf32, #tpu.memory_space<hbm>>
    %dma_start3A_598 = arith.constant 0 : i32
    %dma_start3A_599 = arith.constant 0 : i32
    %dma_start3A_600 = tpu.memref_slice %arg16[%dma_start3A_593, %dma_start3A_598, %dma_start3A_599] : memref<6x240x721xf32, #tpu.memory_space<vmem_shared>> -> memref<1x240x721xf32, #tpu.memory_space<vmem_shared>>
    %dma_start3A_601 = tpu.memref_squeeze %dma_start3A_600 : memref<1x240x721xf32, #tpu.memory_space<vmem_shared>> -> memref<240x721xf32, #tpu.memory_space<vmem_shared>>
    tpu.enqueue_dma source(%dma_start3A_601 : memref<240x721xf32, #tpu.memory_space<vmem_shared>>) target(%dma_start3A_597 : memref<240x721xf32, #tpu.memory_space<hbm>>) target_semaphore(%arg25 : memref<!tpu.dma_semaphore, #tpu.memory_space<semaphore_mem>>)
    %dma_wait3A_602 = arith.constant 5 : i32
    %dma_wait3A_603 = arith.constant 3 : i32
    %dma_wait3A_604 = arith.constant 0 : i32
    %dma_wait3A_605 = tpu.memref_slice %arg15[%dma_wait3A_603, %add3A_478, %dma_wait3A_604] : memref<13x1440x721xf32, #tpu.memory_space<hbm>> -> memref<1x240x721xf32, #tpu.memory_space<hbm>>
    %dma_wait3A_606 = tpu.memref_squeeze %dma_wait3A_605 : memref<1x240x721xf32, #tpu.memory_space<hbm>> -> memref<240x721xf32, #tpu.memory_space<hbm>>
    %dma_wait3A_607 = arith.constant 0 : i32
    %dma_wait3A_608 = arith.constant 0 : i32
    %dma_wait3A_609 = tpu.memref_slice %arg16[%dma_wait3A_602, %dma_wait3A_607, %dma_wait3A_608] : memref<6x240x721xf32, #tpu.memory_space<vmem_shared>> -> memref<1x240x721xf32, #tpu.memory_space<vmem_shared>>
    %dma_wait3A_610 = tpu.memref_squeeze %dma_wait3A_609 : memref<1x240x721xf32, #tpu.memory_space<vmem_shared>> -> memref<240x721xf32, #tpu.memory_space<vmem_shared>>
    tpu.wait_dma2 semaphore(%arg28 : memref<!tpu.dma_semaphore, #tpu.memory_space<semaphore_mem>>) src(%dma_wait3A_610 : memref<240x721xf32, #tpu.memory_space<vmem_shared>>) dst(%dma_wait3A_606 : memref<240x721xf32, #tpu.memory_space<hbm>>)
    %add3A_611 = arith.constant 480 : i32
    %add3A_612 = arith.addi %multiple_of3A, %add3A_611 : i32
    %dma_start3A_613 = arith.constant 5 : i32
    %dma_start3A_614 = arith.constant 0 : i32
    %dma_start3A_615 = arith.constant 0 : i32
    %dma_start3A_616 = tpu.memref_slice %arg16[%dma_start3A_613, %dma_start3A_614, %dma_start3A_615] : memref<6x240x721xf32, #tpu.memory_space<vmem_shared>> -> memref<1x240x721xf32, #tpu.memory_space<vmem_shared>>
    %dma_start3A_617 = tpu.memref_squeeze %dma_start3A_616 : memref<1x240x721xf32, #tpu.memory_space<vmem_shared>> -> memref<240x721xf32, #tpu.memory_space<vmem_shared>>
    %dma_start3A_618 = arith.constant 0 : i32
    %dma_start3A_619 = tpu.memref_slice %arg1[%get3A_28, %add3A_612, %dma_start3A_618] : memref<37x1440x721xf32, #tpu.memory_space<hbm>> -> memref<1x240x721xf32, #tpu.memory_space<hbm>>
    %dma_start3A_620 = tpu.memref_squeeze %dma_start3A_619 : memref<1x240x721xf32, #tpu.memory_space<hbm>> -> memref<240x721xf32, #tpu.memory_space<hbm>>
    tpu.enqueue_dma source(%dma_start3A_620 : memref<240x721xf32, #tpu.memory_space<hbm>>) target(%dma_start3A_617 : memref<240x721xf32, #tpu.memory_space<vmem_shared>>) target_semaphore(%arg22 : memref<!tpu.dma_semaphore, #tpu.memory_space<semaphore_mem>>)
    %dma_wait3A_621 = arith.constant 3 : i32
    %dma_wait3A_622 = arith.constant 0 : i32
    %dma_wait3A_623 = arith.constant 0 : i32
    %dma_wait3A_624 = tpu.memref_slice %arg16[%dma_wait3A_621, %dma_wait3A_622, %dma_wait3A_623] : memref<6x240x721xf32, #tpu.memory_space<vmem_shared>> -> memref<1x240x721xf32, #tpu.memory_space<vmem_shared>>
    %dma_wait3A_625 = tpu.memref_squeeze %dma_wait3A_624 : memref<1x240x721xf32, #tpu.memory_space<vmem_shared>> -> memref<240x721xf32, #tpu.memory_space<vmem_shared>>
    %dma_wait3A_626 = arith.constant 0 : i32
    %dma_wait3A_627 = tpu.memref_slice %arg1[%get3A_28, %add3A_536, %dma_wait3A_626] : memref<37x1440x721xf32, #tpu.memory_space<hbm>> -> memref<1x240x721xf32, #tpu.memory_space<hbm>>
    %dma_wait3A_628 = tpu.memref_squeeze %dma_wait3A_627 : memref<1x240x721xf32, #tpu.memory_space<hbm>> -> memref<240x721xf32, #tpu.memory_space<hbm>>
    tpu.wait_dma2 semaphore(%arg20 : memref<!tpu.dma_semaphore, #tpu.memory_space<semaphore_mem>>) src(%dma_wait3A_628 : memref<240x721xf32, #tpu.memory_space<hbm>>) dst(%dma_wait3A_625 : memref<240x721xf32, #tpu.memory_space<vmem_shared>>)
    %add3A_629 = arith.constant 0 : i32
    %add3A_630 = arith.addi %multiple_of3A, %add3A_629 : i32
    %dma_start3A_631 = arith.constant 3 : i32
    %dma_start3A_632 = arith.constant 5 : i32
    %dma_start3A_633 = arith.constant 0 : i32
    %dma_start3A_634 = tpu.memref_slice %arg15[%dma_start3A_632, %add3A_630, %dma_start3A_633] : memref<13x1440x721xf32, #tpu.memory_space<hbm>> -> memref<1x240x721xf32, #tpu.memory_space<hbm>>
    %dma_start3A_635 = tpu.memref_squeeze %dma_start3A_634 : memref<1x240x721xf32, #tpu.memory_space<hbm>> -> memref<240x721xf32, #tpu.memory_space<hbm>>
    %dma_start3A_636 = arith.constant 0 : i32
    %dma_start3A_637 = arith.constant 0 : i32
    %dma_start3A_638 = tpu.memref_slice %arg16[%dma_start3A_631, %dma_start3A_636, %dma_start3A_637] : memref<6x240x721xf32, #tpu.memory_space<vmem_shared>> -> memref<1x240x721xf32, #tpu.memory_space<vmem_shared>>
    %dma_start3A_639 = tpu.memref_squeeze %dma_start3A_638 : memref<1x240x721xf32, #tpu.memory_space<vmem_shared>> -> memref<240x721xf32, #tpu.memory_space<vmem_shared>>
    tpu.enqueue_dma source(%dma_start3A_639 : memref<240x721xf32, #tpu.memory_space<vmem_shared>>) target(%dma_start3A_635 : memref<240x721xf32, #tpu.memory_space<hbm>>) target_semaphore(%arg26 : memref<!tpu.dma_semaphore, #tpu.memory_space<semaphore_mem>>)
    %dma_wait3A_640 = arith.constant 0 : i32
    %dma_wait3A_641 = arith.constant 4 : i32
    %dma_wait3A_642 = arith.constant 0 : i32
    %dma_wait3A_643 = tpu.memref_slice %arg15[%dma_wait3A_641, %add3A_516, %dma_wait3A_642] : memref<13x1440x721xf32, #tpu.memory_space<hbm>> -> memref<1x240x721xf32, #tpu.memory_space<hbm>>
    %dma_wait3A_644 = tpu.memref_squeeze %dma_wait3A_643 : memref<1x240x721xf32, #tpu.memory_space<hbm>> -> memref<240x721xf32, #tpu.memory_space<hbm>>
    %dma_wait3A_645 = arith.constant 0 : i32
    %dma_wait3A_646 = arith.constant 0 : i32
    %dma_wait3A_647 = tpu.memref_slice %arg16[%dma_wait3A_640, %dma_wait3A_645, %dma_wait3A_646] : memref<6x240x721xf32, #tpu.memory_space<vmem_shared>> -> memref<1x240x721xf32, #tpu.memory_space<vmem_shared>>
    %dma_wait3A_648 = tpu.memref_squeeze %dma_wait3A_647 : memref<1x240x721xf32, #tpu.memory_space<vmem_shared>> -> memref<240x721xf32, #tpu.memory_space<vmem_shared>>
    tpu.wait_dma2 semaphore(%arg23 : memref<!tpu.dma_semaphore, #tpu.memory_space<semaphore_mem>>) src(%dma_wait3A_648 : memref<240x721xf32, #tpu.memory_space<vmem_shared>>) dst(%dma_wait3A_644 : memref<240x721xf32, #tpu.memory_space<hbm>>)
    %add3A_649 = arith.constant 0 : i32
    %add3A_650 = arith.addi %multiple_of3A, %add3A_649 : i32
    %dma_start3A_651 = arith.constant 0 : i32
    %dma_start3A_652 = arith.constant 0 : i32
    %dma_start3A_653 = arith.constant 0 : i32
    %dma_start3A_654 = tpu.memref_slice %arg16[%dma_start3A_651, %dma_start3A_652, %dma_start3A_653] : memref<6x240x721xf32, #tpu.memory_space<vmem_shared>> -> memref<1x240x721xf32, #tpu.memory_space<vmem_shared>>
    %dma_start3A_655 = tpu.memref_squeeze %dma_start3A_654 : memref<1x240x721xf32, #tpu.memory_space<vmem_shared>> -> memref<240x721xf32, #tpu.memory_space<vmem_shared>>
    %dma_start3A_656 = arith.constant 0 : i32
    %dma_start3A_657 = tpu.memref_slice %arg1[%get3A_31, %add3A_650, %dma_start3A_656] : memref<37x1440x721xf32, #tpu.memory_space<hbm>> -> memref<1x240x721xf32, #tpu.memory_space<hbm>>
    %dma_start3A_658 = tpu.memref_squeeze %dma_start3A_657 : memref<1x240x721xf32, #tpu.memory_space<hbm>> -> memref<240x721xf32, #tpu.memory_space<hbm>>
    tpu.enqueue_dma source(%dma_start3A_658 : memref<240x721xf32, #tpu.memory_space<hbm>>) target(%dma_start3A_655 : memref<240x721xf32, #tpu.memory_space<vmem_shared>>) target_semaphore(%arg17 : memref<!tpu.dma_semaphore, #tpu.memory_space<semaphore_mem>>)
    %dma_wait3A_659 = arith.constant 4 : i32
    %dma_wait3A_660 = arith.constant 0 : i32
    %dma_wait3A_661 = arith.constant 0 : i32
    %dma_wait3A_662 = tpu.memref_slice %arg16[%dma_wait3A_659, %dma_wait3A_660, %dma_wait3A_661] : memref<6x240x721xf32, #tpu.memory_space<vmem_shared>> -> memref<1x240x721xf32, #tpu.memory_space<vmem_shared>>
    %dma_wait3A_663 = tpu.memref_squeeze %dma_wait3A_662 : memref<1x240x721xf32, #tpu.memory_space<vmem_shared>> -> memref<240x721xf32, #tpu.memory_space<vmem_shared>>
    %dma_wait3A_664 = arith.constant 0 : i32
    %dma_wait3A_665 = tpu.memref_slice %arg1[%get3A_28, %add3A_574, %dma_wait3A_664] : memref<37x1440x721xf32, #tpu.memory_space<hbm>> -> memref<1x240x721xf32, #tpu.memory_space<hbm>>
    %dma_wait3A_666 = tpu.memref_squeeze %dma_wait3A_665 : memref<1x240x721xf32, #tpu.memory_space<hbm>> -> memref<240x721xf32, #tpu.memory_space<hbm>>
    tpu.wait_dma2 semaphore(%arg21 : memref<!tpu.dma_semaphore, #tpu.memory_space<semaphore_mem>>) src(%dma_wait3A_666 : memref<240x721xf32, #tpu.memory_space<hbm>>) dst(%dma_wait3A_663 : memref<240x721xf32, #tpu.memory_space<vmem_shared>>)
    %add3A_667 = arith.constant 240 : i32
    %add3A_668 = arith.addi %multiple_of3A, %add3A_667 : i32
    %dma_start3A_669 = arith.constant 4 : i32
    %dma_start3A_670 = arith.constant 5 : i32
    %dma_start3A_671 = arith.constant 0 : i32
    %dma_start3A_672 = tpu.memref_slice %arg15[%dma_start3A_670, %add3A_668, %dma_start3A_671] : memref<13x1440x721xf32, #tpu.memory_space<hbm>> -> memref<1x240x721xf32, #tpu.memory_space<hbm>>
    %dma_start3A_673 = tpu.memref_squeeze %dma_start3A_672 : memref<1x240x721xf32, #tpu.memory_space<hbm>> -> memref<240x721xf32, #tpu.memory_space<hbm>>
    %dma_start3A_674 = arith.constant 0 : i32
    %dma_start3A_675 = arith.constant 0 : i32
    %dma_start3A_676 = tpu.memref_slice %arg16[%dma_start3A_669, %dma_start3A_674, %dma_start3A_675] : memref<6x240x721xf32, #tpu.memory_space<vmem_shared>> -> memref<1x240x721xf32, #tpu.memory_space<vmem_shared>>
    %dma_start3A_677 = tpu.memref_squeeze %dma_start3A_676 : memref<1x240x721xf32, #tpu.memory_space<vmem_shared>> -> memref<240x721xf32, #tpu.memory_space<vmem_shared>>
    tpu.enqueue_dma source(%dma_start3A_677 : memref<240x721xf32, #tpu.memory_space<vmem_shared>>) target(%dma_start3A_673 : memref<240x721xf32, #tpu.memory_space<hbm>>) target_semaphore(%arg27 : memref<!tpu.dma_semaphore, #tpu.memory_space<semaphore_mem>>)
    %dma_wait3A_678 = arith.constant 1 : i32
    %dma_wait3A_679 = arith.constant 4 : i32
    %dma_wait3A_680 = arith.constant 0 : i32
    %dma_wait3A_681 = tpu.memref_slice %arg15[%dma_wait3A_679, %add3A_554, %dma_wait3A_680] : memref<13x1440x721xf32, #tpu.memory_space<hbm>> -> memref<1x240x721xf32, #tpu.memory_space<hbm>>
    %dma_wait3A_682 = tpu.memref_squeeze %dma_wait3A_681 : memref<1x240x721xf32, #tpu.memory_space<hbm>> -> memref<240x721xf32, #tpu.memory_space<hbm>>
    %dma_wait3A_683 = arith.constant 0 : i32
    %dma_wait3A_684 = arith.constant 0 : i32
    %dma_wait3A_685 = tpu.memref_slice %arg16[%dma_wait3A_678, %dma_wait3A_683, %dma_wait3A_684] : memref<6x240x721xf32, #tpu.memory_space<vmem_shared>> -> memref<1x240x721xf32, #tpu.memory_space<vmem_shared>>
    %dma_wait3A_686 = tpu.memref_squeeze %dma_wait3A_685 : memref<1x240x721xf32, #tpu.memory_space<vmem_shared>> -> memref<240x721xf32, #tpu.memory_space<vmem_shared>>
    tpu.wait_dma2 semaphore(%arg24 : memref<!tpu.dma_semaphore, #tpu.memory_space<semaphore_mem>>) src(%dma_wait3A_686 : memref<240x721xf32, #tpu.memory_space<vmem_shared>>) dst(%dma_wait3A_682 : memref<240x721xf32, #tpu.memory_space<hbm>>)
    %add3A_687 = arith.constant 240 : i32
    %add3A_688 = arith.addi %multiple_of3A, %add3A_687 : i32
    %dma_start3A_689 = arith.constant 1 : i32
    %dma_start3A_690 = arith.constant 0 : i32
    %dma_start3A_691 = arith.constant 0 : i32
    %dma_start3A_692 = tpu.memref_slice %arg16[%dma_start3A_689, %dma_start3A_690, %dma_start3A_691] : memref<6x240x721xf32, #tpu.memory_space<vmem_shared>> -> memref<1x240x721xf32, #tpu.memory_space<vmem_shared>>
    %dma_start3A_693 = tpu.memref_squeeze %dma_start3A_692 : memref<1x240x721xf32, #tpu.memory_space<vmem_shared>> -> memref<240x721xf32, #tpu.memory_space<vmem_shared>>
    %dma_start3A_694 = arith.constant 0 : i32
    %dma_start3A_695 = tpu.memref_slice %arg1[%get3A_31, %add3A_688, %dma_start3A_694] : memref<37x1440x721xf32, #tpu.memory_space<hbm>> -> memref<1x240x721xf32, #tpu.memory_space<hbm>>
    %dma_start3A_696 = tpu.memref_squeeze %dma_start3A_695 : memref<1x240x721xf32, #tpu.memory_space<hbm>> -> memref<240x721xf32, #tpu.memory_space<hbm>>
    tpu.enqueue_dma source(%dma_start3A_696 : memref<240x721xf32, #tpu.memory_space<hbm>>) target(%dma_start3A_693 : memref<240x721xf32, #tpu.memory_space<vmem_shared>>) target_semaphore(%arg18 : memref<!tpu.dma_semaphore, #tpu.memory_space<semaphore_mem>>)
    %dma_wait3A_697 = arith.constant 5 : i32
    %dma_wait3A_698 = arith.constant 0 : i32
    %dma_wait3A_699 = arith.constant 0 : i32
    %dma_wait3A_700 = tpu.memref_slice %arg16[%dma_wait3A_697, %dma_wait3A_698, %dma_wait3A_699] : memref<6x240x721xf32, #tpu.memory_space<vmem_shared>> -> memref<1x240x721xf32, #tpu.memory_space<vmem_shared>>
    %dma_wait3A_701 = tpu.memref_squeeze %dma_wait3A_700 : memref<1x240x721xf32, #tpu.memory_space<vmem_shared>> -> memref<240x721xf32, #tpu.memory_space<vmem_shared>>
    %dma_wait3A_702 = arith.constant 0 : i32
    %dma_wait3A_703 = tpu.memref_slice %arg1[%get3A_28, %add3A_612, %dma_wait3A_702] : memref<37x1440x721xf32, #tpu.memory_space<hbm>> -> memref<1x240x721xf32, #tpu.memory_space<hbm>>
    %dma_wait3A_704 = tpu.memref_squeeze %dma_wait3A_703 : memref<1x240x721xf32, #tpu.memory_space<hbm>> -> memref<240x721xf32, #tpu.memory_space<hbm>>
    tpu.wait_dma2 semaphore(%arg22 : memref<!tpu.dma_semaphore, #tpu.memory_space<semaphore_mem>>) src(%dma_wait3A_704 : memref<240x721xf32, #tpu.memory_space<hbm>>) dst(%dma_wait3A_701 : memref<240x721xf32, #tpu.memory_space<vmem_shared>>)
    %add3A_705 = arith.constant 480 : i32
    %add3A_706 = arith.addi %multiple_of3A, %add3A_705 : i32
    %dma_start3A_707 = arith.constant 5 : i32
    %dma_start3A_708 = arith.constant 5 : i32
    %dma_start3A_709 = arith.constant 0 : i32
    %dma_start3A_710 = tpu.memref_slice %arg15[%dma_start3A_708, %add3A_706, %dma_start3A_709] : memref<13x1440x721xf32, #tpu.memory_space<hbm>> -> memref<1x240x721xf32, #tpu.memory_space<hbm>>
    %dma_start3A_711 = tpu.memref_squeeze %dma_start3A_710 : memref<1x240x721xf32, #tpu.memory_space<hbm>> -> memref<240x721xf32, #tpu.memory_space<hbm>>
    %dma_start3A_712 = arith.constant 0 : i32
    %dma_start3A_713 = arith.constant 0 : i32
    %dma_start3A_714 = tpu.memref_slice %arg16[%dma_start3A_707, %dma_start3A_712, %dma_start3A_713] : memref<6x240x721xf32, #tpu.memory_space<vmem_shared>> -> memref<1x240x721xf32, #tpu.memory_space<vmem_shared>>
    %dma_start3A_715 = tpu.memref_squeeze %dma_start3A_714 : memref<1x240x721xf32, #tpu.memory_space<vmem_shared>> -> memref<240x721xf32, #tpu.memory_space<vmem_shared>>
    tpu.enqueue_dma source(%dma_start3A_715 : memref<240x721xf32, #tpu.memory_space<vmem_shared>>) target(%dma_start3A_711 : memref<240x721xf32, #tpu.memory_space<hbm>>) target_semaphore(%arg28 : memref<!tpu.dma_semaphore, #tpu.memory_space<semaphore_mem>>)
    %dma_wait3A_716 = arith.constant 2 : i32
    %dma_wait3A_717 = arith.constant 4 : i32
    %dma_wait3A_718 = arith.constant 0 : i32
    %dma_wait3A_719 = tpu.memref_slice %arg15[%dma_wait3A_717, %add3A_592, %dma_wait3A_718] : memref<13x1440x721xf32, #tpu.memory_space<hbm>> -> memref<1x240x721xf32, #tpu.memory_space<hbm>>
    %dma_wait3A_720 = tpu.memref_squeeze %dma_wait3A_719 : memref<1x240x721xf32, #tpu.memory_space<hbm>> -> memref<240x721xf32, #tpu.memory_space<hbm>>
    %dma_wait3A_721 = arith.constant 0 : i32
    %dma_wait3A_722 = arith.constant 0 : i32
    %dma_wait3A_723 = tpu.memref_slice %arg16[%dma_wait3A_716, %dma_wait3A_721, %dma_wait3A_722] : memref<6x240x721xf32, #tpu.memory_space<vmem_shared>> -> memref<1x240x721xf32, #tpu.memory_space<vmem_shared>>
    %dma_wait3A_724 = tpu.memref_squeeze %dma_wait3A_723 : memref<1x240x721xf32, #tpu.memory_space<vmem_shared>> -> memref<240x721xf32, #tpu.memory_space<vmem_shared>>
    tpu.wait_dma2 semaphore(%arg25 : memref<!tpu.dma_semaphore, #tpu.memory_space<semaphore_mem>>) src(%dma_wait3A_724 : memref<240x721xf32, #tpu.memory_space<vmem_shared>>) dst(%dma_wait3A_720 : memref<240x721xf32, #tpu.memory_space<hbm>>)
    %add3A_725 = arith.constant 480 : i32
    %add3A_726 = arith.addi %multiple_of3A, %add3A_725 : i32
    %dma_start3A_727 = arith.constant 2 : i32
    %dma_start3A_728 = arith.constant 0 : i32
    %dma_start3A_729 = arith.constant 0 : i32
    %dma_start3A_730 = tpu.memref_slice %arg16[%dma_start3A_727, %dma_start3A_728, %dma_start3A_729] : memref<6x240x721xf32, #tpu.memory_space<vmem_shared>> -> memref<1x240x721xf32, #tpu.memory_space<vmem_shared>>
    %dma_start3A_731 = tpu.memref_squeeze %dma_start3A_730 : memref<1x240x721xf32, #tpu.memory_space<vmem_shared>> -> memref<240x721xf32, #tpu.memory_space<vmem_shared>>
    %dma_start3A_732 = arith.constant 0 : i32
    %dma_start3A_733 = tpu.memref_slice %arg1[%get3A_31, %add3A_726, %dma_start3A_732] : memref<37x1440x721xf32, #tpu.memory_space<hbm>> -> memref<1x240x721xf32, #tpu.memory_space<hbm>>
    %dma_start3A_734 = tpu.memref_squeeze %dma_start3A_733 : memref<1x240x721xf32, #tpu.memory_space<hbm>> -> memref<240x721xf32, #tpu.memory_space<hbm>>
    tpu.enqueue_dma source(%dma_start3A_734 : memref<240x721xf32, #tpu.memory_space<hbm>>) target(%dma_start3A_731 : memref<240x721xf32, #tpu.memory_space<vmem_shared>>) target_semaphore(%arg19 : memref<!tpu.dma_semaphore, #tpu.memory_space<semaphore_mem>>)
    %dma_wait3A_735 = arith.constant 0 : i32
    %dma_wait3A_736 = arith.constant 0 : i32
    %dma_wait3A_737 = arith.constant 0 : i32
    %dma_wait3A_738 = tpu.memref_slice %arg16[%dma_wait3A_735, %dma_wait3A_736, %dma_wait3A_737] : memref<6x240x721xf32, #tpu.memory_space<vmem_shared>> -> memref<1x240x721xf32, #tpu.memory_space<vmem_shared>>
    %dma_wait3A_739 = tpu.memref_squeeze %dma_wait3A_738 : memref<1x240x721xf32, #tpu.memory_space<vmem_shared>> -> memref<240x721xf32, #tpu.memory_space<vmem_shared>>
    %dma_wait3A_740 = arith.constant 0 : i32
    %dma_wait3A_741 = tpu.memref_slice %arg1[%get3A_31, %add3A_650, %dma_wait3A_740] : memref<37x1440x721xf32, #tpu.memory_space<hbm>> -> memref<1x240x721xf32, #tpu.memory_space<hbm>>
    %dma_wait3A_742 = tpu.memref_squeeze %dma_wait3A_741 : memref<1x240x721xf32, #tpu.memory_space<hbm>> -> memref<240x721xf32, #tpu.memory_space<hbm>>
    tpu.wait_dma2 semaphore(%arg17 : memref<!tpu.dma_semaphore, #tpu.memory_space<semaphore_mem>>) src(%dma_wait3A_742 : memref<240x721xf32, #tpu.memory_space<hbm>>) dst(%dma_wait3A_739 : memref<240x721xf32, #tpu.memory_space<vmem_shared>>)
    %add3A_743 = arith.constant 0 : i32
    %add3A_744 = arith.addi %multiple_of3A, %add3A_743 : i32
    %dma_start3A_745 = arith.constant 0 : i32
    %dma_start3A_746 = arith.constant 6 : i32
    %dma_start3A_747 = arith.constant 0 : i32
    %dma_start3A_748 = tpu.memref_slice %arg15[%dma_start3A_746, %add3A_744, %dma_start3A_747] : memref<13x1440x721xf32, #tpu.memory_space<hbm>> -> memref<1x240x721xf32, #tpu.memory_space<hbm>>
    %dma_start3A_749 = tpu.memref_squeeze %dma_start3A_748 : memref<1x240x721xf32, #tpu.memory_space<hbm>> -> memref<240x721xf32, #tpu.memory_space<hbm>>
    %dma_start3A_750 = arith.constant 0 : i32
    %dma_start3A_751 = arith.constant 0 : i32
    %dma_start3A_752 = tpu.memref_slice %arg16[%dma_start3A_745, %dma_start3A_750, %dma_start3A_751] : memref<6x240x721xf32, #tpu.memory_space<vmem_shared>> -> memref<1x240x721xf32, #tpu.memory_space<vmem_shared>>
    %dma_start3A_753 = tpu.memref_squeeze %dma_start3A_752 : memref<1x240x721xf32, #tpu.memory_space<vmem_shared>> -> memref<240x721xf32, #tpu.memory_space<vmem_shared>>
    tpu.enqueue_dma source(%dma_start3A_753 : memref<240x721xf32, #tpu.memory_space<vmem_shared>>) target(%dma_start3A_749 : memref<240x721xf32, #tpu.memory_space<hbm>>) target_semaphore(%arg23 : memref<!tpu.dma_semaphore, #tpu.memory_space<semaphore_mem>>)
    %dma_wait3A_754 = arith.constant 3 : i32
    %dma_wait3A_755 = arith.constant 5 : i32
    %dma_wait3A_756 = arith.constant 0 : i32
    %dma_wait3A_757 = tpu.memref_slice %arg15[%dma_wait3A_755, %add3A_630, %dma_wait3A_756] : memref<13x1440x721xf32, #tpu.memory_space<hbm>> -> memref<1x240x721xf32, #tpu.memory_space<hbm>>
    %dma_wait3A_758 = tpu.memref_squeeze %dma_wait3A_757 : memref<1x240x721xf32, #tpu.memory_space<hbm>> -> memref<240x721xf32, #tpu.memory_space<hbm>>
    %dma_wait3A_759 = arith.constant 0 : i32
    %dma_wait3A_760 = arith.constant 0 : i32
    %dma_wait3A_761 = tpu.memref_slice %arg16[%dma_wait3A_754, %dma_wait3A_759, %dma_wait3A_760] : memref<6x240x721xf32, #tpu.memory_space<vmem_shared>> -> memref<1x240x721xf32, #tpu.memory_space<vmem_shared>>
    %dma_wait3A_762 = tpu.memref_squeeze %dma_wait3A_761 : memref<1x240x721xf32, #tpu.memory_space<vmem_shared>> -> memref<240x721xf32, #tpu.memory_space<vmem_shared>>
    tpu.wait_dma2 semaphore(%arg26 : memref<!tpu.dma_semaphore, #tpu.memory_space<semaphore_mem>>) src(%dma_wait3A_762 : memref<240x721xf32, #tpu.memory_space<vmem_shared>>) dst(%dma_wait3A_758 : memref<240x721xf32, #tpu.memory_space<hbm>>)
    %add3A_763 = arith.constant 0 : i32
    %add3A_764 = arith.addi %multiple_of3A, %add3A_763 : i32
    %dma_start3A_765 = arith.constant 3 : i32
    %dma_start3A_766 = arith.constant 0 : i32
    %dma_start3A_767 = arith.constant 0 : i32
    %dma_start3A_768 = tpu.memref_slice %arg16[%dma_start3A_765, %dma_start3A_766, %dma_start3A_767] : memref<6x240x721xf32, #tpu.memory_space<vmem_shared>> -> memref<1x240x721xf32, #tpu.memory_space<vmem_shared>>
    %dma_start3A_769 = tpu.memref_squeeze %dma_start3A_768 : memref<1x240x721xf32, #tpu.memory_space<vmem_shared>> -> memref<240x721xf32, #tpu.memory_space<vmem_shared>>
    %dma_start3A_770 = arith.constant 0 : i32
    %dma_start3A_771 = tpu.memref_slice %arg1[%get3A_34, %add3A_764, %dma_start3A_770] : memref<37x1440x721xf32, #tpu.memory_space<hbm>> -> memref<1x240x721xf32, #tpu.memory_space<hbm>>
    %dma_start3A_772 = tpu.memref_squeeze %dma_start3A_771 : memref<1x240x721xf32, #tpu.memory_space<hbm>> -> memref<240x721xf32, #tpu.memory_space<hbm>>
    tpu.enqueue_dma source(%dma_start3A_772 : memref<240x721xf32, #tpu.memory_space<hbm>>) target(%dma_start3A_769 : memref<240x721xf32, #tpu.memory_space<vmem_shared>>) target_semaphore(%arg20 : memref<!tpu.dma_semaphore, #tpu.memory_space<semaphore_mem>>)
    %dma_wait3A_773 = arith.constant 1 : i32
    %dma_wait3A_774 = arith.constant 0 : i32
    %dma_wait3A_775 = arith.constant 0 : i32
    %dma_wait3A_776 = tpu.memref_slice %arg16[%dma_wait3A_773, %dma_wait3A_774, %dma_wait3A_775] : memref<6x240x721xf32, #tpu.memory_space<vmem_shared>> -> memref<1x240x721xf32, #tpu.memory_space<vmem_shared>>
    %dma_wait3A_777 = tpu.memref_squeeze %dma_wait3A_776 : memref<1x240x721xf32, #tpu.memory_space<vmem_shared>> -> memref<240x721xf32, #tpu.memory_space<vmem_shared>>
    %dma_wait3A_778 = arith.constant 0 : i32
    %dma_wait3A_779 = tpu.memref_slice %arg1[%get3A_31, %add3A_688, %dma_wait3A_778] : memref<37x1440x721xf32, #tpu.memory_space<hbm>> -> memref<1x240x721xf32, #tpu.memory_space<hbm>>
    %dma_wait3A_780 = tpu.memref_squeeze %dma_wait3A_779 : memref<1x240x721xf32, #tpu.memory_space<hbm>> -> memref<240x721xf32, #tpu.memory_space<hbm>>
    tpu.wait_dma2 semaphore(%arg18 : memref<!tpu.dma_semaphore, #tpu.memory_space<semaphore_mem>>) src(%dma_wait3A_780 : memref<240x721xf32, #tpu.memory_space<hbm>>) dst(%dma_wait3A_777 : memref<240x721xf32, #tpu.memory_space<vmem_shared>>)
    %add3A_781 = arith.constant 240 : i32
    %add3A_782 = arith.addi %multiple_of3A, %add3A_781 : i32
    %dma_start3A_783 = arith.constant 1 : i32
    %dma_start3A_784 = arith.constant 6 : i32
    %dma_start3A_785 = arith.constant 0 : i32
    %dma_start3A_786 = tpu.memref_slice %arg15[%dma_start3A_784, %add3A_782, %dma_start3A_785] : memref<13x1440x721xf32, #tpu.memory_space<hbm>> -> memref<1x240x721xf32, #tpu.memory_space<hbm>>
    %dma_start3A_787 = tpu.memref_squeeze %dma_start3A_786 : memref<1x240x721xf32, #tpu.memory_space<hbm>> -> memref<240x721xf32, #tpu.memory_space<hbm>>
    %dma_start3A_788 = arith.constant 0 : i32
    %dma_start3A_789 = arith.constant 0 : i32
    %dma_start3A_790 = tpu.memref_slice %arg16[%dma_start3A_783, %dma_start3A_788, %dma_start3A_789] : memref<6x240x721xf32, #tpu.memory_space<vmem_shared>> -> memref<1x240x721xf32, #tpu.memory_space<vmem_shared>>
    %dma_start3A_791 = tpu.memref_squeeze %dma_start3A_790 : memref<1x240x721xf32, #tpu.memory_space<vmem_shared>> -> memref<240x721xf32, #tpu.memory_space<vmem_shared>>
    tpu.enqueue_dma source(%dma_start3A_791 : memref<240x721xf32, #tpu.memory_space<vmem_shared>>) target(%dma_start3A_787 : memref<240x721xf32, #tpu.memory_space<hbm>>) target_semaphore(%arg24 : memref<!tpu.dma_semaphore, #tpu.memory_space<semaphore_mem>>)
    %dma_wait3A_792 = arith.constant 4 : i32
    %dma_wait3A_793 = arith.constant 5 : i32
    %dma_wait3A_794 = arith.constant 0 : i32
    %dma_wait3A_795 = tpu.memref_slice %arg15[%dma_wait3A_793, %add3A_668, %dma_wait3A_794] : memref<13x1440x721xf32, #tpu.memory_space<hbm>> -> memref<1x240x721xf32, #tpu.memory_space<hbm>>
    %dma_wait3A_796 = tpu.memref_squeeze %dma_wait3A_795 : memref<1x240x721xf32, #tpu.memory_space<hbm>> -> memref<240x721xf32, #tpu.memory_space<hbm>>
    %dma_wait3A_797 = arith.constant 0 : i32
    %dma_wait3A_798 = arith.constant 0 : i32
    %dma_wait3A_799 = tpu.memref_slice %arg16[%dma_wait3A_792, %dma_wait3A_797, %dma_wait3A_798] : memref<6x240x721xf32, #tpu.memory_space<vmem_shared>> -> memref<1x240x721xf32, #tpu.memory_space<vmem_shared>>
    %dma_wait3A_800 = tpu.memref_squeeze %dma_wait3A_799 : memref<1x240x721xf32, #tpu.memory_space<vmem_shared>> -> memref<240x721xf32, #tpu.memory_space<vmem_shared>>
    tpu.wait_dma2 semaphore(%arg27 : memref<!tpu.dma_semaphore, #tpu.memory_space<semaphore_mem>>) src(%dma_wait3A_800 : memref<240x721xf32, #tpu.memory_space<vmem_shared>>) dst(%dma_wait3A_796 : memref<240x721xf32, #tpu.memory_space<hbm>>)
    %add3A_801 = arith.constant 240 : i32
    %add3A_802 = arith.addi %multiple_of3A, %add3A_801 : i32
    %dma_start3A_803 = arith.constant 4 : i32
    %dma_start3A_804 = arith.constant 0 : i32
    %dma_start3A_805 = arith.constant 0 : i32
    %dma_start3A_806 = tpu.memref_slice %arg16[%dma_start3A_803, %dma_start3A_804, %dma_start3A_805] : memref<6x240x721xf32, #tpu.memory_space<vmem_shared>> -> memref<1x240x721xf32, #tpu.memory_space<vmem_shared>>
    %dma_start3A_807 = tpu.memref_squeeze %dma_start3A_806 : memref<1x240x721xf32, #tpu.memory_space<vmem_shared>> -> memref<240x721xf32, #tpu.memory_space<vmem_shared>>
    %dma_start3A_808 = arith.constant 0 : i32
    %dma_start3A_809 = tpu.memref_slice %arg1[%get3A_34, %add3A_802, %dma_start3A_808] : memref<37x1440x721xf32, #tpu.memory_space<hbm>> -> memref<1x240x721xf32, #tpu.memory_space<hbm>>
    %dma_start3A_810 = tpu.memref_squeeze %dma_start3A_809 : memref<1x240x721xf32, #tpu.memory_space<hbm>> -> memref<240x721xf32, #tpu.memory_space<hbm>>
    tpu.enqueue_dma source(%dma_start3A_810 : memref<240x721xf32, #tpu.memory_space<hbm>>) target(%dma_start3A_807 : memref<240x721xf32, #tpu.memory_space<vmem_shared>>) target_semaphore(%arg21 : memref<!tpu.dma_semaphore, #tpu.memory_space<semaphore_mem>>)
    %dma_wait3A_811 = arith.constant 2 : i32
    %dma_wait3A_812 = arith.constant 0 : i32
    %dma_wait3A_813 = arith.constant 0 : i32
    %dma_wait3A_814 = tpu.memref_slice %arg16[%dma_wait3A_811, %dma_wait3A_812, %dma_wait3A_813] : memref<6x240x721xf32, #tpu.memory_space<vmem_shared>> -> memref<1x240x721xf32, #tpu.memory_space<vmem_shared>>
    %dma_wait3A_815 = tpu.memref_squeeze %dma_wait3A_814 : memref<1x240x721xf32, #tpu.memory_space<vmem_shared>> -> memref<240x721xf32, #tpu.memory_space<vmem_shared>>
    %dma_wait3A_816 = arith.constant 0 : i32
    %dma_wait3A_817 = tpu.memref_slice %arg1[%get3A_31, %add3A_726, %dma_wait3A_816] : memref<37x1440x721xf32, #tpu.memory_space<hbm>> -> memref<1x240x721xf32, #tpu.memory_space<hbm>>
    %dma_wait3A_818 = tpu.memref_squeeze %dma_wait3A_817 : memref<1x240x721xf32, #tpu.memory_space<hbm>> -> memref<240x721xf32, #tpu.memory_space<hbm>>
    tpu.wait_dma2 semaphore(%arg19 : memref<!tpu.dma_semaphore, #tpu.memory_space<semaphore_mem>>) src(%dma_wait3A_818 : memref<240x721xf32, #tpu.memory_space<hbm>>) dst(%dma_wait3A_815 : memref<240x721xf32, #tpu.memory_space<vmem_shared>>)
    %add3A_819 = arith.constant 480 : i32
    %add3A_820 = arith.addi %multiple_of3A, %add3A_819 : i32
    %dma_start3A_821 = arith.constant 2 : i32
    %dma_start3A_822 = arith.constant 6 : i32
    %dma_start3A_823 = arith.constant 0 : i32
    %dma_start3A_824 = tpu.memref_slice %arg15[%dma_start3A_822, %add3A_820, %dma_start3A_823] : memref<13x1440x721xf32, #tpu.memory_space<hbm>> -> memref<1x240x721xf32, #tpu.memory_space<hbm>>
    %dma_start3A_825 = tpu.memref_squeeze %dma_start3A_824 : memref<1x240x721xf32, #tpu.memory_space<hbm>> -> memref<240x721xf32, #tpu.memory_space<hbm>>
    %dma_start3A_826 = arith.constant 0 : i32
    %dma_start3A_827 = arith.constant 0 : i32
    %dma_start3A_828 = tpu.memref_slice %arg16[%dma_start3A_821, %dma_start3A_826, %dma_start3A_827] : memref<6x240x721xf32, #tpu.memory_space<vmem_shared>> -> memref<1x240x721xf32, #tpu.memory_space<vmem_shared>>
    %dma_start3A_829 = tpu.memref_squeeze %dma_start3A_828 : memref<1x240x721xf32, #tpu.memory_space<vmem_shared>> -> memref<240x721xf32, #tpu.memory_space<vmem_shared>>
    tpu.enqueue_dma source(%dma_start3A_829 : memref<240x721xf32, #tpu.memory_space<vmem_shared>>) target(%dma_start3A_825 : memref<240x721xf32, #tpu.memory_space<hbm>>) target_semaphore(%arg25 : memref<!tpu.dma_semaphore, #tpu.memory_space<semaphore_mem>>)
    %dma_wait3A_830 = arith.constant 5 : i32
    %dma_wait3A_831 = arith.constant 5 : i32
    %dma_wait3A_832 = arith.constant 0 : i32
    %dma_wait3A_833 = tpu.memref_slice %arg15[%dma_wait3A_831, %add3A_706, %dma_wait3A_832] : memref<13x1440x721xf32, #tpu.memory_space<hbm>> -> memref<1x240x721xf32, #tpu.memory_space<hbm>>
    %dma_wait3A_834 = tpu.memref_squeeze %dma_wait3A_833 : memref<1x240x721xf32, #tpu.memory_space<hbm>> -> memref<240x721xf32, #tpu.memory_space<hbm>>
    %dma_wait3A_835 = arith.constant 0 : i32
    %dma_wait3A_836 = arith.constant 0 : i32
    %dma_wait3A_837 = tpu.memref_slice %arg16[%dma_wait3A_830, %dma_wait3A_835, %dma_wait3A_836] : memref<6x240x721xf32, #tpu.memory_space<vmem_shared>> -> memref<1x240x721xf32, #tpu.memory_space<vmem_shared>>
    %dma_wait3A_838 = tpu.memref_squeeze %dma_wait3A_837 : memref<1x240x721xf32, #tpu.memory_space<vmem_shared>> -> memref<240x721xf32, #tpu.memory_space<vmem_shared>>
    tpu.wait_dma2 semaphore(%arg28 : memref<!tpu.dma_semaphore, #tpu.memory_space<semaphore_mem>>) src(%dma_wait3A_838 : memref<240x721xf32, #tpu.memory_space<vmem_shared>>) dst(%dma_wait3A_834 : memref<240x721xf32, #tpu.memory_space<hbm>>)
    %add3A_839 = arith.constant 480 : i32
    %add3A_840 = arith.addi %multiple_of3A, %add3A_839 : i32
    %dma_start3A_841 = arith.constant 5 : i32
    %dma_start3A_842 = arith.constant 0 : i32
    %dma_start3A_843 = arith.constant 0 : i32
    %dma_start3A_844 = tpu.memref_slice %arg16[%dma_start3A_841, %dma_start3A_842, %dma_start3A_843] : memref<6x240x721xf32, #tpu.memory_space<vmem_shared>> -> memref<1x240x721xf32, #tpu.memory_space<vmem_shared>>
    %dma_start3A_845 = tpu.memref_squeeze %dma_start3A_844 : memref<1x240x721xf32, #tpu.memory_space<vmem_shared>> -> memref<240x721xf32, #tpu.memory_space<vmem_shared>>
    %dma_start3A_846 = arith.constant 0 : i32
    %dma_start3A_847 = tpu.memref_slice %arg1[%get3A_34, %add3A_840, %dma_start3A_846] : memref<37x1440x721xf32, #tpu.memory_space<hbm>> -> memref<1x240x721xf32, #tpu.memory_space<hbm>>
    %dma_start3A_848 = tpu.memref_squeeze %dma_start3A_847 : memref<1x240x721xf32, #tpu.memory_space<hbm>> -> memref<240x721xf32, #tpu.memory_space<hbm>>
    tpu.enqueue_dma source(%dma_start3A_848 : memref<240x721xf32, #tpu.memory_space<hbm>>) target(%dma_start3A_845 : memref<240x721xf32, #tpu.memory_space<vmem_shared>>) target_semaphore(%arg22 : memref<!tpu.dma_semaphore, #tpu.memory_space<semaphore_mem>>)
    %dma_wait3A_849 = arith.constant 3 : i32
    %dma_wait3A_850 = arith.constant 0 : i32
    %dma_wait3A_851 = arith.constant 0 : i32
    %dma_wait3A_852 = tpu.memref_slice %arg16[%dma_wait3A_849, %dma_wait3A_850, %dma_wait3A_851] : memref<6x240x721xf32, #tpu.memory_space<vmem_shared>> -> memref<1x240x721xf32, #tpu.memory_space<vmem_shared>>
    %dma_wait3A_853 = tpu.memref_squeeze %dma_wait3A_852 : memref<1x240x721xf32, #tpu.memory_space<vmem_shared>> -> memref<240x721xf32, #tpu.memory_space<vmem_shared>>
    %dma_wait3A_854 = arith.constant 0 : i32
    %dma_wait3A_855 = tpu.memref_slice %arg1[%get3A_34, %add3A_764, %dma_wait3A_854] : memref<37x1440x721xf32, #tpu.memory_space<hbm>> -> memref<1x240x721xf32, #tpu.memory_space<hbm>>
    %dma_wait3A_856 = tpu.memref_squeeze %dma_wait3A_855 : memref<1x240x721xf32, #tpu.memory_space<hbm>> -> memref<240x721xf32, #tpu.memory_space<hbm>>
    tpu.wait_dma2 semaphore(%arg20 : memref<!tpu.dma_semaphore, #tpu.memory_space<semaphore_mem>>) src(%dma_wait3A_856 : memref<240x721xf32, #tpu.memory_space<hbm>>) dst(%dma_wait3A_853 : memref<240x721xf32, #tpu.memory_space<vmem_shared>>)
    %add3A_857 = arith.constant 0 : i32
    %add3A_858 = arith.addi %multiple_of3A, %add3A_857 : i32
    %dma_start3A_859 = arith.constant 3 : i32
    %dma_start3A_860 = arith.constant 7 : i32
    %dma_start3A_861 = arith.constant 0 : i32
    %dma_start3A_862 = tpu.memref_slice %arg15[%dma_start3A_860, %add3A_858, %dma_start3A_861] : memref<13x1440x721xf32, #tpu.memory_space<hbm>> -> memref<1x240x721xf32, #tpu.memory_space<hbm>>
    %dma_start3A_863 = tpu.memref_squeeze %dma_start3A_862 : memref<1x240x721xf32, #tpu.memory_space<hbm>> -> memref<240x721xf32, #tpu.memory_space<hbm>>
    %dma_start3A_864 = arith.constant 0 : i32
    %dma_start3A_865 = arith.constant 0 : i32
    %dma_start3A_866 = tpu.memref_slice %arg16[%dma_start3A_859, %dma_start3A_864, %dma_start3A_865] : memref<6x240x721xf32, #tpu.memory_space<vmem_shared>> -> memref<1x240x721xf32, #tpu.memory_space<vmem_shared>>
    %dma_start3A_867 = tpu.memref_squeeze %dma_start3A_866 : memref<1x240x721xf32, #tpu.memory_space<vmem_shared>> -> memref<240x721xf32, #tpu.memory_space<vmem_shared>>
    tpu.enqueue_dma source(%dma_start3A_867 : memref<240x721xf32, #tpu.memory_space<vmem_shared>>) target(%dma_start3A_863 : memref<240x721xf32, #tpu.memory_space<hbm>>) target_semaphore(%arg26 : memref<!tpu.dma_semaphore, #tpu.memory_space<semaphore_mem>>)
    %dma_wait3A_868 = arith.constant 0 : i32
    %dma_wait3A_869 = arith.constant 6 : i32
    %dma_wait3A_870 = arith.constant 0 : i32
    %dma_wait3A_871 = tpu.memref_slice %arg15[%dma_wait3A_869, %add3A_744, %dma_wait3A_870] : memref<13x1440x721xf32, #tpu.memory_space<hbm>> -> memref<1x240x721xf32, #tpu.memory_space<hbm>>
    %dma_wait3A_872 = tpu.memref_squeeze %dma_wait3A_871 : memref<1x240x721xf32, #tpu.memory_space<hbm>> -> memref<240x721xf32, #tpu.memory_space<hbm>>
    %dma_wait3A_873 = arith.constant 0 : i32
    %dma_wait3A_874 = arith.constant 0 : i32
    %dma_wait3A_875 = tpu.memref_slice %arg16[%dma_wait3A_868, %dma_wait3A_873, %dma_wait3A_874] : memref<6x240x721xf32, #tpu.memory_space<vmem_shared>> -> memref<1x240x721xf32, #tpu.memory_space<vmem_shared>>
    %dma_wait3A_876 = tpu.memref_squeeze %dma_wait3A_875 : memref<1x240x721xf32, #tpu.memory_space<vmem_shared>> -> memref<240x721xf32, #tpu.memory_space<vmem_shared>>
    tpu.wait_dma2 semaphore(%arg23 : memref<!tpu.dma_semaphore, #tpu.memory_space<semaphore_mem>>) src(%dma_wait3A_876 : memref<240x721xf32, #tpu.memory_space<vmem_shared>>) dst(%dma_wait3A_872 : memref<240x721xf32, #tpu.memory_space<hbm>>)
    %add3A_877 = arith.constant 0 : i32
    %add3A_878 = arith.addi %multiple_of3A, %add3A_877 : i32
    %dma_start3A_879 = arith.constant 0 : i32
    %dma_start3A_880 = arith.constant 0 : i32
    %dma_start3A_881 = arith.constant 0 : i32
    %dma_start3A_882 = tpu.memref_slice %arg16[%dma_start3A_879, %dma_start3A_880, %dma_start3A_881] : memref<6x240x721xf32, #tpu.memory_space<vmem_shared>> -> memref<1x240x721xf32, #tpu.memory_space<vmem_shared>>
    %dma_start3A_883 = tpu.memref_squeeze %dma_start3A_882 : memref<1x240x721xf32, #tpu.memory_space<vmem_shared>> -> memref<240x721xf32, #tpu.memory_space<vmem_shared>>
    %dma_start3A_884 = arith.constant 0 : i32
    %dma_start3A_885 = tpu.memref_slice %arg1[%get3A_37, %add3A_878, %dma_start3A_884] : memref<37x1440x721xf32, #tpu.memory_space<hbm>> -> memref<1x240x721xf32, #tpu.memory_space<hbm>>
    %dma_start3A_886 = tpu.memref_squeeze %dma_start3A_885 : memref<1x240x721xf32, #tpu.memory_space<hbm>> -> memref<240x721xf32, #tpu.memory_space<hbm>>
    tpu.enqueue_dma source(%dma_start3A_886 : memref<240x721xf32, #tpu.memory_space<hbm>>) target(%dma_start3A_883 : memref<240x721xf32, #tpu.memory_space<vmem_shared>>) target_semaphore(%arg17 : memref<!tpu.dma_semaphore, #tpu.memory_space<semaphore_mem>>)
    %dma_wait3A_887 = arith.constant 4 : i32
    %dma_wait3A_888 = arith.constant 0 : i32
    %dma_wait3A_889 = arith.constant 0 : i32
    %dma_wait3A_890 = tpu.memref_slice %arg16[%dma_wait3A_887, %dma_wait3A_888, %dma_wait3A_889] : memref<6x240x721xf32, #tpu.memory_space<vmem_shared>> -> memref<1x240x721xf32, #tpu.memory_space<vmem_shared>>
    %dma_wait3A_891 = tpu.memref_squeeze %dma_wait3A_890 : memref<1x240x721xf32, #tpu.memory_space<vmem_shared>> -> memref<240x721xf32, #tpu.memory_space<vmem_shared>>
    %dma_wait3A_892 = arith.constant 0 : i32
    %dma_wait3A_893 = tpu.memref_slice %arg1[%get3A_34, %add3A_802, %dma_wait3A_892] : memref<37x1440x721xf32, #tpu.memory_space<hbm>> -> memref<1x240x721xf32, #tpu.memory_space<hbm>>
    %dma_wait3A_894 = tpu.memref_squeeze %dma_wait3A_893 : memref<1x240x721xf32, #tpu.memory_space<hbm>> -> memref<240x721xf32, #tpu.memory_space<hbm>>
    tpu.wait_dma2 semaphore(%arg21 : memref<!tpu.dma_semaphore, #tpu.memory_space<semaphore_mem>>) src(%dma_wait3A_894 : memref<240x721xf32, #tpu.memory_space<hbm>>) dst(%dma_wait3A_891 : memref<240x721xf32, #tpu.memory_space<vmem_shared>>)
    %add3A_895 = arith.constant 240 : i32
    %add3A_896 = arith.addi %multiple_of3A, %add3A_895 : i32
    %dma_start3A_897 = arith.constant 4 : i32
    %dma_start3A_898 = arith.constant 7 : i32
    %dma_start3A_899 = arith.constant 0 : i32
    %dma_start3A_900 = tpu.memref_slice %arg15[%dma_start3A_898, %add3A_896, %dma_start3A_899] : memref<13x1440x721xf32, #tpu.memory_space<hbm>> -> memref<1x240x721xf32, #tpu.memory_space<hbm>>
    %dma_start3A_901 = tpu.memref_squeeze %dma_start3A_900 : memref<1x240x721xf32, #tpu.memory_space<hbm>> -> memref<240x721xf32, #tpu.memory_space<hbm>>
    %dma_start3A_902 = arith.constant 0 : i32
    %dma_start3A_903 = arith.constant 0 : i32
    %dma_start3A_904 = tpu.memref_slice %arg16[%dma_start3A_897, %dma_start3A_902, %dma_start3A_903] : memref<6x240x721xf32, #tpu.memory_space<vmem_shared>> -> memref<1x240x721xf32, #tpu.memory_space<vmem_shared>>
    %dma_start3A_905 = tpu.memref_squeeze %dma_start3A_904 : memref<1x240x721xf32, #tpu.memory_space<vmem_shared>> -> memref<240x721xf32, #tpu.memory_space<vmem_shared>>
    tpu.enqueue_dma source(%dma_start3A_905 : memref<240x721xf32, #tpu.memory_space<vmem_shared>>) target(%dma_start3A_901 : memref<240x721xf32, #tpu.memory_space<hbm>>) target_semaphore(%arg27 : memref<!tpu.dma_semaphore, #tpu.memory_space<semaphore_mem>>)
    %dma_wait3A_906 = arith.constant 1 : i32
    %dma_wait3A_907 = arith.constant 6 : i32
    %dma_wait3A_908 = arith.constant 0 : i32
    %dma_wait3A_909 = tpu.memref_slice %arg15[%dma_wait3A_907, %add3A_782, %dma_wait3A_908] : memref<13x1440x721xf32, #tpu.memory_space<hbm>> -> memref<1x240x721xf32, #tpu.memory_space<hbm>>
    %dma_wait3A_910 = tpu.memref_squeeze %dma_wait3A_909 : memref<1x240x721xf32, #tpu.memory_space<hbm>> -> memref<240x721xf32, #tpu.memory_space<hbm>>
    %dma_wait3A_911 = arith.constant 0 : i32
    %dma_wait3A_912 = arith.constant 0 : i32
    %dma_wait3A_913 = tpu.memref_slice %arg16[%dma_wait3A_906, %dma_wait3A_911, %dma_wait3A_912] : memref<6x240x721xf32, #tpu.memory_space<vmem_shared>> -> memref<1x240x721xf32, #tpu.memory_space<vmem_shared>>
    %dma_wait3A_914 = tpu.memref_squeeze %dma_wait3A_913 : memref<1x240x721xf32, #tpu.memory_space<vmem_shared>> -> memref<240x721xf32, #tpu.memory_space<vmem_shared>>
    tpu.wait_dma2 semaphore(%arg24 : memref<!tpu.dma_semaphore, #tpu.memory_space<semaphore_mem>>) src(%dma_wait3A_914 : memref<240x721xf32, #tpu.memory_space<vmem_shared>>) dst(%dma_wait3A_910 : memref<240x721xf32, #tpu.memory_space<hbm>>)
    %add3A_915 = arith.constant 240 : i32
    %add3A_916 = arith.addi %multiple_of3A, %add3A_915 : i32
    %dma_start3A_917 = arith.constant 1 : i32
    %dma_start3A_918 = arith.constant 0 : i32
    %dma_start3A_919 = arith.constant 0 : i32
    %dma_start3A_920 = tpu.memref_slice %arg16[%dma_start3A_917, %dma_start3A_918, %dma_start3A_919] : memref<6x240x721xf32, #tpu.memory_space<vmem_shared>> -> memref<1x240x721xf32, #tpu.memory_space<vmem_shared>>
    %dma_start3A_921 = tpu.memref_squeeze %dma_start3A_920 : memref<1x240x721xf32, #tpu.memory_space<vmem_shared>> -> memref<240x721xf32, #tpu.memory_space<vmem_shared>>
    %dma_start3A_922 = arith.constant 0 : i32
    %dma_start3A_923 = tpu.memref_slice %arg1[%get3A_37, %add3A_916, %dma_start3A_922] : memref<37x1440x721xf32, #tpu.memory_space<hbm>> -> memref<1x240x721xf32, #tpu.memory_space<hbm>>
    %dma_start3A_924 = tpu.memref_squeeze %dma_start3A_923 : memref<1x240x721xf32, #tpu.memory_space<hbm>> -> memref<240x721xf32, #tpu.memory_space<hbm>>
    tpu.enqueue_dma source(%dma_start3A_924 : memref<240x721xf32, #tpu.memory_space<hbm>>) target(%dma_start3A_921 : memref<240x721xf32, #tpu.memory_space<vmem_shared>>) target_semaphore(%arg18 : memref<!tpu.dma_semaphore, #tpu.memory_space<semaphore_mem>>)
    %dma_wait3A_925 = arith.constant 5 : i32
    %dma_wait3A_926 = arith.constant 0 : i32
    %dma_wait3A_927 = arith.constant 0 : i32
    %dma_wait3A_928 = tpu.memref_slice %arg16[%dma_wait3A_925, %dma_wait3A_926, %dma_wait3A_927] : memref<6x240x721xf32, #tpu.memory_space<vmem_shared>> -> memref<1x240x721xf32, #tpu.memory_space<vmem_shared>>
    %dma_wait3A_929 = tpu.memref_squeeze %dma_wait3A_928 : memref<1x240x721xf32, #tpu.memory_space<vmem_shared>> -> memref<240x721xf32, #tpu.memory_space<vmem_shared>>
    %dma_wait3A_930 = arith.constant 0 : i32
    %dma_wait3A_931 = tpu.memref_slice %arg1[%get3A_34, %add3A_840, %dma_wait3A_930] : memref<37x1440x721xf32, #tpu.memory_space<hbm>> -> memref<1x240x721xf32, #tpu.memory_space<hbm>>
    %dma_wait3A_932 = tpu.memref_squeeze %dma_wait3A_931 : memref<1x240x721xf32, #tpu.memory_space<hbm>> -> memref<240x721xf32, #tpu.memory_space<hbm>>
    tpu.wait_dma2 semaphore(%arg22 : memref<!tpu.dma_semaphore, #tpu.memory_space<semaphore_mem>>) src(%dma_wait3A_932 : memref<240x721xf32, #tpu.memory_space<hbm>>) dst(%dma_wait3A_929 : memref<240x721xf32, #tpu.memory_space<vmem_shared>>)
    %add3A_933 = arith.constant 480 : i32
    %add3A_934 = arith.addi %multiple_of3A, %add3A_933 : i32
    %dma_start3A_935 = arith.constant 5 : i32
    %dma_start3A_936 = arith.constant 7 : i32
    %dma_start3A_937 = arith.constant 0 : i32
    %dma_start3A_938 = tpu.memref_slice %arg15[%dma_start3A_936, %add3A_934, %dma_start3A_937] : memref<13x1440x721xf32, #tpu.memory_space<hbm>> -> memref<1x240x721xf32, #tpu.memory_space<hbm>>
    %dma_start3A_939 = tpu.memref_squeeze %dma_start3A_938 : memref<1x240x721xf32, #tpu.memory_space<hbm>> -> memref<240x721xf32, #tpu.memory_space<hbm>>
    %dma_start3A_940 = arith.constant 0 : i32
    %dma_start3A_941 = arith.constant 0 : i32
    %dma_start3A_942 = tpu.memref_slice %arg16[%dma_start3A_935, %dma_start3A_940, %dma_start3A_941] : memref<6x240x721xf32, #tpu.memory_space<vmem_shared>> -> memref<1x240x721xf32, #tpu.memory_space<vmem_shared>>
    %dma_start3A_943 = tpu.memref_squeeze %dma_start3A_942 : memref<1x240x721xf32, #tpu.memory_space<vmem_shared>> -> memref<240x721xf32, #tpu.memory_space<vmem_shared>>
    tpu.enqueue_dma source(%dma_start3A_943 : memref<240x721xf32, #tpu.memory_space<vmem_shared>>) target(%dma_start3A_939 : memref<240x721xf32, #tpu.memory_space<hbm>>) target_semaphore(%arg28 : memref<!tpu.dma_semaphore, #tpu.memory_space<semaphore_mem>>)
    %dma_wait3A_944 = arith.constant 2 : i32
    %dma_wait3A_945 = arith.constant 6 : i32
    %dma_wait3A_946 = arith.constant 0 : i32
    %dma_wait3A_947 = tpu.memref_slice %arg15[%dma_wait3A_945, %add3A_820, %dma_wait3A_946] : memref<13x1440x721xf32, #tpu.memory_space<hbm>> -> memref<1x240x721xf32, #tpu.memory_space<hbm>>
    %dma_wait3A_948 = tpu.memref_squeeze %dma_wait3A_947 : memref<1x240x721xf32, #tpu.memory_space<hbm>> -> memref<240x721xf32, #tpu.memory_space<hbm>>
    %dma_wait3A_949 = arith.constant 0 : i32
    %dma_wait3A_950 = arith.constant 0 : i32
    %dma_wait3A_951 = tpu.memref_slice %arg16[%dma_wait3A_944, %dma_wait3A_949, %dma_wait3A_950] : memref<6x240x721xf32, #tpu.memory_space<vmem_shared>> -> memref<1x240x721xf32, #tpu.memory_space<vmem_shared>>
    %dma_wait3A_952 = tpu.memref_squeeze %dma_wait3A_951 : memref<1x240x721xf32, #tpu.memory_space<vmem_shared>> -> memref<240x721xf32, #tpu.memory_space<vmem_shared>>
    tpu.wait_dma2 semaphore(%arg25 : memref<!tpu.dma_semaphore, #tpu.memory_space<semaphore_mem>>) src(%dma_wait3A_952 : memref<240x721xf32, #tpu.memory_space<vmem_shared>>) dst(%dma_wait3A_948 : memref<240x721xf32, #tpu.memory_space<hbm>>)
    %add3A_953 = arith.constant 480 : i32
    %add3A_954 = arith.addi %multiple_of3A, %add3A_953 : i32
    %dma_start3A_955 = arith.constant 2 : i32
    %dma_start3A_956 = arith.constant 0 : i32
    %dma_start3A_957 = arith.constant 0 : i32
    %dma_start3A_958 = tpu.memref_slice %arg16[%dma_start3A_955, %dma_start3A_956, %dma_start3A_957] : memref<6x240x721xf32, #tpu.memory_space<vmem_shared>> -> memref<1x240x721xf32, #tpu.memory_space<vmem_shared>>
    %dma_start3A_959 = tpu.memref_squeeze %dma_start3A_958 : memref<1x240x721xf32, #tpu.memory_space<vmem_shared>> -> memref<240x721xf32, #tpu.memory_space<vmem_shared>>
    %dma_start3A_960 = arith.constant 0 : i32
    %dma_start3A_961 = tpu.memref_slice %arg1[%get3A_37, %add3A_954, %dma_start3A_960] : memref<37x1440x721xf32, #tpu.memory_space<hbm>> -> memref<1x240x721xf32, #tpu.memory_space<hbm>>
    %dma_start3A_962 = tpu.memref_squeeze %dma_start3A_961 : memref<1x240x721xf32, #tpu.memory_space<hbm>> -> memref<240x721xf32, #tpu.memory_space<hbm>>
    tpu.enqueue_dma source(%dma_start3A_962 : memref<240x721xf32, #tpu.memory_space<hbm>>) target(%dma_start3A_959 : memref<240x721xf32, #tpu.memory_space<vmem_shared>>) target_semaphore(%arg19 : memref<!tpu.dma_semaphore, #tpu.memory_space<semaphore_mem>>)
    %dma_wait3A_963 = arith.constant 0 : i32
    %dma_wait3A_964 = arith.constant 0 : i32
    %dma_wait3A_965 = arith.constant 0 : i32
    %dma_wait3A_966 = tpu.memref_slice %arg16[%dma_wait3A_963, %dma_wait3A_964, %dma_wait3A_965] : memref<6x240x721xf32, #tpu.memory_space<vmem_shared>> -> memref<1x240x721xf32, #tpu.memory_space<vmem_shared>>
    %dma_wait3A_967 = tpu.memref_squeeze %dma_wait3A_966 : memref<1x240x721xf32, #tpu.memory_space<vmem_shared>> -> memref<240x721xf32, #tpu.memory_space<vmem_shared>>
    %dma_wait3A_968 = arith.constant 0 : i32
    %dma_wait3A_969 = tpu.memref_slice %arg1[%get3A_37, %add3A_878, %dma_wait3A_968] : memref<37x1440x721xf32, #tpu.memory_space<hbm>> -> memref<1x240x721xf32, #tpu.memory_space<hbm>>
    %dma_wait3A_970 = tpu.memref_squeeze %dma_wait3A_969 : memref<1x240x721xf32, #tpu.memory_space<hbm>> -> memref<240x721xf32, #tpu.memory_space<hbm>>
    tpu.wait_dma2 semaphore(%arg17 : memref<!tpu.dma_semaphore, #tpu.memory_space<semaphore_mem>>) src(%dma_wait3A_970 : memref<240x721xf32, #tpu.memory_space<hbm>>) dst(%dma_wait3A_967 : memref<240x721xf32, #tpu.memory_space<vmem_shared>>)
    %add3A_971 = arith.constant 0 : i32
    %add3A_972 = arith.addi %multiple_of3A, %add3A_971 : i32
    %dma_start3A_973 = arith.constant 0 : i32
    %dma_start3A_974 = arith.constant 8 : i32
    %dma_start3A_975 = arith.constant 0 : i32
    %dma_start3A_976 = tpu.memref_slice %arg15[%dma_start3A_974, %add3A_972, %dma_start3A_975] : memref<13x1440x721xf32, #tpu.memory_space<hbm>> -> memref<1x240x721xf32, #tpu.memory_space<hbm>>
    %dma_start3A_977 = tpu.memref_squeeze %dma_start3A_976 : memref<1x240x721xf32, #tpu.memory_space<hbm>> -> memref<240x721xf32, #tpu.memory_space<hbm>>
    %dma_start3A_978 = arith.constant 0 : i32
    %dma_start3A_979 = arith.constant 0 : i32
    %dma_start3A_980 = tpu.memref_slice %arg16[%dma_start3A_973, %dma_start3A_978, %dma_start3A_979] : memref<6x240x721xf32, #tpu.memory_space<vmem_shared>> -> memref<1x240x721xf32, #tpu.memory_space<vmem_shared>>
    %dma_start3A_981 = tpu.memref_squeeze %dma_start3A_980 : memref<1x240x721xf32, #tpu.memory_space<vmem_shared>> -> memref<240x721xf32, #tpu.memory_space<vmem_shared>>
    tpu.enqueue_dma source(%dma_start3A_981 : memref<240x721xf32, #tpu.memory_space<vmem_shared>>) target(%dma_start3A_977 : memref<240x721xf32, #tpu.memory_space<hbm>>) target_semaphore(%arg23 : memref<!tpu.dma_semaphore, #tpu.memory_space<semaphore_mem>>)
    %dma_wait3A_982 = arith.constant 3 : i32
    %dma_wait3A_983 = arith.constant 7 : i32
    %dma_wait3A_984 = arith.constant 0 : i32
    %dma_wait3A_985 = tpu.memref_slice %arg15[%dma_wait3A_983, %add3A_858, %dma_wait3A_984] : memref<13x1440x721xf32, #tpu.memory_space<hbm>> -> memref<1x240x721xf32, #tpu.memory_space<hbm>>
    %dma_wait3A_986 = tpu.memref_squeeze %dma_wait3A_985 : memref<1x240x721xf32, #tpu.memory_space<hbm>> -> memref<240x721xf32, #tpu.memory_space<hbm>>
    %dma_wait3A_987 = arith.constant 0 : i32
    %dma_wait3A_988 = arith.constant 0 : i32
    %dma_wait3A_989 = tpu.memref_slice %arg16[%dma_wait3A_982, %dma_wait3A_987, %dma_wait3A_988] : memref<6x240x721xf32, #tpu.memory_space<vmem_shared>> -> memref<1x240x721xf32, #tpu.memory_space<vmem_shared>>
    %dma_wait3A_990 = tpu.memref_squeeze %dma_wait3A_989 : memref<1x240x721xf32, #tpu.memory_space<vmem_shared>> -> memref<240x721xf32, #tpu.memory_space<vmem_shared>>
    tpu.wait_dma2 semaphore(%arg26 : memref<!tpu.dma_semaphore, #tpu.memory_space<semaphore_mem>>) src(%dma_wait3A_990 : memref<240x721xf32, #tpu.memory_space<vmem_shared>>) dst(%dma_wait3A_986 : memref<240x721xf32, #tpu.memory_space<hbm>>)
    %add3A_991 = arith.constant 0 : i32
    %add3A_992 = arith.addi %multiple_of3A, %add3A_991 : i32
    %dma_start3A_993 = arith.constant 3 : i32
    %dma_start3A_994 = arith.constant 0 : i32
    %dma_start3A_995 = arith.constant 0 : i32
    %dma_start3A_996 = tpu.memref_slice %arg16[%dma_start3A_993, %dma_start3A_994, %dma_start3A_995] : memref<6x240x721xf32, #tpu.memory_space<vmem_shared>> -> memref<1x240x721xf32, #tpu.memory_space<vmem_shared>>
    %dma_start3A_997 = tpu.memref_squeeze %dma_start3A_996 : memref<1x240x721xf32, #tpu.memory_space<vmem_shared>> -> memref<240x721xf32, #tpu.memory_space<vmem_shared>>
    %dma_start3A_998 = arith.constant 0 : i32
    %dma_start3A_999 = tpu.memref_slice %arg1[%get3A_40, %add3A_992, %dma_start3A_998] : memref<37x1440x721xf32, #tpu.memory_space<hbm>> -> memref<1x240x721xf32, #tpu.memory_space<hbm>>
    %dma_start3A_1000 = tpu.memref_squeeze %dma_start3A_999 : memref<1x240x721xf32, #tpu.memory_space<hbm>> -> memref<240x721xf32, #tpu.memory_space<hbm>>
    tpu.enqueue_dma source(%dma_start3A_1000 : memref<240x721xf32, #tpu.memory_space<hbm>>) target(%dma_start3A_997 : memref<240x721xf32, #tpu.memory_space<vmem_shared>>) target_semaphore(%arg20 : memref<!tpu.dma_semaphore, #tpu.memory_space<semaphore_mem>>)
    %dma_wait3A_1001 = arith.constant 1 : i32
    %dma_wait3A_1002 = arith.constant 0 : i32
    %dma_wait3A_1003 = arith.constant 0 : i32
    %dma_wait3A_1004 = tpu.memref_slice %arg16[%dma_wait3A_1001, %dma_wait3A_1002, %dma_wait3A_1003] : memref<6x240x721xf32, #tpu.memory_space<vmem_shared>> -> memref<1x240x721xf32, #tpu.memory_space<vmem_shared>>
    %dma_wait3A_1005 = tpu.memref_squeeze %dma_wait3A_1004 : memref<1x240x721xf32, #tpu.memory_space<vmem_shared>> -> memref<240x721xf32, #tpu.memory_space<vmem_shared>>
    %dma_wait3A_1006 = arith.constant 0 : i32
    %dma_wait3A_1007 = tpu.memref_slice %arg1[%get3A_37, %add3A_916, %dma_wait3A_1006] : memref<37x1440x721xf32, #tpu.memory_space<hbm>> -> memref<1x240x721xf32, #tpu.memory_space<hbm>>
    %dma_wait3A_1008 = tpu.memref_squeeze %dma_wait3A_1007 : memref<1x240x721xf32, #tpu.memory_space<hbm>> -> memref<240x721xf32, #tpu.memory_space<hbm>>
    tpu.wait_dma2 semaphore(%arg18 : memref<!tpu.dma_semaphore, #tpu.memory_space<semaphore_mem>>) src(%dma_wait3A_1008 : memref<240x721xf32, #tpu.memory_space<hbm>>) dst(%dma_wait3A_1005 : memref<240x721xf32, #tpu.memory_space<vmem_shared>>)
    %add3A_1009 = arith.constant 240 : i32
    %add3A_1010 = arith.addi %multiple_of3A, %add3A_1009 : i32
    %dma_start3A_1011 = arith.constant 1 : i32
    %dma_start3A_1012 = arith.constant 8 : i32
    %dma_start3A_1013 = arith.constant 0 : i32
    %dma_start3A_1014 = tpu.memref_slice %arg15[%dma_start3A_1012, %add3A_1010, %dma_start3A_1013] : memref<13x1440x721xf32, #tpu.memory_space<hbm>> -> memref<1x240x721xf32, #tpu.memory_space<hbm>>
    %dma_start3A_1015 = tpu.memref_squeeze %dma_start3A_1014 : memref<1x240x721xf32, #tpu.memory_space<hbm>> -> memref<240x721xf32, #tpu.memory_space<hbm>>
    %dma_start3A_1016 = arith.constant 0 : i32
    %dma_start3A_1017 = arith.constant 0 : i32
    %dma_start3A_1018 = tpu.memref_slice %arg16[%dma_start3A_1011, %dma_start3A_1016, %dma_start3A_1017] : memref<6x240x721xf32, #tpu.memory_space<vmem_shared>> -> memref<1x240x721xf32, #tpu.memory_space<vmem_shared>>
    %dma_start3A_1019 = tpu.memref_squeeze %dma_start3A_1018 : memref<1x240x721xf32, #tpu.memory_space<vmem_shared>> -> memref<240x721xf32, #tpu.memory_space<vmem_shared>>
    tpu.enqueue_dma source(%dma_start3A_1019 : memref<240x721xf32, #tpu.memory_space<vmem_shared>>) target(%dma_start3A_1015 : memref<240x721xf32, #tpu.memory_space<hbm>>) target_semaphore(%arg24 : memref<!tpu.dma_semaphore, #tpu.memory_space<semaphore_mem>>)
    %dma_wait3A_1020 = arith.constant 4 : i32
    %dma_wait3A_1021 = arith.constant 7 : i32
    %dma_wait3A_1022 = arith.constant 0 : i32
    %dma_wait3A_1023 = tpu.memref_slice %arg15[%dma_wait3A_1021, %add3A_896, %dma_wait3A_1022] : memref<13x1440x721xf32, #tpu.memory_space<hbm>> -> memref<1x240x721xf32, #tpu.memory_space<hbm>>
    %dma_wait3A_1024 = tpu.memref_squeeze %dma_wait3A_1023 : memref<1x240x721xf32, #tpu.memory_space<hbm>> -> memref<240x721xf32, #tpu.memory_space<hbm>>
    %dma_wait3A_1025 = arith.constant 0 : i32
    %dma_wait3A_1026 = arith.constant 0 : i32
    %dma_wait3A_1027 = tpu.memref_slice %arg16[%dma_wait3A_1020, %dma_wait3A_1025, %dma_wait3A_1026] : memref<6x240x721xf32, #tpu.memory_space<vmem_shared>> -> memref<1x240x721xf32, #tpu.memory_space<vmem_shared>>
    %dma_wait3A_1028 = tpu.memref_squeeze %dma_wait3A_1027 : memref<1x240x721xf32, #tpu.memory_space<vmem_shared>> -> memref<240x721xf32, #tpu.memory_space<vmem_shared>>
    tpu.wait_dma2 semaphore(%arg27 : memref<!tpu.dma_semaphore, #tpu.memory_space<semaphore_mem>>) src(%dma_wait3A_1028 : memref<240x721xf32, #tpu.memory_space<vmem_shared>>) dst(%dma_wait3A_1024 : memref<240x721xf32, #tpu.memory_space<hbm>>)
    %add3A_1029 = arith.constant 240 : i32
    %add3A_1030 = arith.addi %multiple_of3A, %add3A_1029 : i32
    %dma_start3A_1031 = arith.constant 4 : i32
    %dma_start3A_1032 = arith.constant 0 : i32
    %dma_start3A_1033 = arith.constant 0 : i32
    %dma_start3A_1034 = tpu.memref_slice %arg16[%dma_start3A_1031, %dma_start3A_1032, %dma_start3A_1033] : memref<6x240x721xf32, #tpu.memory_space<vmem_shared>> -> memref<1x240x721xf32, #tpu.memory_space<vmem_shared>>
    %dma_start3A_1035 = tpu.memref_squeeze %dma_start3A_1034 : memref<1x240x721xf32, #tpu.memory_space<vmem_shared>> -> memref<240x721xf32, #tpu.memory_space<vmem_shared>>
    %dma_start3A_1036 = arith.constant 0 : i32
    %dma_start3A_1037 = tpu.memref_slice %arg1[%get3A_40, %add3A_1030, %dma_start3A_1036] : memref<37x1440x721xf32, #tpu.memory_space<hbm>> -> memref<1x240x721xf32, #tpu.memory_space<hbm>>
    %dma_start3A_1038 = tpu.memref_squeeze %dma_start3A_1037 : memref<1x240x721xf32, #tpu.memory_space<hbm>> -> memref<240x721xf32, #tpu.memory_space<hbm>>
    tpu.enqueue_dma source(%dma_start3A_1038 : memref<240x721xf32, #tpu.memory_space<hbm>>) target(%dma_start3A_1035 : memref<240x721xf32, #tpu.memory_space<vmem_shared>>) target_semaphore(%arg21 : memref<!tpu.dma_semaphore, #tpu.memory_space<semaphore_mem>>)
    %dma_wait3A_1039 = arith.constant 2 : i32
    %dma_wait3A_1040 = arith.constant 0 : i32
    %dma_wait3A_1041 = arith.constant 0 : i32
    %dma_wait3A_1042 = tpu.memref_slice %arg16[%dma_wait3A_1039, %dma_wait3A_1040, %dma_wait3A_1041] : memref<6x240x721xf32, #tpu.memory_space<vmem_shared>> -> memref<1x240x721xf32, #tpu.memory_space<vmem_shared>>
    %dma_wait3A_1043 = tpu.memref_squeeze %dma_wait3A_1042 : memref<1x240x721xf32, #tpu.memory_space<vmem_shared>> -> memref<240x721xf32, #tpu.memory_space<vmem_shared>>
    %dma_wait3A_1044 = arith.constant 0 : i32
    %dma_wait3A_1045 = tpu.memref_slice %arg1[%get3A_37, %add3A_954, %dma_wait3A_1044] : memref<37x1440x721xf32, #tpu.memory_space<hbm>> -> memref<1x240x721xf32, #tpu.memory_space<hbm>>
    %dma_wait3A_1046 = tpu.memref_squeeze %dma_wait3A_1045 : memref<1x240x721xf32, #tpu.memory_space<hbm>> -> memref<240x721xf32, #tpu.memory_space<hbm>>
    tpu.wait_dma2 semaphore(%arg19 : memref<!tpu.dma_semaphore, #tpu.memory_space<semaphore_mem>>) src(%dma_wait3A_1046 : memref<240x721xf32, #tpu.memory_space<hbm>>) dst(%dma_wait3A_1043 : memref<240x721xf32, #tpu.memory_space<vmem_shared>>)
    %add3A_1047 = arith.constant 480 : i32
    %add3A_1048 = arith.addi %multiple_of3A, %add3A_1047 : i32
    %dma_start3A_1049 = arith.constant 2 : i32
    %dma_start3A_1050 = arith.constant 8 : i32
    %dma_start3A_1051 = arith.constant 0 : i32
    %dma_start3A_1052 = tpu.memref_slice %arg15[%dma_start3A_1050, %add3A_1048, %dma_start3A_1051] : memref<13x1440x721xf32, #tpu.memory_space<hbm>> -> memref<1x240x721xf32, #tpu.memory_space<hbm>>
    %dma_start3A_1053 = tpu.memref_squeeze %dma_start3A_1052 : memref<1x240x721xf32, #tpu.memory_space<hbm>> -> memref<240x721xf32, #tpu.memory_space<hbm>>
    %dma_start3A_1054 = arith.constant 0 : i32
    %dma_start3A_1055 = arith.constant 0 : i32
    %dma_start3A_1056 = tpu.memref_slice %arg16[%dma_start3A_1049, %dma_start3A_1054, %dma_start3A_1055] : memref<6x240x721xf32, #tpu.memory_space<vmem_shared>> -> memref<1x240x721xf32, #tpu.memory_space<vmem_shared>>
    %dma_start3A_1057 = tpu.memref_squeeze %dma_start3A_1056 : memref<1x240x721xf32, #tpu.memory_space<vmem_shared>> -> memref<240x721xf32, #tpu.memory_space<vmem_shared>>
    tpu.enqueue_dma source(%dma_start3A_1057 : memref<240x721xf32, #tpu.memory_space<vmem_shared>>) target(%dma_start3A_1053 : memref<240x721xf32, #tpu.memory_space<hbm>>) target_semaphore(%arg25 : memref<!tpu.dma_semaphore, #tpu.memory_space<semaphore_mem>>)
    %dma_wait3A_1058 = arith.constant 5 : i32
    %dma_wait3A_1059 = arith.constant 7 : i32
    %dma_wait3A_1060 = arith.constant 0 : i32
    %dma_wait3A_1061 = tpu.memref_slice %arg15[%dma_wait3A_1059, %add3A_934, %dma_wait3A_1060] : memref<13x1440x721xf32, #tpu.memory_space<hbm>> -> memref<1x240x721xf32, #tpu.memory_space<hbm>>
    %dma_wait3A_1062 = tpu.memref_squeeze %dma_wait3A_1061 : memref<1x240x721xf32, #tpu.memory_space<hbm>> -> memref<240x721xf32, #tpu.memory_space<hbm>>
    %dma_wait3A_1063 = arith.constant 0 : i32
    %dma_wait3A_1064 = arith.constant 0 : i32
    %dma_wait3A_1065 = tpu.memref_slice %arg16[%dma_wait3A_1058, %dma_wait3A_1063, %dma_wait3A_1064] : memref<6x240x721xf32, #tpu.memory_space<vmem_shared>> -> memref<1x240x721xf32, #tpu.memory_space<vmem_shared>>
    %dma_wait3A_1066 = tpu.memref_squeeze %dma_wait3A_1065 : memref<1x240x721xf32, #tpu.memory_space<vmem_shared>> -> memref<240x721xf32, #tpu.memory_space<vmem_shared>>
    tpu.wait_dma2 semaphore(%arg28 : memref<!tpu.dma_semaphore, #tpu.memory_space<semaphore_mem>>) src(%dma_wait3A_1066 : memref<240x721xf32, #tpu.memory_space<vmem_shared>>) dst(%dma_wait3A_1062 : memref<240x721xf32, #tpu.memory_space<hbm>>)
    %add3A_1067 = arith.constant 480 : i32
    %add3A_1068 = arith.addi %multiple_of3A, %add3A_1067 : i32
    %dma_start3A_1069 = arith.constant 5 : i32
    %dma_start3A_1070 = arith.constant 0 : i32
    %dma_start3A_1071 = arith.constant 0 : i32
    %dma_start3A_1072 = tpu.memref_slice %arg16[%dma_start3A_1069, %dma_start3A_1070, %dma_start3A_1071] : memref<6x240x721xf32, #tpu.memory_space<vmem_shared>> -> memref<1x240x721xf32, #tpu.memory_space<vmem_shared>>
    %dma_start3A_1073 = tpu.memref_squeeze %dma_start3A_1072 : memref<1x240x721xf32, #tpu.memory_space<vmem_shared>> -> memref<240x721xf32, #tpu.memory_space<vmem_shared>>
    %dma_start3A_1074 = arith.constant 0 : i32
    %dma_start3A_1075 = tpu.memref_slice %arg1[%get3A_40, %add3A_1068, %dma_start3A_1074] : memref<37x1440x721xf32, #tpu.memory_space<hbm>> -> memref<1x240x721xf32, #tpu.memory_space<hbm>>
    %dma_start3A_1076 = tpu.memref_squeeze %dma_start3A_1075 : memref<1x240x721xf32, #tpu.memory_space<hbm>> -> memref<240x721xf32, #tpu.memory_space<hbm>>
    tpu.enqueue_dma source(%dma_start3A_1076 : memref<240x721xf32, #tpu.memory_space<hbm>>) target(%dma_start3A_1073 : memref<240x721xf32, #tpu.memory_space<vmem_shared>>) target_semaphore(%arg22 : memref<!tpu.dma_semaphore, #tpu.memory_space<semaphore_mem>>)
    %dma_wait3A_1077 = arith.constant 3 : i32
    %dma_wait3A_1078 = arith.constant 0 : i32
    %dma_wait3A_1079 = arith.constant 0 : i32
    %dma_wait3A_1080 = tpu.memref_slice %arg16[%dma_wait3A_1077, %dma_wait3A_1078, %dma_wait3A_1079] : memref<6x240x721xf32, #tpu.memory_space<vmem_shared>> -> memref<1x240x721xf32, #tpu.memory_space<vmem_shared>>
    %dma_wait3A_1081 = tpu.memref_squeeze %dma_wait3A_1080 : memref<1x240x721xf32, #tpu.memory_space<vmem_shared>> -> memref<240x721xf32, #tpu.memory_space<vmem_shared>>
    %dma_wait3A_1082 = arith.constant 0 : i32
    %dma_wait3A_1083 = tpu.memref_slice %arg1[%get3A_40, %add3A_992, %dma_wait3A_1082] : memref<37x1440x721xf32, #tpu.memory_space<hbm>> -> memref<1x240x721xf32, #tpu.memory_space<hbm>>
    %dma_wait3A_1084 = tpu.memref_squeeze %dma_wait3A_1083 : memref<1x240x721xf32, #tpu.memory_space<hbm>> -> memref<240x721xf32, #tpu.memory_space<hbm>>
    tpu.wait_dma2 semaphore(%arg20 : memref<!tpu.dma_semaphore, #tpu.memory_space<semaphore_mem>>) src(%dma_wait3A_1084 : memref<240x721xf32, #tpu.memory_space<hbm>>) dst(%dma_wait3A_1081 : memref<240x721xf32, #tpu.memory_space<vmem_shared>>)
    %add3A_1085 = arith.constant 0 : i32
    %add3A_1086 = arith.addi %multiple_of3A, %add3A_1085 : i32
    %dma_start3A_1087 = arith.constant 3 : i32
    %dma_start3A_1088 = arith.constant 9 : i32
    %dma_start3A_1089 = arith.constant 0 : i32
    %dma_start3A_1090 = tpu.memref_slice %arg15[%dma_start3A_1088, %add3A_1086, %dma_start3A_1089] : memref<13x1440x721xf32, #tpu.memory_space<hbm>> -> memref<1x240x721xf32, #tpu.memory_space<hbm>>
    %dma_start3A_1091 = tpu.memref_squeeze %dma_start3A_1090 : memref<1x240x721xf32, #tpu.memory_space<hbm>> -> memref<240x721xf32, #tpu.memory_space<hbm>>
    %dma_start3A_1092 = arith.constant 0 : i32
    %dma_start3A_1093 = arith.constant 0 : i32
    %dma_start3A_1094 = tpu.memref_slice %arg16[%dma_start3A_1087, %dma_start3A_1092, %dma_start3A_1093] : memref<6x240x721xf32, #tpu.memory_space<vmem_shared>> -> memref<1x240x721xf32, #tpu.memory_space<vmem_shared>>
    %dma_start3A_1095 = tpu.memref_squeeze %dma_start3A_1094 : memref<1x240x721xf32, #tpu.memory_space<vmem_shared>> -> memref<240x721xf32, #tpu.memory_space<vmem_shared>>
    tpu.enqueue_dma source(%dma_start3A_1095 : memref<240x721xf32, #tpu.memory_space<vmem_shared>>) target(%dma_start3A_1091 : memref<240x721xf32, #tpu.memory_space<hbm>>) target_semaphore(%arg26 : memref<!tpu.dma_semaphore, #tpu.memory_space<semaphore_mem>>)
    %dma_wait3A_1096 = arith.constant 0 : i32
    %dma_wait3A_1097 = arith.constant 8 : i32
    %dma_wait3A_1098 = arith.constant 0 : i32
    %dma_wait3A_1099 = tpu.memref_slice %arg15[%dma_wait3A_1097, %add3A_972, %dma_wait3A_1098] : memref<13x1440x721xf32, #tpu.memory_space<hbm>> -> memref<1x240x721xf32, #tpu.memory_space<hbm>>
    %dma_wait3A_1100 = tpu.memref_squeeze %dma_wait3A_1099 : memref<1x240x721xf32, #tpu.memory_space<hbm>> -> memref<240x721xf32, #tpu.memory_space<hbm>>
    %dma_wait3A_1101 = arith.constant 0 : i32
    %dma_wait3A_1102 = arith.constant 0 : i32
    %dma_wait3A_1103 = tpu.memref_slice %arg16[%dma_wait3A_1096, %dma_wait3A_1101, %dma_wait3A_1102] : memref<6x240x721xf32, #tpu.memory_space<vmem_shared>> -> memref<1x240x721xf32, #tpu.memory_space<vmem_shared>>
    %dma_wait3A_1104 = tpu.memref_squeeze %dma_wait3A_1103 : memref<1x240x721xf32, #tpu.memory_space<vmem_shared>> -> memref<240x721xf32, #tpu.memory_space<vmem_shared>>
    tpu.wait_dma2 semaphore(%arg23 : memref<!tpu.dma_semaphore, #tpu.memory_space<semaphore_mem>>) src(%dma_wait3A_1104 : memref<240x721xf32, #tpu.memory_space<vmem_shared>>) dst(%dma_wait3A_1100 : memref<240x721xf32, #tpu.memory_space<hbm>>)
    %add3A_1105 = arith.constant 0 : i32
    %add3A_1106 = arith.addi %multiple_of3A, %add3A_1105 : i32
    %dma_start3A_1107 = arith.constant 0 : i32
    %dma_start3A_1108 = arith.constant 0 : i32
    %dma_start3A_1109 = arith.constant 0 : i32
    %dma_start3A_1110 = tpu.memref_slice %arg16[%dma_start3A_1107, %dma_start3A_1108, %dma_start3A_1109] : memref<6x240x721xf32, #tpu.memory_space<vmem_shared>> -> memref<1x240x721xf32, #tpu.memory_space<vmem_shared>>
    %dma_start3A_1111 = tpu.memref_squeeze %dma_start3A_1110 : memref<1x240x721xf32, #tpu.memory_space<vmem_shared>> -> memref<240x721xf32, #tpu.memory_space<vmem_shared>>
    %dma_start3A_1112 = arith.constant 0 : i32
    %dma_start3A_1113 = tpu.memref_slice %arg1[%get3A_43, %add3A_1106, %dma_start3A_1112] : memref<37x1440x721xf32, #tpu.memory_space<hbm>> -> memref<1x240x721xf32, #tpu.memory_space<hbm>>
    %dma_start3A_1114 = tpu.memref_squeeze %dma_start3A_1113 : memref<1x240x721xf32, #tpu.memory_space<hbm>> -> memref<240x721xf32, #tpu.memory_space<hbm>>
    tpu.enqueue_dma source(%dma_start3A_1114 : memref<240x721xf32, #tpu.memory_space<hbm>>) target(%dma_start3A_1111 : memref<240x721xf32, #tpu.memory_space<vmem_shared>>) target_semaphore(%arg17 : memref<!tpu.dma_semaphore, #tpu.memory_space<semaphore_mem>>)
    %dma_wait3A_1115 = arith.constant 4 : i32
    %dma_wait3A_1116 = arith.constant 0 : i32
    %dma_wait3A_1117 = arith.constant 0 : i32
    %dma_wait3A_1118 = tpu.memref_slice %arg16[%dma_wait3A_1115, %dma_wait3A_1116, %dma_wait3A_1117] : memref<6x240x721xf32, #tpu.memory_space<vmem_shared>> -> memref<1x240x721xf32, #tpu.memory_space<vmem_shared>>
    %dma_wait3A_1119 = tpu.memref_squeeze %dma_wait3A_1118 : memref<1x240x721xf32, #tpu.memory_space<vmem_shared>> -> memref<240x721xf32, #tpu.memory_space<vmem_shared>>
    %dma_wait3A_1120 = arith.constant 0 : i32
    %dma_wait3A_1121 = tpu.memref_slice %arg1[%get3A_40, %add3A_1030, %dma_wait3A_1120] : memref<37x1440x721xf32, #tpu.memory_space<hbm>> -> memref<1x240x721xf32, #tpu.memory_space<hbm>>
    %dma_wait3A_1122 = tpu.memref_squeeze %dma_wait3A_1121 : memref<1x240x721xf32, #tpu.memory_space<hbm>> -> memref<240x721xf32, #tpu.memory_space<hbm>>
    tpu.wait_dma2 semaphore(%arg21 : memref<!tpu.dma_semaphore, #tpu.memory_space<semaphore_mem>>) src(%dma_wait3A_1122 : memref<240x721xf32, #tpu.memory_space<hbm>>) dst(%dma_wait3A_1119 : memref<240x721xf32, #tpu.memory_space<vmem_shared>>)
    %add3A_1123 = arith.constant 240 : i32
    %add3A_1124 = arith.addi %multiple_of3A, %add3A_1123 : i32
    %dma_start3A_1125 = arith.constant 4 : i32
    %dma_start3A_1126 = arith.constant 9 : i32
    %dma_start3A_1127 = arith.constant 0 : i32
    %dma_start3A_1128 = tpu.memref_slice %arg15[%dma_start3A_1126, %add3A_1124, %dma_start3A_1127] : memref<13x1440x721xf32, #tpu.memory_space<hbm>> -> memref<1x240x721xf32, #tpu.memory_space<hbm>>
    %dma_start3A_1129 = tpu.memref_squeeze %dma_start3A_1128 : memref<1x240x721xf32, #tpu.memory_space<hbm>> -> memref<240x721xf32, #tpu.memory_space<hbm>>
    %dma_start3A_1130 = arith.constant 0 : i32
    %dma_start3A_1131 = arith.constant 0 : i32
    %dma_start3A_1132 = tpu.memref_slice %arg16[%dma_start3A_1125, %dma_start3A_1130, %dma_start3A_1131] : memref<6x240x721xf32, #tpu.memory_space<vmem_shared>> -> memref<1x240x721xf32, #tpu.memory_space<vmem_shared>>
    %dma_start3A_1133 = tpu.memref_squeeze %dma_start3A_1132 : memref<1x240x721xf32, #tpu.memory_space<vmem_shared>> -> memref<240x721xf32, #tpu.memory_space<vmem_shared>>
    tpu.enqueue_dma source(%dma_start3A_1133 : memref<240x721xf32, #tpu.memory_space<vmem_shared>>) target(%dma_start3A_1129 : memref<240x721xf32, #tpu.memory_space<hbm>>) target_semaphore(%arg27 : memref<!tpu.dma_semaphore, #tpu.memory_space<semaphore_mem>>)
    %dma_wait3A_1134 = arith.constant 1 : i32
    %dma_wait3A_1135 = arith.constant 8 : i32
    %dma_wait3A_1136 = arith.constant 0 : i32
    %dma_wait3A_1137 = tpu.memref_slice %arg15[%dma_wait3A_1135, %add3A_1010, %dma_wait3A_1136] : memref<13x1440x721xf32, #tpu.memory_space<hbm>> -> memref<1x240x721xf32, #tpu.memory_space<hbm>>
    %dma_wait3A_1138 = tpu.memref_squeeze %dma_wait3A_1137 : memref<1x240x721xf32, #tpu.memory_space<hbm>> -> memref<240x721xf32, #tpu.memory_space<hbm>>
    %dma_wait3A_1139 = arith.constant 0 : i32
    %dma_wait3A_1140 = arith.constant 0 : i32
    %dma_wait3A_1141 = tpu.memref_slice %arg16[%dma_wait3A_1134, %dma_wait3A_1139, %dma_wait3A_1140] : memref<6x240x721xf32, #tpu.memory_space<vmem_shared>> -> memref<1x240x721xf32, #tpu.memory_space<vmem_shared>>
    %dma_wait3A_1142 = tpu.memref_squeeze %dma_wait3A_1141 : memref<1x240x721xf32, #tpu.memory_space<vmem_shared>> -> memref<240x721xf32, #tpu.memory_space<vmem_shared>>
    tpu.wait_dma2 semaphore(%arg24 : memref<!tpu.dma_semaphore, #tpu.memory_space<semaphore_mem>>) src(%dma_wait3A_1142 : memref<240x721xf32, #tpu.memory_space<vmem_shared>>) dst(%dma_wait3A_1138 : memref<240x721xf32, #tpu.memory_space<hbm>>)
    %add3A_1143 = arith.constant 240 : i32
    %add3A_1144 = arith.addi %multiple_of3A, %add3A_1143 : i32
    %dma_start3A_1145 = arith.constant 1 : i32
    %dma_start3A_1146 = arith.constant 0 : i32
    %dma_start3A_1147 = arith.constant 0 : i32
    %dma_start3A_1148 = tpu.memref_slice %arg16[%dma_start3A_1145, %dma_start3A_1146, %dma_start3A_1147] : memref<6x240x721xf32, #tpu.memory_space<vmem_shared>> -> memref<1x240x721xf32, #tpu.memory_space<vmem_shared>>
    %dma_start3A_1149 = tpu.memref_squeeze %dma_start3A_1148 : memref<1x240x721xf32, #tpu.memory_space<vmem_shared>> -> memref<240x721xf32, #tpu.memory_space<vmem_shared>>
    %dma_start3A_1150 = arith.constant 0 : i32
    %dma_start3A_1151 = tpu.memref_slice %arg1[%get3A_43, %add3A_1144, %dma_start3A_1150] : memref<37x1440x721xf32, #tpu.memory_space<hbm>> -> memref<1x240x721xf32, #tpu.memory_space<hbm>>
    %dma_start3A_1152 = tpu.memref_squeeze %dma_start3A_1151 : memref<1x240x721xf32, #tpu.memory_space<hbm>> -> memref<240x721xf32, #tpu.memory_space<hbm>>
    tpu.enqueue_dma source(%dma_start3A_1152 : memref<240x721xf32, #tpu.memory_space<hbm>>) target(%dma_start3A_1149 : memref<240x721xf32, #tpu.memory_space<vmem_shared>>) target_semaphore(%arg18 : memref<!tpu.dma_semaphore, #tpu.memory_space<semaphore_mem>>)
    %dma_wait3A_1153 = arith.constant 5 : i32
    %dma_wait3A_1154 = arith.constant 0 : i32
    %dma_wait3A_1155 = arith.constant 0 : i32
    %dma_wait3A_1156 = tpu.memref_slice %arg16[%dma_wait3A_1153, %dma_wait3A_1154, %dma_wait3A_1155] : memref<6x240x721xf32, #tpu.memory_space<vmem_shared>> -> memref<1x240x721xf32, #tpu.memory_space<vmem_shared>>
    %dma_wait3A_1157 = tpu.memref_squeeze %dma_wait3A_1156 : memref<1x240x721xf32, #tpu.memory_space<vmem_shared>> -> memref<240x721xf32, #tpu.memory_space<vmem_shared>>
    %dma_wait3A_1158 = arith.constant 0 : i32
    %dma_wait3A_1159 = tpu.memref_slice %arg1[%get3A_40, %add3A_1068, %dma_wait3A_1158] : memref<37x1440x721xf32, #tpu.memory_space<hbm>> -> memref<1x240x721xf32, #tpu.memory_space<hbm>>
    %dma_wait3A_1160 = tpu.memref_squeeze %dma_wait3A_1159 : memref<1x240x721xf32, #tpu.memory_space<hbm>> -> memref<240x721xf32, #tpu.memory_space<hbm>>
    tpu.wait_dma2 semaphore(%arg22 : memref<!tpu.dma_semaphore, #tpu.memory_space<semaphore_mem>>) src(%dma_wait3A_1160 : memref<240x721xf32, #tpu.memory_space<hbm>>) dst(%dma_wait3A_1157 : memref<240x721xf32, #tpu.memory_space<vmem_shared>>)
    %add3A_1161 = arith.constant 480 : i32
    %add3A_1162 = arith.addi %multiple_of3A, %add3A_1161 : i32
    %dma_start3A_1163 = arith.constant 5 : i32
    %dma_start3A_1164 = arith.constant 9 : i32
    %dma_start3A_1165 = arith.constant 0 : i32
    %dma_start3A_1166 = tpu.memref_slice %arg15[%dma_start3A_1164, %add3A_1162, %dma_start3A_1165] : memref<13x1440x721xf32, #tpu.memory_space<hbm>> -> memref<1x240x721xf32, #tpu.memory_space<hbm>>
    %dma_start3A_1167 = tpu.memref_squeeze %dma_start3A_1166 : memref<1x240x721xf32, #tpu.memory_space<hbm>> -> memref<240x721xf32, #tpu.memory_space<hbm>>
    %dma_start3A_1168 = arith.constant 0 : i32
    %dma_start3A_1169 = arith.constant 0 : i32
    %dma_start3A_1170 = tpu.memref_slice %arg16[%dma_start3A_1163, %dma_start3A_1168, %dma_start3A_1169] : memref<6x240x721xf32, #tpu.memory_space<vmem_shared>> -> memref<1x240x721xf32, #tpu.memory_space<vmem_shared>>
    %dma_start3A_1171 = tpu.memref_squeeze %dma_start3A_1170 : memref<1x240x721xf32, #tpu.memory_space<vmem_shared>> -> memref<240x721xf32, #tpu.memory_space<vmem_shared>>
    tpu.enqueue_dma source(%dma_start3A_1171 : memref<240x721xf32, #tpu.memory_space<vmem_shared>>) target(%dma_start3A_1167 : memref<240x721xf32, #tpu.memory_space<hbm>>) target_semaphore(%arg28 : memref<!tpu.dma_semaphore, #tpu.memory_space<semaphore_mem>>)
    %dma_wait3A_1172 = arith.constant 2 : i32
    %dma_wait3A_1173 = arith.constant 8 : i32
    %dma_wait3A_1174 = arith.constant 0 : i32
    %dma_wait3A_1175 = tpu.memref_slice %arg15[%dma_wait3A_1173, %add3A_1048, %dma_wait3A_1174] : memref<13x1440x721xf32, #tpu.memory_space<hbm>> -> memref<1x240x721xf32, #tpu.memory_space<hbm>>
    %dma_wait3A_1176 = tpu.memref_squeeze %dma_wait3A_1175 : memref<1x240x721xf32, #tpu.memory_space<hbm>> -> memref<240x721xf32, #tpu.memory_space<hbm>>
    %dma_wait3A_1177 = arith.constant 0 : i32
    %dma_wait3A_1178 = arith.constant 0 : i32
    %dma_wait3A_1179 = tpu.memref_slice %arg16[%dma_wait3A_1172, %dma_wait3A_1177, %dma_wait3A_1178] : memref<6x240x721xf32, #tpu.memory_space<vmem_shared>> -> memref<1x240x721xf32, #tpu.memory_space<vmem_shared>>
    %dma_wait3A_1180 = tpu.memref_squeeze %dma_wait3A_1179 : memref<1x240x721xf32, #tpu.memory_space<vmem_shared>> -> memref<240x721xf32, #tpu.memory_space<vmem_shared>>
    tpu.wait_dma2 semaphore(%arg25 : memref<!tpu.dma_semaphore, #tpu.memory_space<semaphore_mem>>) src(%dma_wait3A_1180 : memref<240x721xf32, #tpu.memory_space<vmem_shared>>) dst(%dma_wait3A_1176 : memref<240x721xf32, #tpu.memory_space<hbm>>)
    %add3A_1181 = arith.constant 480 : i32
    %add3A_1182 = arith.addi %multiple_of3A, %add3A_1181 : i32
    %dma_start3A_1183 = arith.constant 2 : i32
    %dma_start3A_1184 = arith.constant 0 : i32
    %dma_start3A_1185 = arith.constant 0 : i32
    %dma_start3A_1186 = tpu.memref_slice %arg16[%dma_start3A_1183, %dma_start3A_1184, %dma_start3A_1185] : memref<6x240x721xf32, #tpu.memory_space<vmem_shared>> -> memref<1x240x721xf32, #tpu.memory_space<vmem_shared>>
    %dma_start3A_1187 = tpu.memref_squeeze %dma_start3A_1186 : memref<1x240x721xf32, #tpu.memory_space<vmem_shared>> -> memref<240x721xf32, #tpu.memory_space<vmem_shared>>
    %dma_start3A_1188 = arith.constant 0 : i32
    %dma_start3A_1189 = tpu.memref_slice %arg1[%get3A_43, %add3A_1182, %dma_start3A_1188] : memref<37x1440x721xf32, #tpu.memory_space<hbm>> -> memref<1x240x721xf32, #tpu.memory_space<hbm>>
    %dma_start3A_1190 = tpu.memref_squeeze %dma_start3A_1189 : memref<1x240x721xf32, #tpu.memory_space<hbm>> -> memref<240x721xf32, #tpu.memory_space<hbm>>
    tpu.enqueue_dma source(%dma_start3A_1190 : memref<240x721xf32, #tpu.memory_space<hbm>>) target(%dma_start3A_1187 : memref<240x721xf32, #tpu.memory_space<vmem_shared>>) target_semaphore(%arg19 : memref<!tpu.dma_semaphore, #tpu.memory_space<semaphore_mem>>)
    %dma_wait3A_1191 = arith.constant 0 : i32
    %dma_wait3A_1192 = arith.constant 0 : i32
    %dma_wait3A_1193 = arith.constant 0 : i32
    %dma_wait3A_1194 = tpu.memref_slice %arg16[%dma_wait3A_1191, %dma_wait3A_1192, %dma_wait3A_1193] : memref<6x240x721xf32, #tpu.memory_space<vmem_shared>> -> memref<1x240x721xf32, #tpu.memory_space<vmem_shared>>
    %dma_wait3A_1195 = tpu.memref_squeeze %dma_wait3A_1194 : memref<1x240x721xf32, #tpu.memory_space<vmem_shared>> -> memref<240x721xf32, #tpu.memory_space<vmem_shared>>
    %dma_wait3A_1196 = arith.constant 0 : i32
    %dma_wait3A_1197 = tpu.memref_slice %arg1[%get3A_43, %add3A_1106, %dma_wait3A_1196] : memref<37x1440x721xf32, #tpu.memory_space<hbm>> -> memref<1x240x721xf32, #tpu.memory_space<hbm>>
    %dma_wait3A_1198 = tpu.memref_squeeze %dma_wait3A_1197 : memref<1x240x721xf32, #tpu.memory_space<hbm>> -> memref<240x721xf32, #tpu.memory_space<hbm>>
    tpu.wait_dma2 semaphore(%arg17 : memref<!tpu.dma_semaphore, #tpu.memory_space<semaphore_mem>>) src(%dma_wait3A_1198 : memref<240x721xf32, #tpu.memory_space<hbm>>) dst(%dma_wait3A_1195 : memref<240x721xf32, #tpu.memory_space<vmem_shared>>)
    %add3A_1199 = arith.constant 0 : i32
    %add3A_1200 = arith.addi %multiple_of3A, %add3A_1199 : i32
    %dma_start3A_1201 = arith.constant 0 : i32
    %dma_start3A_1202 = arith.constant 10 : i32
    %dma_start3A_1203 = arith.constant 0 : i32
    %dma_start3A_1204 = tpu.memref_slice %arg15[%dma_start3A_1202, %add3A_1200, %dma_start3A_1203] : memref<13x1440x721xf32, #tpu.memory_space<hbm>> -> memref<1x240x721xf32, #tpu.memory_space<hbm>>
    %dma_start3A_1205 = tpu.memref_squeeze %dma_start3A_1204 : memref<1x240x721xf32, #tpu.memory_space<hbm>> -> memref<240x721xf32, #tpu.memory_space<hbm>>
    %dma_start3A_1206 = arith.constant 0 : i32
    %dma_start3A_1207 = arith.constant 0 : i32
    %dma_start3A_1208 = tpu.memref_slice %arg16[%dma_start3A_1201, %dma_start3A_1206, %dma_start3A_1207] : memref<6x240x721xf32, #tpu.memory_space<vmem_shared>> -> memref<1x240x721xf32, #tpu.memory_space<vmem_shared>>
    %dma_start3A_1209 = tpu.memref_squeeze %dma_start3A_1208 : memref<1x240x721xf32, #tpu.memory_space<vmem_shared>> -> memref<240x721xf32, #tpu.memory_space<vmem_shared>>
    tpu.enqueue_dma source(%dma_start3A_1209 : memref<240x721xf32, #tpu.memory_space<vmem_shared>>) target(%dma_start3A_1205 : memref<240x721xf32, #tpu.memory_space<hbm>>) target_semaphore(%arg23 : memref<!tpu.dma_semaphore, #tpu.memory_space<semaphore_mem>>)
    %dma_wait3A_1210 = arith.constant 3 : i32
    %dma_wait3A_1211 = arith.constant 9 : i32
    %dma_wait3A_1212 = arith.constant 0 : i32
    %dma_wait3A_1213 = tpu.memref_slice %arg15[%dma_wait3A_1211, %add3A_1086, %dma_wait3A_1212] : memref<13x1440x721xf32, #tpu.memory_space<hbm>> -> memref<1x240x721xf32, #tpu.memory_space<hbm>>
    %dma_wait3A_1214 = tpu.memref_squeeze %dma_wait3A_1213 : memref<1x240x721xf32, #tpu.memory_space<hbm>> -> memref<240x721xf32, #tpu.memory_space<hbm>>
    %dma_wait3A_1215 = arith.constant 0 : i32
    %dma_wait3A_1216 = arith.constant 0 : i32
    %dma_wait3A_1217 = tpu.memref_slice %arg16[%dma_wait3A_1210, %dma_wait3A_1215, %dma_wait3A_1216] : memref<6x240x721xf32, #tpu.memory_space<vmem_shared>> -> memref<1x240x721xf32, #tpu.memory_space<vmem_shared>>
    %dma_wait3A_1218 = tpu.memref_squeeze %dma_wait3A_1217 : memref<1x240x721xf32, #tpu.memory_space<vmem_shared>> -> memref<240x721xf32, #tpu.memory_space<vmem_shared>>
    tpu.wait_dma2 semaphore(%arg26 : memref<!tpu.dma_semaphore, #tpu.memory_space<semaphore_mem>>) src(%dma_wait3A_1218 : memref<240x721xf32, #tpu.memory_space<vmem_shared>>) dst(%dma_wait3A_1214 : memref<240x721xf32, #tpu.memory_space<hbm>>)
    %add3A_1219 = arith.constant 0 : i32
    %add3A_1220 = arith.addi %multiple_of3A, %add3A_1219 : i32
    %dma_start3A_1221 = arith.constant 3 : i32
    %dma_start3A_1222 = arith.constant 0 : i32
    %dma_start3A_1223 = arith.constant 0 : i32
    %dma_start3A_1224 = tpu.memref_slice %arg16[%dma_start3A_1221, %dma_start3A_1222, %dma_start3A_1223] : memref<6x240x721xf32, #tpu.memory_space<vmem_shared>> -> memref<1x240x721xf32, #tpu.memory_space<vmem_shared>>
    %dma_start3A_1225 = tpu.memref_squeeze %dma_start3A_1224 : memref<1x240x721xf32, #tpu.memory_space<vmem_shared>> -> memref<240x721xf32, #tpu.memory_space<vmem_shared>>
    %dma_start3A_1226 = arith.constant 0 : i32
    %dma_start3A_1227 = tpu.memref_slice %arg1[%get3A_46, %add3A_1220, %dma_start3A_1226] : memref<37x1440x721xf32, #tpu.memory_space<hbm>> -> memref<1x240x721xf32, #tpu.memory_space<hbm>>
    %dma_start3A_1228 = tpu.memref_squeeze %dma_start3A_1227 : memref<1x240x721xf32, #tpu.memory_space<hbm>> -> memref<240x721xf32, #tpu.memory_space<hbm>>
    tpu.enqueue_dma source(%dma_start3A_1228 : memref<240x721xf32, #tpu.memory_space<hbm>>) target(%dma_start3A_1225 : memref<240x721xf32, #tpu.memory_space<vmem_shared>>) target_semaphore(%arg20 : memref<!tpu.dma_semaphore, #tpu.memory_space<semaphore_mem>>)
    %dma_wait3A_1229 = arith.constant 1 : i32
    %dma_wait3A_1230 = arith.constant 0 : i32
    %dma_wait3A_1231 = arith.constant 0 : i32
    %dma_wait3A_1232 = tpu.memref_slice %arg16[%dma_wait3A_1229, %dma_wait3A_1230, %dma_wait3A_1231] : memref<6x240x721xf32, #tpu.memory_space<vmem_shared>> -> memref<1x240x721xf32, #tpu.memory_space<vmem_shared>>
    %dma_wait3A_1233 = tpu.memref_squeeze %dma_wait3A_1232 : memref<1x240x721xf32, #tpu.memory_space<vmem_shared>> -> memref<240x721xf32, #tpu.memory_space<vmem_shared>>
    %dma_wait3A_1234 = arith.constant 0 : i32
    %dma_wait3A_1235 = tpu.memref_slice %arg1[%get3A_43, %add3A_1144, %dma_wait3A_1234] : memref<37x1440x721xf32, #tpu.memory_space<hbm>> -> memref<1x240x721xf32, #tpu.memory_space<hbm>>
    %dma_wait3A_1236 = tpu.memref_squeeze %dma_wait3A_1235 : memref<1x240x721xf32, #tpu.memory_space<hbm>> -> memref<240x721xf32, #tpu.memory_space<hbm>>
    tpu.wait_dma2 semaphore(%arg18 : memref<!tpu.dma_semaphore, #tpu.memory_space<semaphore_mem>>) src(%dma_wait3A_1236 : memref<240x721xf32, #tpu.memory_space<hbm>>) dst(%dma_wait3A_1233 : memref<240x721xf32, #tpu.memory_space<vmem_shared>>)
    %add3A_1237 = arith.constant 240 : i32
    %add3A_1238 = arith.addi %multiple_of3A, %add3A_1237 : i32
    %dma_start3A_1239 = arith.constant 1 : i32
    %dma_start3A_1240 = arith.constant 10 : i32
    %dma_start3A_1241 = arith.constant 0 : i32
    %dma_start3A_1242 = tpu.memref_slice %arg15[%dma_start3A_1240, %add3A_1238, %dma_start3A_1241] : memref<13x1440x721xf32, #tpu.memory_space<hbm>> -> memref<1x240x721xf32, #tpu.memory_space<hbm>>
    %dma_start3A_1243 = tpu.memref_squeeze %dma_start3A_1242 : memref<1x240x721xf32, #tpu.memory_space<hbm>> -> memref<240x721xf32, #tpu.memory_space<hbm>>
    %dma_start3A_1244 = arith.constant 0 : i32
    %dma_start3A_1245 = arith.constant 0 : i32
    %dma_start3A_1246 = tpu.memref_slice %arg16[%dma_start3A_1239, %dma_start3A_1244, %dma_start3A_1245] : memref<6x240x721xf32, #tpu.memory_space<vmem_shared>> -> memref<1x240x721xf32, #tpu.memory_space<vmem_shared>>
    %dma_start3A_1247 = tpu.memref_squeeze %dma_start3A_1246 : memref<1x240x721xf32, #tpu.memory_space<vmem_shared>> -> memref<240x721xf32, #tpu.memory_space<vmem_shared>>
    tpu.enqueue_dma source(%dma_start3A_1247 : memref<240x721xf32, #tpu.memory_space<vmem_shared>>) target(%dma_start3A_1243 : memref<240x721xf32, #tpu.memory_space<hbm>>) target_semaphore(%arg24 : memref<!tpu.dma_semaphore, #tpu.memory_space<semaphore_mem>>)
    %dma_wait3A_1248 = arith.constant 4 : i32
    %dma_wait3A_1249 = arith.constant 9 : i32
    %dma_wait3A_1250 = arith.constant 0 : i32
    %dma_wait3A_1251 = tpu.memref_slice %arg15[%dma_wait3A_1249, %add3A_1124, %dma_wait3A_1250] : memref<13x1440x721xf32, #tpu.memory_space<hbm>> -> memref<1x240x721xf32, #tpu.memory_space<hbm>>
    %dma_wait3A_1252 = tpu.memref_squeeze %dma_wait3A_1251 : memref<1x240x721xf32, #tpu.memory_space<hbm>> -> memref<240x721xf32, #tpu.memory_space<hbm>>
    %dma_wait3A_1253 = arith.constant 0 : i32
    %dma_wait3A_1254 = arith.constant 0 : i32
    %dma_wait3A_1255 = tpu.memref_slice %arg16[%dma_wait3A_1248, %dma_wait3A_1253, %dma_wait3A_1254] : memref<6x240x721xf32, #tpu.memory_space<vmem_shared>> -> memref<1x240x721xf32, #tpu.memory_space<vmem_shared>>
    %dma_wait3A_1256 = tpu.memref_squeeze %dma_wait3A_1255 : memref<1x240x721xf32, #tpu.memory_space<vmem_shared>> -> memref<240x721xf32, #tpu.memory_space<vmem_shared>>
    tpu.wait_dma2 semaphore(%arg27 : memref<!tpu.dma_semaphore, #tpu.memory_space<semaphore_mem>>) src(%dma_wait3A_1256 : memref<240x721xf32, #tpu.memory_space<vmem_shared>>) dst(%dma_wait3A_1252 : memref<240x721xf32, #tpu.memory_space<hbm>>)
    %add3A_1257 = arith.constant 240 : i32
    %add3A_1258 = arith.addi %multiple_of3A, %add3A_1257 : i32
    %dma_start3A_1259 = arith.constant 4 : i32
    %dma_start3A_1260 = arith.constant 0 : i32
    %dma_start3A_1261 = arith.constant 0 : i32
    %dma_start3A_1262 = tpu.memref_slice %arg16[%dma_start3A_1259, %dma_start3A_1260, %dma_start3A_1261] : memref<6x240x721xf32, #tpu.memory_space<vmem_shared>> -> memref<1x240x721xf32, #tpu.memory_space<vmem_shared>>
    %dma_start3A_1263 = tpu.memref_squeeze %dma_start3A_1262 : memref<1x240x721xf32, #tpu.memory_space<vmem_shared>> -> memref<240x721xf32, #tpu.memory_space<vmem_shared>>
    %dma_start3A_1264 = arith.constant 0 : i32
    %dma_start3A_1265 = tpu.memref_slice %arg1[%get3A_46, %add3A_1258, %dma_start3A_1264] : memref<37x1440x721xf32, #tpu.memory_space<hbm>> -> memref<1x240x721xf32, #tpu.memory_space<hbm>>
    %dma_start3A_1266 = tpu.memref_squeeze %dma_start3A_1265 : memref<1x240x721xf32, #tpu.memory_space<hbm>> -> memref<240x721xf32, #tpu.memory_space<hbm>>
    tpu.enqueue_dma source(%dma_start3A_1266 : memref<240x721xf32, #tpu.memory_space<hbm>>) target(%dma_start3A_1263 : memref<240x721xf32, #tpu.memory_space<vmem_shared>>) target_semaphore(%arg21 : memref<!tpu.dma_semaphore, #tpu.memory_space<semaphore_mem>>)
    %dma_wait3A_1267 = arith.constant 2 : i32
    %dma_wait3A_1268 = arith.constant 0 : i32
    %dma_wait3A_1269 = arith.constant 0 : i32
    %dma_wait3A_1270 = tpu.memref_slice %arg16[%dma_wait3A_1267, %dma_wait3A_1268, %dma_wait3A_1269] : memref<6x240x721xf32, #tpu.memory_space<vmem_shared>> -> memref<1x240x721xf32, #tpu.memory_space<vmem_shared>>
    %dma_wait3A_1271 = tpu.memref_squeeze %dma_wait3A_1270 : memref<1x240x721xf32, #tpu.memory_space<vmem_shared>> -> memref<240x721xf32, #tpu.memory_space<vmem_shared>>
    %dma_wait3A_1272 = arith.constant 0 : i32
    %dma_wait3A_1273 = tpu.memref_slice %arg1[%get3A_43, %add3A_1182, %dma_wait3A_1272] : memref<37x1440x721xf32, #tpu.memory_space<hbm>> -> memref<1x240x721xf32, #tpu.memory_space<hbm>>
    %dma_wait3A_1274 = tpu.memref_squeeze %dma_wait3A_1273 : memref<1x240x721xf32, #tpu.memory_space<hbm>> -> memref<240x721xf32, #tpu.memory_space<hbm>>
    tpu.wait_dma2 semaphore(%arg19 : memref<!tpu.dma_semaphore, #tpu.memory_space<semaphore_mem>>) src(%dma_wait3A_1274 : memref<240x721xf32, #tpu.memory_space<hbm>>) dst(%dma_wait3A_1271 : memref<240x721xf32, #tpu.memory_space<vmem_shared>>)
    %add3A_1275 = arith.constant 480 : i32
    %add3A_1276 = arith.addi %multiple_of3A, %add3A_1275 : i32
    %dma_start3A_1277 = arith.constant 2 : i32
    %dma_start3A_1278 = arith.constant 10 : i32
    %dma_start3A_1279 = arith.constant 0 : i32
    %dma_start3A_1280 = tpu.memref_slice %arg15[%dma_start3A_1278, %add3A_1276, %dma_start3A_1279] : memref<13x1440x721xf32, #tpu.memory_space<hbm>> -> memref<1x240x721xf32, #tpu.memory_space<hbm>>
    %dma_start3A_1281 = tpu.memref_squeeze %dma_start3A_1280 : memref<1x240x721xf32, #tpu.memory_space<hbm>> -> memref<240x721xf32, #tpu.memory_space<hbm>>
    %dma_start3A_1282 = arith.constant 0 : i32
    %dma_start3A_1283 = arith.constant 0 : i32
    %dma_start3A_1284 = tpu.memref_slice %arg16[%dma_start3A_1277, %dma_start3A_1282, %dma_start3A_1283] : memref<6x240x721xf32, #tpu.memory_space<vmem_shared>> -> memref<1x240x721xf32, #tpu.memory_space<vmem_shared>>
    %dma_start3A_1285 = tpu.memref_squeeze %dma_start3A_1284 : memref<1x240x721xf32, #tpu.memory_space<vmem_shared>> -> memref<240x721xf32, #tpu.memory_space<vmem_shared>>
    tpu.enqueue_dma source(%dma_start3A_1285 : memref<240x721xf32, #tpu.memory_space<vmem_shared>>) target(%dma_start3A_1281 : memref<240x721xf32, #tpu.memory_space<hbm>>) target_semaphore(%arg25 : memref<!tpu.dma_semaphore, #tpu.memory_space<semaphore_mem>>)
    %dma_wait3A_1286 = arith.constant 5 : i32
    %dma_wait3A_1287 = arith.constant 9 : i32
    %dma_wait3A_1288 = arith.constant 0 : i32
    %dma_wait3A_1289 = tpu.memref_slice %arg15[%dma_wait3A_1287, %add3A_1162, %dma_wait3A_1288] : memref<13x1440x721xf32, #tpu.memory_space<hbm>> -> memref<1x240x721xf32, #tpu.memory_space<hbm>>
    %dma_wait3A_1290 = tpu.memref_squeeze %dma_wait3A_1289 : memref<1x240x721xf32, #tpu.memory_space<hbm>> -> memref<240x721xf32, #tpu.memory_space<hbm>>
    %dma_wait3A_1291 = arith.constant 0 : i32
    %dma_wait3A_1292 = arith.constant 0 : i32
    %dma_wait3A_1293 = tpu.memref_slice %arg16[%dma_wait3A_1286, %dma_wait3A_1291, %dma_wait3A_1292] : memref<6x240x721xf32, #tpu.memory_space<vmem_shared>> -> memref<1x240x721xf32, #tpu.memory_space<vmem_shared>>
    %dma_wait3A_1294 = tpu.memref_squeeze %dma_wait3A_1293 : memref<1x240x721xf32, #tpu.memory_space<vmem_shared>> -> memref<240x721xf32, #tpu.memory_space<vmem_shared>>
    tpu.wait_dma2 semaphore(%arg28 : memref<!tpu.dma_semaphore, #tpu.memory_space<semaphore_mem>>) src(%dma_wait3A_1294 : memref<240x721xf32, #tpu.memory_space<vmem_shared>>) dst(%dma_wait3A_1290 : memref<240x721xf32, #tpu.memory_space<hbm>>)
    %add3A_1295 = arith.constant 480 : i32
    %add3A_1296 = arith.addi %multiple_of3A, %add3A_1295 : i32
    %dma_start3A_1297 = arith.constant 5 : i32
    %dma_start3A_1298 = arith.constant 0 : i32
    %dma_start3A_1299 = arith.constant 0 : i32
    %dma_start3A_1300 = tpu.memref_slice %arg16[%dma_start3A_1297, %dma_start3A_1298, %dma_start3A_1299] : memref<6x240x721xf32, #tpu.memory_space<vmem_shared>> -> memref<1x240x721xf32, #tpu.memory_space<vmem_shared>>
    %dma_start3A_1301 = tpu.memref_squeeze %dma_start3A_1300 : memref<1x240x721xf32, #tpu.memory_space<vmem_shared>> -> memref<240x721xf32, #tpu.memory_space<vmem_shared>>
    %dma_start3A_1302 = arith.constant 0 : i32
    %dma_start3A_1303 = tpu.memref_slice %arg1[%get3A_46, %add3A_1296, %dma_start3A_1302] : memref<37x1440x721xf32, #tpu.memory_space<hbm>> -> memref<1x240x721xf32, #tpu.memory_space<hbm>>
    %dma_start3A_1304 = tpu.memref_squeeze %dma_start3A_1303 : memref<1x240x721xf32, #tpu.memory_space<hbm>> -> memref<240x721xf32, #tpu.memory_space<hbm>>
    tpu.enqueue_dma source(%dma_start3A_1304 : memref<240x721xf32, #tpu.memory_space<hbm>>) target(%dma_start3A_1301 : memref<240x721xf32, #tpu.memory_space<vmem_shared>>) target_semaphore(%arg22 : memref<!tpu.dma_semaphore, #tpu.memory_space<semaphore_mem>>)
    %dma_wait3A_1305 = arith.constant 3 : i32
    %dma_wait3A_1306 = arith.constant 0 : i32
    %dma_wait3A_1307 = arith.constant 0 : i32
    %dma_wait3A_1308 = tpu.memref_slice %arg16[%dma_wait3A_1305, %dma_wait3A_1306, %dma_wait3A_1307] : memref<6x240x721xf32, #tpu.memory_space<vmem_shared>> -> memref<1x240x721xf32, #tpu.memory_space<vmem_shared>>
    %dma_wait3A_1309 = tpu.memref_squeeze %dma_wait3A_1308 : memref<1x240x721xf32, #tpu.memory_space<vmem_shared>> -> memref<240x721xf32, #tpu.memory_space<vmem_shared>>
    %dma_wait3A_1310 = arith.constant 0 : i32
    %dma_wait3A_1311 = tpu.memref_slice %arg1[%get3A_46, %add3A_1220, %dma_wait3A_1310] : memref<37x1440x721xf32, #tpu.memory_space<hbm>> -> memref<1x240x721xf32, #tpu.memory_space<hbm>>
    %dma_wait3A_1312 = tpu.memref_squeeze %dma_wait3A_1311 : memref<1x240x721xf32, #tpu.memory_space<hbm>> -> memref<240x721xf32, #tpu.memory_space<hbm>>
    tpu.wait_dma2 semaphore(%arg20 : memref<!tpu.dma_semaphore, #tpu.memory_space<semaphore_mem>>) src(%dma_wait3A_1312 : memref<240x721xf32, #tpu.memory_space<hbm>>) dst(%dma_wait3A_1309 : memref<240x721xf32, #tpu.memory_space<vmem_shared>>)
    %add3A_1313 = arith.constant 0 : i32
    %add3A_1314 = arith.addi %multiple_of3A, %add3A_1313 : i32
    %dma_start3A_1315 = arith.constant 3 : i32
    %dma_start3A_1316 = arith.constant 11 : i32
    %dma_start3A_1317 = arith.constant 0 : i32
    %dma_start3A_1318 = tpu.memref_slice %arg15[%dma_start3A_1316, %add3A_1314, %dma_start3A_1317] : memref<13x1440x721xf32, #tpu.memory_space<hbm>> -> memref<1x240x721xf32, #tpu.memory_space<hbm>>
    %dma_start3A_1319 = tpu.memref_squeeze %dma_start3A_1318 : memref<1x240x721xf32, #tpu.memory_space<hbm>> -> memref<240x721xf32, #tpu.memory_space<hbm>>
    %dma_start3A_1320 = arith.constant 0 : i32
    %dma_start3A_1321 = arith.constant 0 : i32
    %dma_start3A_1322 = tpu.memref_slice %arg16[%dma_start3A_1315, %dma_start3A_1320, %dma_start3A_1321] : memref<6x240x721xf32, #tpu.memory_space<vmem_shared>> -> memref<1x240x721xf32, #tpu.memory_space<vmem_shared>>
    %dma_start3A_1323 = tpu.memref_squeeze %dma_start3A_1322 : memref<1x240x721xf32, #tpu.memory_space<vmem_shared>> -> memref<240x721xf32, #tpu.memory_space<vmem_shared>>
    tpu.enqueue_dma source(%dma_start3A_1323 : memref<240x721xf32, #tpu.memory_space<vmem_shared>>) target(%dma_start3A_1319 : memref<240x721xf32, #tpu.memory_space<hbm>>) target_semaphore(%arg26 : memref<!tpu.dma_semaphore, #tpu.memory_space<semaphore_mem>>)
    %dma_wait3A_1324 = arith.constant 0 : i32
    %dma_wait3A_1325 = arith.constant 10 : i32
    %dma_wait3A_1326 = arith.constant 0 : i32
    %dma_wait3A_1327 = tpu.memref_slice %arg15[%dma_wait3A_1325, %add3A_1200, %dma_wait3A_1326] : memref<13x1440x721xf32, #tpu.memory_space<hbm>> -> memref<1x240x721xf32, #tpu.memory_space<hbm>>
    %dma_wait3A_1328 = tpu.memref_squeeze %dma_wait3A_1327 : memref<1x240x721xf32, #tpu.memory_space<hbm>> -> memref<240x721xf32, #tpu.memory_space<hbm>>
    %dma_wait3A_1329 = arith.constant 0 : i32
    %dma_wait3A_1330 = arith.constant 0 : i32
    %dma_wait3A_1331 = tpu.memref_slice %arg16[%dma_wait3A_1324, %dma_wait3A_1329, %dma_wait3A_1330] : memref<6x240x721xf32, #tpu.memory_space<vmem_shared>> -> memref<1x240x721xf32, #tpu.memory_space<vmem_shared>>
    %dma_wait3A_1332 = tpu.memref_squeeze %dma_wait3A_1331 : memref<1x240x721xf32, #tpu.memory_space<vmem_shared>> -> memref<240x721xf32, #tpu.memory_space<vmem_shared>>
    tpu.wait_dma2 semaphore(%arg23 : memref<!tpu.dma_semaphore, #tpu.memory_space<semaphore_mem>>) src(%dma_wait3A_1332 : memref<240x721xf32, #tpu.memory_space<vmem_shared>>) dst(%dma_wait3A_1328 : memref<240x721xf32, #tpu.memory_space<hbm>>)
    %add3A_1333 = arith.constant 0 : i32
    %add3A_1334 = arith.addi %multiple_of3A, %add3A_1333 : i32
    %dma_start3A_1335 = arith.constant 0 : i32
    %dma_start3A_1336 = arith.constant 0 : i32
    %dma_start3A_1337 = arith.constant 0 : i32
    %dma_start3A_1338 = tpu.memref_slice %arg16[%dma_start3A_1335, %dma_start3A_1336, %dma_start3A_1337] : memref<6x240x721xf32, #tpu.memory_space<vmem_shared>> -> memref<1x240x721xf32, #tpu.memory_space<vmem_shared>>
    %dma_start3A_1339 = tpu.memref_squeeze %dma_start3A_1338 : memref<1x240x721xf32, #tpu.memory_space<vmem_shared>> -> memref<240x721xf32, #tpu.memory_space<vmem_shared>>
    %dma_start3A_1340 = arith.constant 0 : i32
    %dma_start3A_1341 = tpu.memref_slice %arg1[%get3A_49, %add3A_1334, %dma_start3A_1340] : memref<37x1440x721xf32, #tpu.memory_space<hbm>> -> memref<1x240x721xf32, #tpu.memory_space<hbm>>
    %dma_start3A_1342 = tpu.memref_squeeze %dma_start3A_1341 : memref<1x240x721xf32, #tpu.memory_space<hbm>> -> memref<240x721xf32, #tpu.memory_space<hbm>>
    tpu.enqueue_dma source(%dma_start3A_1342 : memref<240x721xf32, #tpu.memory_space<hbm>>) target(%dma_start3A_1339 : memref<240x721xf32, #tpu.memory_space<vmem_shared>>) target_semaphore(%arg17 : memref<!tpu.dma_semaphore, #tpu.memory_space<semaphore_mem>>)
    %dma_wait3A_1343 = arith.constant 4 : i32
    %dma_wait3A_1344 = arith.constant 0 : i32
    %dma_wait3A_1345 = arith.constant 0 : i32
    %dma_wait3A_1346 = tpu.memref_slice %arg16[%dma_wait3A_1343, %dma_wait3A_1344, %dma_wait3A_1345] : memref<6x240x721xf32, #tpu.memory_space<vmem_shared>> -> memref<1x240x721xf32, #tpu.memory_space<vmem_shared>>
    %dma_wait3A_1347 = tpu.memref_squeeze %dma_wait3A_1346 : memref<1x240x721xf32, #tpu.memory_space<vmem_shared>> -> memref<240x721xf32, #tpu.memory_space<vmem_shared>>
    %dma_wait3A_1348 = arith.constant 0 : i32
    %dma_wait3A_1349 = tpu.memref_slice %arg1[%get3A_46, %add3A_1258, %dma_wait3A_1348] : memref<37x1440x721xf32, #tpu.memory_space<hbm>> -> memref<1x240x721xf32, #tpu.memory_space<hbm>>
    %dma_wait3A_1350 = tpu.memref_squeeze %dma_wait3A_1349 : memref<1x240x721xf32, #tpu.memory_space<hbm>> -> memref<240x721xf32, #tpu.memory_space<hbm>>
    tpu.wait_dma2 semaphore(%arg21 : memref<!tpu.dma_semaphore, #tpu.memory_space<semaphore_mem>>) src(%dma_wait3A_1350 : memref<240x721xf32, #tpu.memory_space<hbm>>) dst(%dma_wait3A_1347 : memref<240x721xf32, #tpu.memory_space<vmem_shared>>)
    %add3A_1351 = arith.constant 240 : i32
    %add3A_1352 = arith.addi %multiple_of3A, %add3A_1351 : i32
    %dma_start3A_1353 = arith.constant 4 : i32
    %dma_start3A_1354 = arith.constant 11 : i32
    %dma_start3A_1355 = arith.constant 0 : i32
    %dma_start3A_1356 = tpu.memref_slice %arg15[%dma_start3A_1354, %add3A_1352, %dma_start3A_1355] : memref<13x1440x721xf32, #tpu.memory_space<hbm>> -> memref<1x240x721xf32, #tpu.memory_space<hbm>>
    %dma_start3A_1357 = tpu.memref_squeeze %dma_start3A_1356 : memref<1x240x721xf32, #tpu.memory_space<hbm>> -> memref<240x721xf32, #tpu.memory_space<hbm>>
    %dma_start3A_1358 = arith.constant 0 : i32
    %dma_start3A_1359 = arith.constant 0 : i32
    %dma_start3A_1360 = tpu.memref_slice %arg16[%dma_start3A_1353, %dma_start3A_1358, %dma_start3A_1359] : memref<6x240x721xf32, #tpu.memory_space<vmem_shared>> -> memref<1x240x721xf32, #tpu.memory_space<vmem_shared>>
    %dma_start3A_1361 = tpu.memref_squeeze %dma_start3A_1360 : memref<1x240x721xf32, #tpu.memory_space<vmem_shared>> -> memref<240x721xf32, #tpu.memory_space<vmem_shared>>
    tpu.enqueue_dma source(%dma_start3A_1361 : memref<240x721xf32, #tpu.memory_space<vmem_shared>>) target(%dma_start3A_1357 : memref<240x721xf32, #tpu.memory_space<hbm>>) target_semaphore(%arg27 : memref<!tpu.dma_semaphore, #tpu.memory_space<semaphore_mem>>)
    %dma_wait3A_1362 = arith.constant 1 : i32
    %dma_wait3A_1363 = arith.constant 10 : i32
    %dma_wait3A_1364 = arith.constant 0 : i32
    %dma_wait3A_1365 = tpu.memref_slice %arg15[%dma_wait3A_1363, %add3A_1238, %dma_wait3A_1364] : memref<13x1440x721xf32, #tpu.memory_space<hbm>> -> memref<1x240x721xf32, #tpu.memory_space<hbm>>
    %dma_wait3A_1366 = tpu.memref_squeeze %dma_wait3A_1365 : memref<1x240x721xf32, #tpu.memory_space<hbm>> -> memref<240x721xf32, #tpu.memory_space<hbm>>
    %dma_wait3A_1367 = arith.constant 0 : i32
    %dma_wait3A_1368 = arith.constant 0 : i32
    %dma_wait3A_1369 = tpu.memref_slice %arg16[%dma_wait3A_1362, %dma_wait3A_1367, %dma_wait3A_1368] : memref<6x240x721xf32, #tpu.memory_space<vmem_shared>> -> memref<1x240x721xf32, #tpu.memory_space<vmem_shared>>
    %dma_wait3A_1370 = tpu.memref_squeeze %dma_wait3A_1369 : memref<1x240x721xf32, #tpu.memory_space<vmem_shared>> -> memref<240x721xf32, #tpu.memory_space<vmem_shared>>
    tpu.wait_dma2 semaphore(%arg24 : memref<!tpu.dma_semaphore, #tpu.memory_space<semaphore_mem>>) src(%dma_wait3A_1370 : memref<240x721xf32, #tpu.memory_space<vmem_shared>>) dst(%dma_wait3A_1366 : memref<240x721xf32, #tpu.memory_space<hbm>>)
    %add3A_1371 = arith.constant 240 : i32
    %add3A_1372 = arith.addi %multiple_of3A, %add3A_1371 : i32
    %dma_start3A_1373 = arith.constant 1 : i32
    %dma_start3A_1374 = arith.constant 0 : i32
    %dma_start3A_1375 = arith.constant 0 : i32
    %dma_start3A_1376 = tpu.memref_slice %arg16[%dma_start3A_1373, %dma_start3A_1374, %dma_start3A_1375] : memref<6x240x721xf32, #tpu.memory_space<vmem_shared>> -> memref<1x240x721xf32, #tpu.memory_space<vmem_shared>>
    %dma_start3A_1377 = tpu.memref_squeeze %dma_start3A_1376 : memref<1x240x721xf32, #tpu.memory_space<vmem_shared>> -> memref<240x721xf32, #tpu.memory_space<vmem_shared>>
    %dma_start3A_1378 = arith.constant 0 : i32
    %dma_start3A_1379 = tpu.memref_slice %arg1[%get3A_49, %add3A_1372, %dma_start3A_1378] : memref<37x1440x721xf32, #tpu.memory_space<hbm>> -> memref<1x240x721xf32, #tpu.memory_space<hbm>>
    %dma_start3A_1380 = tpu.memref_squeeze %dma_start3A_1379 : memref<1x240x721xf32, #tpu.memory_space<hbm>> -> memref<240x721xf32, #tpu.memory_space<hbm>>
    tpu.enqueue_dma source(%dma_start3A_1380 : memref<240x721xf32, #tpu.memory_space<hbm>>) target(%dma_start3A_1377 : memref<240x721xf32, #tpu.memory_space<vmem_shared>>) target_semaphore(%arg18 : memref<!tpu.dma_semaphore, #tpu.memory_space<semaphore_mem>>)
    %dma_wait3A_1381 = arith.constant 5 : i32
    %dma_wait3A_1382 = arith.constant 0 : i32
    %dma_wait3A_1383 = arith.constant 0 : i32
    %dma_wait3A_1384 = tpu.memref_slice %arg16[%dma_wait3A_1381, %dma_wait3A_1382, %dma_wait3A_1383] : memref<6x240x721xf32, #tpu.memory_space<vmem_shared>> -> memref<1x240x721xf32, #tpu.memory_space<vmem_shared>>
    %dma_wait3A_1385 = tpu.memref_squeeze %dma_wait3A_1384 : memref<1x240x721xf32, #tpu.memory_space<vmem_shared>> -> memref<240x721xf32, #tpu.memory_space<vmem_shared>>
    %dma_wait3A_1386 = arith.constant 0 : i32
    %dma_wait3A_1387 = tpu.memref_slice %arg1[%get3A_46, %add3A_1296, %dma_wait3A_1386] : memref<37x1440x721xf32, #tpu.memory_space<hbm>> -> memref<1x240x721xf32, #tpu.memory_space<hbm>>
    %dma_wait3A_1388 = tpu.memref_squeeze %dma_wait3A_1387 : memref<1x240x721xf32, #tpu.memory_space<hbm>> -> memref<240x721xf32, #tpu.memory_space<hbm>>
    tpu.wait_dma2 semaphore(%arg22 : memref<!tpu.dma_semaphore, #tpu.memory_space<semaphore_mem>>) src(%dma_wait3A_1388 : memref<240x721xf32, #tpu.memory_space<hbm>>) dst(%dma_wait3A_1385 : memref<240x721xf32, #tpu.memory_space<vmem_shared>>)
    %add3A_1389 = arith.constant 480 : i32
    %add3A_1390 = arith.addi %multiple_of3A, %add3A_1389 : i32
    %dma_start3A_1391 = arith.constant 5 : i32
    %dma_start3A_1392 = arith.constant 11 : i32
    %dma_start3A_1393 = arith.constant 0 : i32
    %dma_start3A_1394 = tpu.memref_slice %arg15[%dma_start3A_1392, %add3A_1390, %dma_start3A_1393] : memref<13x1440x721xf32, #tpu.memory_space<hbm>> -> memref<1x240x721xf32, #tpu.memory_space<hbm>>
    %dma_start3A_1395 = tpu.memref_squeeze %dma_start3A_1394 : memref<1x240x721xf32, #tpu.memory_space<hbm>> -> memref<240x721xf32, #tpu.memory_space<hbm>>
    %dma_start3A_1396 = arith.constant 0 : i32
    %dma_start3A_1397 = arith.constant 0 : i32
    %dma_start3A_1398 = tpu.memref_slice %arg16[%dma_start3A_1391, %dma_start3A_1396, %dma_start3A_1397] : memref<6x240x721xf32, #tpu.memory_space<vmem_shared>> -> memref<1x240x721xf32, #tpu.memory_space<vmem_shared>>
    %dma_start3A_1399 = tpu.memref_squeeze %dma_start3A_1398 : memref<1x240x721xf32, #tpu.memory_space<vmem_shared>> -> memref<240x721xf32, #tpu.memory_space<vmem_shared>>
    tpu.enqueue_dma source(%dma_start3A_1399 : memref<240x721xf32, #tpu.memory_space<vmem_shared>>) target(%dma_start3A_1395 : memref<240x721xf32, #tpu.memory_space<hbm>>) target_semaphore(%arg28 : memref<!tpu.dma_semaphore, #tpu.memory_space<semaphore_mem>>)
    %dma_wait3A_1400 = arith.constant 2 : i32
    %dma_wait3A_1401 = arith.constant 10 : i32
    %dma_wait3A_1402 = arith.constant 0 : i32
    %dma_wait3A_1403 = tpu.memref_slice %arg15[%dma_wait3A_1401, %add3A_1276, %dma_wait3A_1402] : memref<13x1440x721xf32, #tpu.memory_space<hbm>> -> memref<1x240x721xf32, #tpu.memory_space<hbm>>
    %dma_wait3A_1404 = tpu.memref_squeeze %dma_wait3A_1403 : memref<1x240x721xf32, #tpu.memory_space<hbm>> -> memref<240x721xf32, #tpu.memory_space<hbm>>
    %dma_wait3A_1405 = arith.constant 0 : i32
    %dma_wait3A_1406 = arith.constant 0 : i32
    %dma_wait3A_1407 = tpu.memref_slice %arg16[%dma_wait3A_1400, %dma_wait3A_1405, %dma_wait3A_1406] : memref<6x240x721xf32, #tpu.memory_space<vmem_shared>> -> memref<1x240x721xf32, #tpu.memory_space<vmem_shared>>
    %dma_wait3A_1408 = tpu.memref_squeeze %dma_wait3A_1407 : memref<1x240x721xf32, #tpu.memory_space<vmem_shared>> -> memref<240x721xf32, #tpu.memory_space<vmem_shared>>
    tpu.wait_dma2 semaphore(%arg25 : memref<!tpu.dma_semaphore, #tpu.memory_space<semaphore_mem>>) src(%dma_wait3A_1408 : memref<240x721xf32, #tpu.memory_space<vmem_shared>>) dst(%dma_wait3A_1404 : memref<240x721xf32, #tpu.memory_space<hbm>>)
    %add3A_1409 = arith.constant 480 : i32
    %add3A_1410 = arith.addi %multiple_of3A, %add3A_1409 : i32
    %dma_start3A_1411 = arith.constant 2 : i32
    %dma_start3A_1412 = arith.constant 0 : i32
    %dma_start3A_1413 = arith.constant 0 : i32
    %dma_start3A_1414 = tpu.memref_slice %arg16[%dma_start3A_1411, %dma_start3A_1412, %dma_start3A_1413] : memref<6x240x721xf32, #tpu.memory_space<vmem_shared>> -> memref<1x240x721xf32, #tpu.memory_space<vmem_shared>>
    %dma_start3A_1415 = tpu.memref_squeeze %dma_start3A_1414 : memref<1x240x721xf32, #tpu.memory_space<vmem_shared>> -> memref<240x721xf32, #tpu.memory_space<vmem_shared>>
    %dma_start3A_1416 = arith.constant 0 : i32
    %dma_start3A_1417 = tpu.memref_slice %arg1[%get3A_49, %add3A_1410, %dma_start3A_1416] : memref<37x1440x721xf32, #tpu.memory_space<hbm>> -> memref<1x240x721xf32, #tpu.memory_space<hbm>>
    %dma_start3A_1418 = tpu.memref_squeeze %dma_start3A_1417 : memref<1x240x721xf32, #tpu.memory_space<hbm>> -> memref<240x721xf32, #tpu.memory_space<hbm>>
    tpu.enqueue_dma source(%dma_start3A_1418 : memref<240x721xf32, #tpu.memory_space<hbm>>) target(%dma_start3A_1415 : memref<240x721xf32, #tpu.memory_space<vmem_shared>>) target_semaphore(%arg19 : memref<!tpu.dma_semaphore, #tpu.memory_space<semaphore_mem>>)
    %dma_wait3A_1419 = arith.constant 0 : i32
    %dma_wait3A_1420 = arith.constant 0 : i32
    %dma_wait3A_1421 = arith.constant 0 : i32
    %dma_wait3A_1422 = tpu.memref_slice %arg16[%dma_wait3A_1419, %dma_wait3A_1420, %dma_wait3A_1421] : memref<6x240x721xf32, #tpu.memory_space<vmem_shared>> -> memref<1x240x721xf32, #tpu.memory_space<vmem_shared>>
    %dma_wait3A_1423 = tpu.memref_squeeze %dma_wait3A_1422 : memref<1x240x721xf32, #tpu.memory_space<vmem_shared>> -> memref<240x721xf32, #tpu.memory_space<vmem_shared>>
    %dma_wait3A_1424 = arith.constant 0 : i32
    %dma_wait3A_1425 = tpu.memref_slice %arg1[%get3A_49, %add3A_1334, %dma_wait3A_1424] : memref<37x1440x721xf32, #tpu.memory_space<hbm>> -> memref<1x240x721xf32, #tpu.memory_space<hbm>>
    %dma_wait3A_1426 = tpu.memref_squeeze %dma_wait3A_1425 : memref<1x240x721xf32, #tpu.memory_space<hbm>> -> memref<240x721xf32, #tpu.memory_space<hbm>>
    tpu.wait_dma2 semaphore(%arg17 : memref<!tpu.dma_semaphore, #tpu.memory_space<semaphore_mem>>) src(%dma_wait3A_1426 : memref<240x721xf32, #tpu.memory_space<hbm>>) dst(%dma_wait3A_1423 : memref<240x721xf32, #tpu.memory_space<vmem_shared>>)
    %add3A_1427 = arith.constant 0 : i32
    %add3A_1428 = arith.addi %multiple_of3A, %add3A_1427 : i32
    %dma_start3A_1429 = arith.constant 0 : i32
    %dma_start3A_1430 = arith.constant 12 : i32
    %dma_start3A_1431 = arith.constant 0 : i32
    %dma_start3A_1432 = tpu.memref_slice %arg15[%dma_start3A_1430, %add3A_1428, %dma_start3A_1431] : memref<13x1440x721xf32, #tpu.memory_space<hbm>> -> memref<1x240x721xf32, #tpu.memory_space<hbm>>
    %dma_start3A_1433 = tpu.memref_squeeze %dma_start3A_1432 : memref<1x240x721xf32, #tpu.memory_space<hbm>> -> memref<240x721xf32, #tpu.memory_space<hbm>>
    %dma_start3A_1434 = arith.constant 0 : i32
    %dma_start3A_1435 = arith.constant 0 : i32
    %dma_start3A_1436 = tpu.memref_slice %arg16[%dma_start3A_1429, %dma_start3A_1434, %dma_start3A_1435] : memref<6x240x721xf32, #tpu.memory_space<vmem_shared>> -> memref<1x240x721xf32, #tpu.memory_space<vmem_shared>>
    %dma_start3A_1437 = tpu.memref_squeeze %dma_start3A_1436 : memref<1x240x721xf32, #tpu.memory_space<vmem_shared>> -> memref<240x721xf32, #tpu.memory_space<vmem_shared>>
    tpu.enqueue_dma source(%dma_start3A_1437 : memref<240x721xf32, #tpu.memory_space<vmem_shared>>) target(%dma_start3A_1433 : memref<240x721xf32, #tpu.memory_space<hbm>>) target_semaphore(%arg23 : memref<!tpu.dma_semaphore, #tpu.memory_space<semaphore_mem>>)
    %dma_wait3A_1438 = arith.constant 1 : i32
    %dma_wait3A_1439 = arith.constant 0 : i32
    %dma_wait3A_1440 = arith.constant 0 : i32
    %dma_wait3A_1441 = tpu.memref_slice %arg16[%dma_wait3A_1438, %dma_wait3A_1439, %dma_wait3A_1440] : memref<6x240x721xf32, #tpu.memory_space<vmem_shared>> -> memref<1x240x721xf32, #tpu.memory_space<vmem_shared>>
    %dma_wait3A_1442 = tpu.memref_squeeze %dma_wait3A_1441 : memref<1x240x721xf32, #tpu.memory_space<vmem_shared>> -> memref<240x721xf32, #tpu.memory_space<vmem_shared>>
    %dma_wait3A_1443 = arith.constant 0 : i32
    %dma_wait3A_1444 = tpu.memref_slice %arg1[%get3A_49, %add3A_1372, %dma_wait3A_1443] : memref<37x1440x721xf32, #tpu.memory_space<hbm>> -> memref<1x240x721xf32, #tpu.memory_space<hbm>>
    %dma_wait3A_1445 = tpu.memref_squeeze %dma_wait3A_1444 : memref<1x240x721xf32, #tpu.memory_space<hbm>> -> memref<240x721xf32, #tpu.memory_space<hbm>>
    tpu.wait_dma2 semaphore(%arg18 : memref<!tpu.dma_semaphore, #tpu.memory_space<semaphore_mem>>) src(%dma_wait3A_1445 : memref<240x721xf32, #tpu.memory_space<hbm>>) dst(%dma_wait3A_1442 : memref<240x721xf32, #tpu.memory_space<vmem_shared>>)
    %add3A_1446 = arith.constant 240 : i32
    %add3A_1447 = arith.addi %multiple_of3A, %add3A_1446 : i32
    %dma_start3A_1448 = arith.constant 1 : i32
    %dma_start3A_1449 = arith.constant 12 : i32
    %dma_start3A_1450 = arith.constant 0 : i32
    %dma_start3A_1451 = tpu.memref_slice %arg15[%dma_start3A_1449, %add3A_1447, %dma_start3A_1450] : memref<13x1440x721xf32, #tpu.memory_space<hbm>> -> memref<1x240x721xf32, #tpu.memory_space<hbm>>
    %dma_start3A_1452 = tpu.memref_squeeze %dma_start3A_1451 : memref<1x240x721xf32, #tpu.memory_space<hbm>> -> memref<240x721xf32, #tpu.memory_space<hbm>>
    %dma_start3A_1453 = arith.constant 0 : i32
    %dma_start3A_1454 = arith.constant 0 : i32
    %dma_start3A_1455 = tpu.memref_slice %arg16[%dma_start3A_1448, %dma_start3A_1453, %dma_start3A_1454] : memref<6x240x721xf32, #tpu.memory_space<vmem_shared>> -> memref<1x240x721xf32, #tpu.memory_space<vmem_shared>>
    %dma_start3A_1456 = tpu.memref_squeeze %dma_start3A_1455 : memref<1x240x721xf32, #tpu.memory_space<vmem_shared>> -> memref<240x721xf32, #tpu.memory_space<vmem_shared>>
    tpu.enqueue_dma source(%dma_start3A_1456 : memref<240x721xf32, #tpu.memory_space<vmem_shared>>) target(%dma_start3A_1452 : memref<240x721xf32, #tpu.memory_space<hbm>>) target_semaphore(%arg24 : memref<!tpu.dma_semaphore, #tpu.memory_space<semaphore_mem>>)
    %dma_wait3A_1457 = arith.constant 2 : i32
    %dma_wait3A_1458 = arith.constant 0 : i32
    %dma_wait3A_1459 = arith.constant 0 : i32
    %dma_wait3A_1460 = tpu.memref_slice %arg16[%dma_wait3A_1457, %dma_wait3A_1458, %dma_wait3A_1459] : memref<6x240x721xf32, #tpu.memory_space<vmem_shared>> -> memref<1x240x721xf32, #tpu.memory_space<vmem_shared>>
    %dma_wait3A_1461 = tpu.memref_squeeze %dma_wait3A_1460 : memref<1x240x721xf32, #tpu.memory_space<vmem_shared>> -> memref<240x721xf32, #tpu.memory_space<vmem_shared>>
    %dma_wait3A_1462 = arith.constant 0 : i32
    %dma_wait3A_1463 = tpu.memref_slice %arg1[%get3A_49, %add3A_1410, %dma_wait3A_1462] : memref<37x1440x721xf32, #tpu.memory_space<hbm>> -> memref<1x240x721xf32, #tpu.memory_space<hbm>>
    %dma_wait3A_1464 = tpu.memref_squeeze %dma_wait3A_1463 : memref<1x240x721xf32, #tpu.memory_space<hbm>> -> memref<240x721xf32, #tpu.memory_space<hbm>>
    tpu.wait_dma2 semaphore(%arg19 : memref<!tpu.dma_semaphore, #tpu.memory_space<semaphore_mem>>) src(%dma_wait3A_1464 : memref<240x721xf32, #tpu.memory_space<hbm>>) dst(%dma_wait3A_1461 : memref<240x721xf32, #tpu.memory_space<vmem_shared>>)
    %add3A_1465 = arith.constant 480 : i32
    %add3A_1466 = arith.addi %multiple_of3A, %add3A_1465 : i32
    %dma_start3A_1467 = arith.constant 2 : i32
    %dma_start3A_1468 = arith.constant 12 : i32
    %dma_start3A_1469 = arith.constant 0 : i32
    %dma_start3A_1470 = tpu.memref_slice %arg15[%dma_start3A_1468, %add3A_1466, %dma_start3A_1469] : memref<13x1440x721xf32, #tpu.memory_space<hbm>> -> memref<1x240x721xf32, #tpu.memory_space<hbm>>
    %dma_start3A_1471 = tpu.memref_squeeze %dma_start3A_1470 : memref<1x240x721xf32, #tpu.memory_space<hbm>> -> memref<240x721xf32, #tpu.memory_space<hbm>>
    %dma_start3A_1472 = arith.constant 0 : i32
    %dma_start3A_1473 = arith.constant 0 : i32
    %dma_start3A_1474 = tpu.memref_slice %arg16[%dma_start3A_1467, %dma_start3A_1472, %dma_start3A_1473] : memref<6x240x721xf32, #tpu.memory_space<vmem_shared>> -> memref<1x240x721xf32, #tpu.memory_space<vmem_shared>>
    %dma_start3A_1475 = tpu.memref_squeeze %dma_start3A_1474 : memref<1x240x721xf32, #tpu.memory_space<vmem_shared>> -> memref<240x721xf32, #tpu.memory_space<vmem_shared>>
    tpu.enqueue_dma source(%dma_start3A_1475 : memref<240x721xf32, #tpu.memory_space<vmem_shared>>) target(%dma_start3A_1471 : memref<240x721xf32, #tpu.memory_space<hbm>>) target_semaphore(%arg25 : memref<!tpu.dma_semaphore, #tpu.memory_space<semaphore_mem>>)
    %dma_wait3A_1476 = arith.constant 3 : i32
    %dma_wait3A_1477 = arith.constant 11 : i32
    %dma_wait3A_1478 = arith.constant 0 : i32
    %dma_wait3A_1479 = tpu.memref_slice %arg15[%dma_wait3A_1477, %add3A_1314, %dma_wait3A_1478] : memref<13x1440x721xf32, #tpu.memory_space<hbm>> -> memref<1x240x721xf32, #tpu.memory_space<hbm>>
    %dma_wait3A_1480 = tpu.memref_squeeze %dma_wait3A_1479 : memref<1x240x721xf32, #tpu.memory_space<hbm>> -> memref<240x721xf32, #tpu.memory_space<hbm>>
    %dma_wait3A_1481 = arith.constant 0 : i32
    %dma_wait3A_1482 = arith.constant 0 : i32
    %dma_wait3A_1483 = tpu.memref_slice %arg16[%dma_wait3A_1476, %dma_wait3A_1481, %dma_wait3A_1482] : memref<6x240x721xf32, #tpu.memory_space<vmem_shared>> -> memref<1x240x721xf32, #tpu.memory_space<vmem_shared>>
    %dma_wait3A_1484 = tpu.memref_squeeze %dma_wait3A_1483 : memref<1x240x721xf32, #tpu.memory_space<vmem_shared>> -> memref<240x721xf32, #tpu.memory_space<vmem_shared>>
    tpu.wait_dma2 semaphore(%arg26 : memref<!tpu.dma_semaphore, #tpu.memory_space<semaphore_mem>>) src(%dma_wait3A_1484 : memref<240x721xf32, #tpu.memory_space<vmem_shared>>) dst(%dma_wait3A_1480 : memref<240x721xf32, #tpu.memory_space<hbm>>)
    %dma_wait3A_1485 = arith.constant 4 : i32
    %dma_wait3A_1486 = arith.constant 11 : i32
    %dma_wait3A_1487 = arith.constant 0 : i32
    %dma_wait3A_1488 = tpu.memref_slice %arg15[%dma_wait3A_1486, %add3A_1352, %dma_wait3A_1487] : memref<13x1440x721xf32, #tpu.memory_space<hbm>> -> memref<1x240x721xf32, #tpu.memory_space<hbm>>
    %dma_wait3A_1489 = tpu.memref_squeeze %dma_wait3A_1488 : memref<1x240x721xf32, #tpu.memory_space<hbm>> -> memref<240x721xf32, #tpu.memory_space<hbm>>
    %dma_wait3A_1490 = arith.constant 0 : i32
    %dma_wait3A_1491 = arith.constant 0 : i32
    %dma_wait3A_1492 = tpu.memref_slice %arg16[%dma_wait3A_1485, %dma_wait3A_1490, %dma_wait3A_1491] : memref<6x240x721xf32, #tpu.memory_space<vmem_shared>> -> memref<1x240x721xf32, #tpu.memory_space<vmem_shared>>
    %dma_wait3A_1493 = tpu.memref_squeeze %dma_wait3A_1492 : memref<1x240x721xf32, #tpu.memory_space<vmem_shared>> -> memref<240x721xf32, #tpu.memory_space<vmem_shared>>
    tpu.wait_dma2 semaphore(%arg27 : memref<!tpu.dma_semaphore, #tpu.memory_space<semaphore_mem>>) src(%dma_wait3A_1493 : memref<240x721xf32, #tpu.memory_space<vmem_shared>>) dst(%dma_wait3A_1489 : memref<240x721xf32, #tpu.memory_space<hbm>>)
    %dma_wait3A_1494 = arith.constant 5 : i32
    %dma_wait3A_1495 = arith.constant 11 : i32
    %dma_wait3A_1496 = arith.constant 0 : i32
    %dma_wait3A_1497 = tpu.memref_slice %arg15[%dma_wait3A_1495, %add3A_1390, %dma_wait3A_1496] : memref<13x1440x721xf32, #tpu.memory_space<hbm>> -> memref<1x240x721xf32, #tpu.memory_space<hbm>>
    %dma_wait3A_1498 = tpu.memref_squeeze %dma_wait3A_1497 : memref<1x240x721xf32, #tpu.memory_space<hbm>> -> memref<240x721xf32, #tpu.memory_space<hbm>>
    %dma_wait3A_1499 = arith.constant 0 : i32
    %dma_wait3A_1500 = arith.constant 0 : i32
    %dma_wait3A_1501 = tpu.memref_slice %arg16[%dma_wait3A_1494, %dma_wait3A_1499, %dma_wait3A_1500] : memref<6x240x721xf32, #tpu.memory_space<vmem_shared>> -> memref<1x240x721xf32, #tpu.memory_space<vmem_shared>>
    %dma_wait3A_1502 = tpu.memref_squeeze %dma_wait3A_1501 : memref<1x240x721xf32, #tpu.memory_space<vmem_shared>> -> memref<240x721xf32, #tpu.memory_space<vmem_shared>>
    tpu.wait_dma2 semaphore(%arg28 : memref<!tpu.dma_semaphore, #tpu.memory_space<semaphore_mem>>) src(%dma_wait3A_1502 : memref<240x721xf32, #tpu.memory_space<vmem_shared>>) dst(%dma_wait3A_1498 : memref<240x721xf32, #tpu.memory_space<hbm>>)
    %dma_wait3A_1503 = arith.constant 0 : i32
    %dma_wait3A_1504 = arith.constant 12 : i32
    %dma_wait3A_1505 = arith.constant 0 : i32
    %dma_wait3A_1506 = tpu.memref_slice %arg15[%dma_wait3A_1504, %add3A_1428, %dma_wait3A_1505] : memref<13x1440x721xf32, #tpu.memory_space<hbm>> -> memref<1x240x721xf32, #tpu.memory_space<hbm>>
    %dma_wait3A_1507 = tpu.memref_squeeze %dma_wait3A_1506 : memref<1x240x721xf32, #tpu.memory_space<hbm>> -> memref<240x721xf32, #tpu.memory_space<hbm>>
    %dma_wait3A_1508 = arith.constant 0 : i32
    %dma_wait3A_1509 = arith.constant 0 : i32
    %dma_wait3A_1510 = tpu.memref_slice %arg16[%dma_wait3A_1503, %dma_wait3A_1508, %dma_wait3A_1509] : memref<6x240x721xf32, #tpu.memory_space<vmem_shared>> -> memref<1x240x721xf32, #tpu.memory_space<vmem_shared>>
    %dma_wait3A_1511 = tpu.memref_squeeze %dma_wait3A_1510 : memref<1x240x721xf32, #tpu.memory_space<vmem_shared>> -> memref<240x721xf32, #tpu.memory_space<vmem_shared>>
    tpu.wait_dma2 semaphore(%arg23 : memref<!tpu.dma_semaphore, #tpu.memory_space<semaphore_mem>>) src(%dma_wait3A_1511 : memref<240x721xf32, #tpu.memory_space<vmem_shared>>) dst(%dma_wait3A_1507 : memref<240x721xf32, #tpu.memory_space<hbm>>)
    %dma_wait3A_1512 = arith.constant 1 : i32
    %dma_wait3A_1513 = arith.constant 12 : i32
    %dma_wait3A_1514 = arith.constant 0 : i32
    %dma_wait3A_1515 = tpu.memref_slice %arg15[%dma_wait3A_1513, %add3A_1447, %dma_wait3A_1514] : memref<13x1440x721xf32, #tpu.memory_space<hbm>> -> memref<1x240x721xf32, #tpu.memory_space<hbm>>
    %dma_wait3A_1516 = tpu.memref_squeeze %dma_wait3A_1515 : memref<1x240x721xf32, #tpu.memory_space<hbm>> -> memref<240x721xf32, #tpu.memory_space<hbm>>
    %dma_wait3A_1517 = arith.constant 0 : i32
    %dma_wait3A_1518 = arith.constant 0 : i32
    %dma_wait3A_1519 = tpu.memref_slice %arg16[%dma_wait3A_1512, %dma_wait3A_1517, %dma_wait3A_1518] : memref<6x240x721xf32, #tpu.memory_space<vmem_shared>> -> memref<1x240x721xf32, #tpu.memory_space<vmem_shared>>
    %dma_wait3A_1520 = tpu.memref_squeeze %dma_wait3A_1519 : memref<1x240x721xf32, #tpu.memory_space<vmem_shared>> -> memref<240x721xf32, #tpu.memory_space<vmem_shared>>
    tpu.wait_dma2 semaphore(%arg24 : memref<!tpu.dma_semaphore, #tpu.memory_space<semaphore_mem>>) src(%dma_wait3A_1520 : memref<240x721xf32, #tpu.memory_space<vmem_shared>>) dst(%dma_wait3A_1516 : memref<240x721xf32, #tpu.memory_space<hbm>>)
    %dma_wait3A_1521 = arith.constant 2 : i32
    %dma_wait3A_1522 = arith.constant 12 : i32
    %dma_wait3A_1523 = arith.constant 0 : i32
    %dma_wait3A_1524 = tpu.memref_slice %arg15[%dma_wait3A_1522, %add3A_1466, %dma_wait3A_1523] : memref<13x1440x721xf32, #tpu.memory_space<hbm>> -> memref<1x240x721xf32, #tpu.memory_space<hbm>>
    %dma_wait3A_1525 = tpu.memref_squeeze %dma_wait3A_1524 : memref<1x240x721xf32, #tpu.memory_space<hbm>> -> memref<240x721xf32, #tpu.memory_space<hbm>>
    %dma_wait3A_1526 = arith.constant 0 : i32
    %dma_wait3A_1527 = arith.constant 0 : i32
    %dma_wait3A_1528 = tpu.memref_slice %arg16[%dma_wait3A_1521, %dma_wait3A_1526, %dma_wait3A_1527] : memref<6x240x721xf32, #tpu.memory_space<vmem_shared>> -> memref<1x240x721xf32, #tpu.memory_space<vmem_shared>>
    %dma_wait3A_1529 = tpu.memref_squeeze %dma_wait3A_1528 : memref<1x240x721xf32, #tpu.memory_space<vmem_shared>> -> memref<240x721xf32, #tpu.memory_space<vmem_shared>>
    tpu.wait_dma2 semaphore(%arg25 : memref<!tpu.dma_semaphore, #tpu.memory_space<semaphore_mem>>) src(%dma_wait3A_1529 : memref<240x721xf32, #tpu.memory_space<vmem_shared>>) dst(%dma_wait3A_1525 : memref<240x721xf32, #tpu.memory_space<hbm>>)
    return
  }
}

</mosaic_0001>

<sc_bundles>
// kernel: kernel.3.cloned.1.call-start
scs
__scs_entry_jumppad:
0x0: {  	(pc) =	sbr.rel $0x88, $3  }
0x1: {  	(tag) =	ssettag $0x0;
	lr =	simm.s32 $0x1  }
0x2: {  	[smem:$0x3F9F] =	sst lr;
	_ =	strace $0xD0000000  }
0x3: {  	_ = 	snop  }
0x4: {  	_ = 	snop  }
0x5: {  	_ = 	snop  }
0x6: {  	_ = 	snop  }
0x7: {  	_ = 	snop  }
__scs_overlays_trampoline_lowered:
0x8: {  	[smem:$0x3FAE] =	sst s0  }
0x9: {  	[smem:$0x3FAF] =	sst s1  }
0xa: {  	[smem:$0x3FB0] =	sst s2  }
0xb: {  	[smem:$0x3FB1] =	sst s3  }
0xc: {  	[smem:$0x3FB2] =	sst s4  }
0xd: {  	[smem:$0x3FB3] =	sst s5  }
0xe: {  	[smem:$0x3FB4] =	sst s6  }
0xf: {  	[smem:$0x3FB5] =	sst s7  }
0x10: {  	[smem:$0x3FB6] =	sst s8  }
0x11: {  	[smem:$0x3FB7] =	sst s9;
	s0 =	simm.s32 @!p0 $0x0  }
0x12: {  	s1 =	sld [smem:$0x3F9D];
	s0 =	simm.s32 @p0 $0x1  }
0x13: {  	[smem:$0x3FB8] =	sst s0;
	s0 =	simm.s32 @!p1 $0x0  }
0x14: {  	s2 =	sld [smem:$0x3F9C];
	s0 =	simm.s32 @p1 $0x1  }
0x15: {  	[smem:$0x3FB9] =	sst s0;
	s0 =	simm.s32 @!p2 $0x0  }
0x16: {  	s3 =	sld [smem:$0x3FDB];
	s0 =	simm.s32 @p2 $0x1  }
0x17: {  	s4 =	simm.s32 $0x1BF5;
	[smem:$0x3FBB] =	sst s0  }
0x18: {  	s0 =	sld [smem:$0x3F9E];
	_ =	swait.ge [sflag:s4], $0x0  }
0x19: {  	s7 =	sld [smem:$0x3F9F]  }
0x1a: {  	s8 =	sadd.s32 $0xFFFFE003, lr  }
0x1b: {  	s9 =	sadd.s32 $0xFFFFFEF7, lr;
	s5 =	simm.s32 $0xFFFFFFFF;
	p2 =	slt.u32 s8, $0xFFFFF086  }
0x1c: {  	p1 =	slt.u32 s9, $0xF7A;
	s5 =	simm.s32 @!p2 $0x0  }
0x1d: {  	s5 =	simm.s32 @p1 $0x1;
	p0 =	seq.s32 s7, s2  }
0x1e: {  	s7 =	smul.u32 @!p0 $0xF7A, s2;
	p2 =	seq.s32 @!p0 s5, $0x0  }
0x1f: {  	s9 =	smul.u32 $0xF7A, s1;
	s8 =	simm.s32 @!p0 $0x1BF5;
	p2 =	por !p2, p0  }
0x20: {  	[sflag:s8] =	ssyncset.s32 @!p0 $0xFFFFF086;
	s6 =	sadd.s32 @!p0 s3, s7;
	s7 =	simm.s32 @!p0 $0x108  }
0x21: {  	s3 =	sadd.s32 s3, s9;
	s6 =	sadd.s32 @!p0 $0x88, s6;
	s7 =	simm.s32 @p2 $0x1082  }
0x22: {  	[simem:s7], [sflag:s8] =	dma.local @!p0 [hbm:s6], $0xF7A  }
0x23: {  	s9 =	sor.u32 $0xD0000000, s2;
	s6 =	simm.s32 $0x108;
	_ =	swait.ge @!p0 [sflag:s8], $0x0  }
0x24: {  	s3 =	sadd.s32 $0x88, s3;
	s6 =	simm.s32 @!p1 $0x1082;
	[sflag:s4] =	ssyncset.s32 $0xFFFFF086  }
0x25: {  	[simem:s6], [sflag:s4] =	dma.local [hbm:s3], $0xF7A  }
0x26: {  	[smem:$0x3F9F] =	sst s1;
	(tag) =	ssettag s2;
	_ =	strace s9  }
0x27: {  	s1 =	sld [smem:$0x3FAF]  }
0x28: {  	s2 =	sld [smem:$0x3FB0]  }
0x29: {  	s4 =	sld [smem:$0x3FB2]  }
0x2a: {  	p0 =	seq.s32 s5, $0x0;
	s5 =	sld [smem:$0x3FB3]  }
0x2b: {  	s6 =	sld [smem:$0x3FB4]  }
0x2c: {  	s7 =	sld [smem:$0x3FB5]  }
0x2d: {  	s3 =	simm.s32 $0x108;
	s8 =	sld [smem:$0x3FB6]  }
0x2e: {  	s3 =	simm.s32 @!p0 $0x1082;
	s9 =	sld [smem:$0x3FB7]  }
0x2f: {  	lr =	sadd.s32 s0, s3;
	s0 =	sld [smem:$0x3FAE]  }
0x30: {  	s3 =	sld [smem:$0x3FB1]  }
0x31: {  	[smem:$0x3FBA] =	sst s10  }
0x32: {  	s10 =	sld [smem:$0x3FB8];
	_ =	sdelay $0x3  }
0x33: {  	p0 =	seq.s32 s10, $0x1;
	s10 =	sld [smem:$0x3FBA];
	_ =	sdelay $0x3  }
0x34: {  	[smem:$0x3FBA] =	sst s10  }
0x35: {  	s10 =	sld [smem:$0x3FB9];
	_ =	sdelay $0x3  }
0x36: {  	p1 =	seq.s32 s10, $0x1;
	s10 =	sld [smem:$0x3FBA];
	_ =	sdelay $0x3  }
0x37: {  	[smem:$0x3FBA] =	sst s10  }
0x38: {  	s10 =	sld [smem:$0x3FBB]  }
0x39: {  	_ = 	snop;
	(pc) =	sbr.ind lr, $3  }
0x3a: {  	_ = 	snop  }
0x3b: {  	_ = 	snop  }
0x3c: {  	p2 =	seq.s32 s10, $0x1;
	s10 =	sld [smem:$0x3FBA]  }
0x3d: {  	_ =	shalt  }
0x3e: {  	_ =	shalt  }
0x3f: {  	_ =	shalt  }
0x40: {  	_ =	shalt  }
0x41: {  	_ =	shalt  }
0x42: {  	_ =	shalt  }
0x43: {  	_ =	shalt  }
0x44: {  	_ =	shalt  }
0x45: {  	_ =	shalt  }
0x46: {  	_ =	shalt  }
0x47: {  	_ =	shalt  }
0x48: {  	_ =	shalt  }
0x49: {  	_ =	shalt  }
0x4a: {  	_ =	shalt  }
0x4b: {  	_ =	shalt  }
0x4c: {  	_ =	shalt  }
0x4d: {  	_ =	shalt  }
0x4e: {  	_ =	shalt  }
0x4f: {  	_ =	shalt  }
0x50: {  	_ =	shalt  }
0x51: {  	_ =	shalt  }
0x52: {  	_ =	shalt  }
0x53: {  	_ =	shalt  }
0x54: {  	_ =	shalt  }
0x55: {  	_ =	shalt  }
0x56: {  	_ =	shalt  }
0x57: {  	_ =	shalt  }
0x58: {  	_ =	shalt  }
0x59: {  	_ =	shalt  }
0x5a: {  	_ =	shalt  }
0x5b: {  	_ =	shalt  }
0x5c: {  	_ =	shalt  }
0x5d: {  	_ =	shalt  }
0x5e: {  	_ =	shalt  }
0x5f: {  	_ =	shalt  }
0x60: {  	_ =	shalt  }
0x61: {  	_ =	shalt  }
0x62: {  	_ =	shalt  }
0x63: {  	_ =	shalt  }
0x64: {  	_ =	shalt  }
0x65: {  	_ =	shalt  }
0x66: {  	_ =	shalt  }
0x67: {  	_ =	shalt  }
0x68: {  	_ =	shalt  }
0x69: {  	_ =	shalt  }
0x6a: {  	_ =	shalt  }
0x6b: {  	_ =	shalt  }
0x6c: {  	_ =	shalt  }
0x6d: {  	_ =	shalt  }
0x6e: {  	_ =	shalt  }
0x6f: {  	_ =	shalt  }
0x70: {  	_ =	shalt  }
0x71: {  	_ =	shalt  }
0x72: {  	_ =	shalt  }
0x73: {  	_ =	shalt  }
0x74: {  	_ =	shalt  }
0x75: {  	_ =	shalt  }
0x76: {  	_ =	shalt  }
0x77: {  	_ =	shalt  }
0x78: {  	_ =	shalt  }
0x79: {  	_ =	shalt  }
0x7a: {  	_ =	shalt  }
0x7b: {  	_ =	shalt  }
0x7c: {  	_ =	shalt  }
0x7d: {  	_ =	shalt  }
0x7e: {  	_ =	shalt  }
0x7f: {  	_ =	shalt  }
0x80: {  	_ =	shalt  }
0x81: {  	_ =	shalt  }
0x82: {  	_ =	shalt  }
0x83: {  	_ =	shalt  }
0x84: {  	_ =	shalt  }
0x85: {  	_ =	shalt  }
0x86: {  	_ =	shalt  }
0x87: {  	_ =	shalt  }
.Lfunc_end0:
.L_simem_size_0:
called_computation_lowered:
.L_overlay_start_0:
0x88: {  	s0 =	sld [smem:$0x3FD9]  }
0x89: {  	s1 =	sld [smem:$0x3FFE];
	_ =	sdelay $0x1  }
0x8a: {  	s2 =	srdreg.scid  }
0x8b: {  	s7 =	sand.u32 $0x1, s2  }
0x8c: {  	s8 =	sshll.u32 s7, $0xA;
	s0 =	sadd.s32 s1, s0  }
0x8d: {  	s0 =	sadd.s32 s0, s8  }
0x8e: {  	s17 =	simm.s32 $0x0;
	[smem:$0x3FC6] =	sst s0  }
0x8f: {  	[smem:$0xF] =	sst s17  }
0x90: {  	s4 =	sld [smem:$0x3FC9]  }
0x91: {  	s11 =	sld [smem:$0x3FD0];
	(tm) =	ssettm $0x1  }
0x92: {  	s9 =	sld [smem:$0x3FFB];
	_ =	sdelay $0x3  }
0x93: {  	_ =	strace s9  }
0x94: {  	s0 =	sld [smem:$0x3FFC];
	_ =	sdelay $0x3  }
0x95: {  	_ =	strace s0  }
0x96: {  	s0 =	sld [smem:$0x3FFD];
	_ =	sdelay $0x2  }
0x97: {  	s10 =	simm.s32 $0x1B8B  }
0x98: {  	s12 =	simm.s32 $0x1B8E;
	s13 =	simm.s32 $0x15;
	_ =	strace s0  }
0x99: {  	s6 =	simm.s32 $0x90;
	s16 =	simm.s32 $0x110;
	_ =	strace $0x8FFFFFFF  }
0x9a: {  	s19 =	simm.s32 $0x190;
	s21 =	simm.s32 $0x210;
	_ =	swait.ge [sflag:s10], $0x1  }
0x9b: {  	s23 =	simm.s32 $0x290;
	s25 =	simm.s32 $0x310;
	s1 =	sld [smem:$0x3FFE]  }
0x9c: {  	s28 =	simm.s32 $0x390;
	s30 =	simm.s32 $0x410;
	[sflag:s10] =	ssyncset.done $0x0  }
0x9d: {  	s3 =	simm.s32 $0x490;
	s2 =	simm.s32 $0x10;
	[sflag:s10] =	ssyncadd.s32 $0xFFFFFFFF  }
0x9e: {  	s8 =	simm.s32 $0x510;
	s10 =	simm.s32 $0x590;
	[smem:$0x3FD2] =	sst s12  }
0x9f: {  	s12 =	simm.s32 $0x610;
	_ =	strace $0x80000046;
	s5 =	sadd.s32 $0x1E00, s1  }
0xa0: {  	s14 =	sadd.s32 $0x1C00, s1;
	s15 =	sadd.s32 $0x1A00, s1;
	s18 =	sadd.s32 $0x1800, s1  }
0xa1: {  	s20 =	sadd.s32 $0x1600, s1;
	s22 =	sadd.s32 $0x1400, s1;
	s24 =	sadd.s32 $0x1200, s1  }
0xa2: {  	s26 =	sadd.s32 $0x1000, s1;
	s29 =	sadd.s32 $0xE00, s1;
	s31 =	sadd.s32 $0xC00, s1  }
0xa3: {  	[smem:s2], [sflag:s13] =	dma.local [hbm:s5], $0x10  }
0xa4: {  	[smem:s6], [sflag:s13] =	dma.local [hbm:s14], $0x10  }
0xa5: {  	s9 =	sadd.s32 $0x800, s1;
	s6 =	sadd.s32 $0xA00, s1;
	s1 =	sadd.s32 $0x600, s1  }
0xa6: {  	[smem:s16], [sflag:s13] =	dma.local [hbm:s15], $0x10  }
0xa7: {  	[smem:s19], [sflag:s13] =	dma.local [hbm:s18], $0x10  }
0xa8: {  	[smem:s21], [sflag:s13] =	dma.local [hbm:s20], $0x10  }
0xa9: {  	[smem:s23], [sflag:s13] =	dma.local [hbm:s22], $0x10  }
0xaa: {  	[smem:s25], [sflag:s13] =	dma.local [hbm:s24], $0x10  }
0xab: {  	[smem:s28], [sflag:s13] =	dma.local [hbm:s26], $0x10  }
0xac: {  	[smem:s30], [sflag:s13] =	dma.local [hbm:s29], $0x10  }
0xad: {  	[smem:s3], [sflag:s13] =	dma.local [hbm:s31], $0x10  }
0xae: {  	[smem:s8], [sflag:s13] =	dma.local [hbm:s6], $0x10  }
0xaf: {  	[smem:s10], [sflag:s13] =	dma.local [hbm:s9], $0x10  }
0xb0: {  	[smem:s12], [sflag:s13] =	dma.local [hbm:s1], $0x10  }
0xb1: {  	_ =	swait.ge [sflag:s13], $0x10  }
0xb2: {  	[sflag:s13] =	ssyncset.done $0x0  }
0xb3: {  	[sflag:s13] =	ssyncadd.s32 $0xFFFFFFF0;
	_ =	sdelay $0x2  }
0xb4: {  	_ =	swait.ge [sflag:s13], $0x10  }
0xb5: {  	[sflag:s13] =	ssyncset.done $0x0  }
0xb6: {  	[sflag:s13] =	ssyncadd.s32 $0xFFFFFFF0;
	_ =	sdelay $0x2  }
0xb7: {  	_ =	swait.ge [sflag:s13], $0x10  }
0xb8: {  	[sflag:s13] =	ssyncset.done $0x0  }
0xb9: {  	[sflag:s13] =	ssyncadd.s32 $0xFFFFFFF0;
	_ =	sdelay $0x2  }
0xba: {  	_ =	swait.ge [sflag:s13], $0x10  }
0xbb: {  	[sflag:s13] =	ssyncset.done $0x0  }
0xbc: {  	[sflag:s13] =	ssyncadd.s32 $0xFFFFFFF0;
	_ =	sdelay $0x2  }
0xbd: {  	_ =	swait.ge [sflag:s13], $0x10  }
0xbe: {  	[sflag:s13] =	ssyncset.done $0x0  }
0xbf: {  	[sflag:s13] =	ssyncadd.s32 $0xFFFFFFF0;
	_ =	sdelay $0x2  }
0xc0: {  	_ =	swait.ge [sflag:s13], $0x10  }
0xc1: {  	[sflag:s13] =	ssyncset.done $0x0  }
0xc2: {  	[sflag:s13] =	ssyncadd.s32 $0xFFFFFFF0;
	_ =	sdelay $0x2  }
0xc3: {  	_ =	swait.ge [sflag:s13], $0x10  }
0xc4: {  	[sflag:s13] =	ssyncset.done $0x0  }
0xc5: {  	[sflag:s13] =	ssyncadd.s32 $0xFFFFFFF0;
	_ =	sdelay $0x2  }
0xc6: {  	_ =	swait.ge [sflag:s13], $0x10  }
0xc7: {  	[sflag:s13] =	ssyncset.done $0x0  }
0xc8: {  	[sflag:s13] =	ssyncadd.s32 $0xFFFFFFF0;
	_ =	sdelay $0x2  }
0xc9: {  	_ =	swait.ge [sflag:s13], $0x10  }
0xca: {  	[sflag:s13] =	ssyncset.done $0x0  }
0xcb: {  	[sflag:s13] =	ssyncadd.s32 $0xFFFFFFF0;
	_ =	sdelay $0x2  }
0xcc: {  	_ =	swait.ge [sflag:s13], $0x10  }
0xcd: {  	[sflag:s13] =	ssyncset.done $0x0  }
0xce: {  	[sflag:s13] =	ssyncadd.s32 $0xFFFFFFF0;
	_ =	sdelay $0x2  }
0xcf: {  	_ =	swait.ge [sflag:s13], $0x10  }
0xd0: {  	[sflag:s13] =	ssyncset.done $0x0  }
0xd1: {  	[sflag:s13] =	ssyncadd.s32 $0xFFFFFFF0;
	_ =	sdelay $0x2  }
0xd2: {  	_ =	swait.ge [sflag:s13], $0x10  }
0xd3: {  	[sflag:s13] =	ssyncset.done $0x0  }
0xd4: {  	[sflag:s13] =	ssyncadd.s32 $0xFFFFFFF0;
	_ =	sdelay $0x2  }
0xd5: {  	_ =	swait.ge [sflag:s13], $0x10  }
0xd6: {  	[sflag:s13] =	ssyncset.done $0x0  }
0xd7: {  	[dreg:$0x0] =	wrdreg s7;
	[sflag:s13] =	ssyncadd.s32 $0xFFFFFFF0  }
0xd8: {  	s13 =	sld [smem:$0x10]  }
0xd9: {  	s16 =	sld [smem:$0x90]  }
0xda: {  	s19 =	sld [smem:$0x110]  }
0xdb: {  	s3 =	sld [smem:$0x190]  }
0xdc: {  	s29 =	sld [smem:$0x210]  }
0xdd: {  	s30 =	sld [smem:$0x290]  }
0xde: {  	s31 =	sld [smem:$0x310]  }
0xdf: {  	s0 =	sld [smem:$0x390]  }
0xe0: {  	s14 =	sld [smem:$0x410]  }
0xe1: {  	s15 =	sld [smem:$0x490]  }
0xe2: {  	s18 =	sld [smem:$0x510]  }
0xe3: {  	s21 =	sld [smem:$0x590]  }
0xe4: {  	s20 =	smul.u32 $0x2D0, s7;
	s23 =	sld [smem:$0x610]  }
0xe5: {  	[dreg:$0x6] =	wrdreg s0  }
0xe6: {  	s8 =	sshrl.u32 s20, $0x3;
	[dreg:$0x5] =	wrdreg s14  }
0xe7: {  	s9 =	smul.u32 $0x1800, s8;
	[dreg:$0x4] =	wrdreg s15  }
0xe8: {  	s6 =	simm.s32 $0x9;
	s5 =	smul.u32 $0x10E000, s13;
	[dreg:$0x3] =	wrdreg s18  }
0xe9: {  	s8 =	simm.s32 $0xA;
	s14 =	smul.u32 $0x87000, s7;
	[dreg:$0x2] =	wrdreg s21  }
0xea: {  	s12 =	sadd.s32 $0x5A000, s9;
	[dreg:$0x1] =	wrdreg s23;
	s15 =	sadd.s32 $0x2D000, s9  }
0xeb: {  	s9 =	simm.s32 $0xB400;
	s20 =	smul.u32 $0x10E000, s16;
	s22 =	sadd.s32 s14, s5  }
0xec: {  	s21 =	simm.s32 $0x10E00;
	s23 =	simm.s32 $0xD;
	s7 =	sshrl.u32 s22, $0x3  }
0xed: {  	s26 =	sshrl.u32 s15, $0x3;
	s24 =	sadd.s32 s15, s5;
	s7 =	sadd.s32 s4, s7  }
0xee: {  	[spmem:s17], [sflag:s6] =	dma.local [hbm:s7], $0x5A00  }
0xef: {  	s5 =	sadd.s32 s12, s5;
	s25 =	sshrl.u32 s14, $0x3;
	s7 =	sshrl.u32 s24, $0x3  }
0xf0: {  	s5 =	sshrl.u32 s5, $0x3;
	s10 =	sadd.s32 s4, s7;
	s7 =	simm.s32 $0x5A00  }
0xf1: {  	[spmem:s7], [sflag:s8] =	dma.local [hbm:s10], $0x5A00  }
0xf2: {  	s16 =	sadd.s32 s14, s20;
	s5 =	sadd.s32 s4, s5;
	s10 =	simm.s32 $0xB  }
0xf3: {  	[spmem:s9], [sflag:s10] =	dma.local [hbm:s5], $0x5A00  }
0xf4: {  	s18 =	sadd.s32 s15, s20;
	s13 =	sadd.s32 s25, s11;
	_ =	swait.ge [sflag:s6], $0x5A00  }
0xf5: {  	s16 =	sshrl.u32 s16, $0x3;
	s25 =	simm.s32 $0xC;
	[sflag:s6] =	ssyncset.done $0x0  }
0xf6: {  	s16 =	sadd.s32 s4, s16;
	s5 =	simm.s32 $0xF;
	[sflag:s6] =	ssyncadd.s32 $0xFFFFA600  }
0xf7: {  	[hbm:s13], [sflag:s5] =	dma.local [spmem:s17], $0x5A00  }
0xf8: {  	[spmem:s21], [sflag:s25] =	dma.local [hbm:s16], $0x5A00  }
0xf9: {  	s20 =	sadd.s32 s12, s20;
	s18 =	sshrl.u32 s18, $0x3;
	_ =	swait.ge [sflag:s8], $0x5A00  }
0xfa: {  	s22 =	simm.s32 $0x16800;
	s20 =	sshrl.u32 s20, $0x3;
	[sflag:s8] =	ssyncset.done $0x0  }
0xfb: {  	s18 =	sadd.s32 s4, s18;
	s16 =	sadd.s32 s26, s11;
	[sflag:s8] =	ssyncadd.s32 $0xFFFFA600  }
0xfc: {  	[hbm:s16], [sflag:s2] =	dma.local [spmem:s7], $0x5A00  }
0xfd: {  	[spmem:s22], [sflag:s23] =	dma.local [hbm:s18], $0x5A00  }
0xfe: {  	s28 =	sshrl.u32 s12, $0x3;
	s20 =	sadd.s32 s4, s20;
	_ =	swait.ge [sflag:s10], $0x5A00  }
0xff: {  	s24 =	simm.s32 $0x1C200;
	s26 =	simm.s32 $0xE;
	[sflag:s10] =	ssyncset.done $0x0  }
0x100: {  	s18 =	sadd.s32 s28, s11;
	s11 =	simm.s32 $0x11;
	[sflag:s10] =	ssyncadd.s32 $0xFFFFA600  }
0x101: {  	[hbm:s18], [sflag:s11] =	dma.local [spmem:s9], $0x5A00  }
0x102: {  	[spmem:s24], [sflag:s26] =	dma.local [hbm:s20], $0x5A00  }
0x103: {  	_ =	swait.ge [sflag:s25], $0x5A00  }
0x104: {  	[sflag:s25] =	ssyncset.done $0x0  }
0x105: {  	[sflag:s25] =	ssyncadd.s32 $0xFFFFA600  }
0x106: {  	s1 =	smul.u32 $0x10E000, s19;
	s19 =	simm.s32 $0x12;
	s0 =	sadd.s32 $0x21C00, s13  }
0x107: {  	[hbm:s0], [sflag:s19] =	dma.local [spmem:s21], $0x5A00  }
0x108: {  	_ =	swait.ge [sflag:s5], $0x5A00  }
0x109: {  	s28 =	sadd.s32 s14, s1;
	[sflag:s5] =	ssyncset.done $0x0  }
0x10a: {  	s20 =	sshrl.u32 s28, $0x3;
	[sflag:s5] =	ssyncadd.s32 $0xFFFFA600  }
0x10b: {  	s20 =	sadd.s32 s4, s20  }
0x10c: {  	[spmem:s17], [sflag:s6] =	dma.local [hbm:s20], $0x5A00  }
0x10d: {  	_ =	swait.ge [sflag:s23], $0x5A00  }
0x10e: {  	[sflag:s23] =	ssyncset.done $0x0  }
0x10f: {  	[sflag:s23] =	ssyncadd.s32 $0xFFFFA600  }
0x110: {  	s28 =	sadd.s32 $0x21C00, s16;
	s20 =	simm.s32 $0x13  }
0x111: {  	[hbm:s28], [sflag:s20] =	dma.local [spmem:s22], $0x5A00  }
0x112: {  	_ =	swait.ge [sflag:s2], $0x5A00  }
0x113: {  	s0 =	sadd.s32 s15, s1;
	[sflag:s2] =	ssyncset.done $0x0  }
0x114: {  	s28 =	sshrl.u32 s0, $0x3;
	[sflag:s2] =	ssyncadd.s32 $0xFFFFA600  }
0x115: {  	s28 =	sadd.s32 s4, s28  }
0x116: {  	[spmem:s7], [sflag:s8] =	dma.local [hbm:s28], $0x5A00  }
0x117: {  	_ =	swait.ge [sflag:s26], $0x5A00  }
0x118: {  	[sflag:s26] =	ssyncset.done $0x0  }
0x119: {  	[sflag:s26] =	ssyncadd.s32 $0xFFFFA600  }
0x11a: {  	s0 =	sadd.s32 $0x21C00, s18;
	s28 =	simm.s32 $0x14  }
0x11b: {  	[hbm:s0], [sflag:s28] =	dma.local [spmem:s24], $0x5A00  }
0x11c: {  	_ =	swait.ge [sflag:s11], $0x5A00  }
0x11d: {  	s1 =	sadd.s32 s12, s1;
	[sflag:s11] =	ssyncset.done $0x0  }
0x11e: {  	s0 =	sshrl.u32 s1, $0x3;
	[sflag:s11] =	ssyncadd.s32 $0xFFFFA600  }
0x11f: {  	s0 =	sadd.s32 s4, s0  }
0x120: {  	[spmem:s9], [sflag:s10] =	dma.local [hbm:s0], $0x5A00  }
0x121: {  	_ =	swait.ge [sflag:s6], $0x5A00  }
0x122: {  	[sflag:s6] =	ssyncset.done $0x0  }
0x123: {  	[sflag:s6] =	ssyncadd.s32 $0xFFFFA600  }
0x124: {  	s0 =	smul.u32 $0x10E000, s3;
	s3 =	sadd.s32 $0x43800, s13  }
0x125: {  	[hbm:s3], [sflag:s5] =	dma.local [spmem:s17], $0x5A00  }
0x126: {  	_ =	swait.ge [sflag:s19], $0x5A00  }
0x127: {  	s3 =	sadd.s32 s14, s0;
	[sflag:s19] =	ssyncset.done $0x0  }
0x128: {  	s1 =	sshrl.u32 s3, $0x3;
	[sflag:s19] =	ssyncadd.s32 $0xFFFFA600  }
0x129: {  	s1 =	sadd.s32 s4, s1  }
0x12a: {  	[spmem:s21], [sflag:s25] =	dma.local [hbm:s1], $0x5A00  }
0x12b: {  	_ =	swait.ge [sflag:s8], $0x5A00  }
0x12c: {  	[sflag:s8] =	ssyncset.done $0x0  }
0x12d: {  	[sflag:s8] =	ssyncadd.s32 $0xFFFFA600  }
0x12e: {  	s3 =	sadd.s32 $0x43800, s16  }
0x12f: {  	[hbm:s3], [sflag:s2] =	dma.local [spmem:s7], $0x5A00  }
0x130: {  	_ =	swait.ge [sflag:s20], $0x5A00  }
0x131: {  	s3 =	sadd.s32 s15, s0;
	[sflag:s20] =	ssyncset.done $0x0  }
0x132: {  	s1 =	sshrl.u32 s3, $0x3;
	[sflag:s20] =	ssyncadd.s32 $0xFFFFA600  }
0x133: {  	s1 =	sadd.s32 s4, s1  }
0x134: {  	[spmem:s22], [sflag:s23] =	dma.local [hbm:s1], $0x5A00  }
0x135: {  	_ =	swait.ge [sflag:s10], $0x5A00  }
0x136: {  	[sflag:s10] =	ssyncset.done $0x0  }
0x137: {  	[sflag:s10] =	ssyncadd.s32 $0xFFFFA600  }
0x138: {  	s3 =	sadd.s32 $0x43800, s18  }
0x139: {  	[hbm:s3], [sflag:s11] =	dma.local [spmem:s9], $0x5A00  }
0x13a: {  	_ =	swait.ge [sflag:s28], $0x5A00  }
0x13b: {  	s0 =	sadd.s32 s12, s0;
	[sflag:s28] =	ssyncset.done $0x0  }
0x13c: {  	s0 =	sshrl.u32 s0, $0x3;
	[sflag:s28] =	ssyncadd.s32 $0xFFFFA600  }
0x13d: {  	s0 =	sadd.s32 s4, s0  }
0x13e: {  	[spmem:s24], [sflag:s26] =	dma.local [hbm:s0], $0x5A00  }
0x13f: {  	_ =	swait.ge [sflag:s25], $0x5A00  }
0x140: {  	[sflag:s25] =	ssyncset.done $0x0  }
0x141: {  	[sflag:s25] =	ssyncadd.s32 $0xFFFFA600  }
0x142: {  	s0 =	smul.u32 $0x10E000, s29;
	s29 =	sadd.s32 $0x65400, s13  }
0x143: {  	[hbm:s29], [sflag:s19] =	dma.local [spmem:s21], $0x5A00  }
0x144: {  	_ =	swait.ge [sflag:s5], $0x5A00  }
0x145: {  	s3 =	sadd.s32 s14, s0;
	[sflag:s5] =	ssyncset.done $0x0  }
0x146: {  	s1 =	sshrl.u32 s3, $0x3;
	[sflag:s5] =	ssyncadd.s32 $0xFFFFA600  }
0x147: {  	s1 =	sadd.s32 s4, s1  }
0x148: {  	[spmem:s17], [sflag:s6] =	dma.local [hbm:s1], $0x5A00  }
0x149: {  	_ =	swait.ge [sflag:s23], $0x5A00  }
0x14a: {  	[sflag:s23] =	ssyncset.done $0x0  }
0x14b: {  	[sflag:s23] =	ssyncadd.s32 $0xFFFFA600  }
0x14c: {  	s29 =	sadd.s32 $0x65400, s16  }
0x14d: {  	[hbm:s29], [sflag:s20] =	dma.local [spmem:s22], $0x5A00  }
0x14e: {  	_ =	swait.ge [sflag:s2], $0x5A00  }
0x14f: {  	s3 =	sadd.s32 s15, s0;
	[sflag:s2] =	ssyncset.done $0x0  }
0x150: {  	s1 =	sshrl.u32 s3, $0x3;
	[sflag:s2] =	ssyncadd.s32 $0xFFFFA600  }
0x151: {  	s1 =	sadd.s32 s4, s1  }
0x152: {  	[spmem:s7], [sflag:s8] =	dma.local [hbm:s1], $0x5A00  }
0x153: {  	_ =	swait.ge [sflag:s26], $0x5A00  }
0x154: {  	[sflag:s26] =	ssyncset.done $0x0  }
0x155: {  	[sflag:s26] =	ssyncadd.s32 $0xFFFFA600  }
0x156: {  	s29 =	sadd.s32 $0x65400, s18  }
0x157: {  	[hbm:s29], [sflag:s28] =	dma.local [spmem:s24], $0x5A00  }
0x158: {  	_ =	swait.ge [sflag:s11], $0x5A00  }
0x159: {  	s0 =	sadd.s32 s12, s0;
	[sflag:s11] =	ssyncset.done $0x0  }
0x15a: {  	s0 =	sshrl.u32 s0, $0x3;
	[sflag:s11] =	ssyncadd.s32 $0xFFFFA600  }
0x15b: {  	s0 =	sadd.s32 s4, s0  }
0x15c: {  	[spmem:s9], [sflag:s10] =	dma.local [hbm:s0], $0x5A00  }
0x15d: {  	_ =	swait.ge [sflag:s6], $0x5A00  }
0x15e: {  	[sflag:s6] =	ssyncset.done $0x0  }
0x15f: {  	[sflag:s6] =	ssyncadd.s32 $0xFFFFA600  }
0x160: {  	s0 =	smul.u32 $0x10E000, s30;
	s30 =	sadd.s32 $0x87000, s13  }
0x161: {  	[hbm:s30], [sflag:s5] =	dma.local [spmem:s17], $0x5A00  }
0x162: {  	_ =	swait.ge [sflag:s19], $0x5A00  }
0x163: {  	s3 =	sadd.s32 s14, s0;
	[sflag:s19] =	ssyncset.done $0x0  }
0x164: {  	s1 =	sshrl.u32 s3, $0x3;
	[sflag:s19] =	ssyncadd.s32 $0xFFFFA600  }
0x165: {  	s1 =	sadd.s32 s4, s1  }
0x166: {  	[spmem:s21], [sflag:s25] =	dma.local [hbm:s1], $0x5A00  }
0x167: {  	_ =	swait.ge [sflag:s8], $0x5A00  }
0x168: {  	[sflag:s8] =	ssyncset.done $0x0  }
0x169: {  	[sflag:s8] =	ssyncadd.s32 $0xFFFFA600  }
0x16a: {  	s29 =	sadd.s32 $0x87000, s16  }
0x16b: {  	[hbm:s29], [sflag:s2] =	dma.local [spmem:s7], $0x5A00  }
0x16c: {  	_ =	swait.ge [sflag:s20], $0x5A00  }
0x16d: {  	s30 =	sadd.s32 s15, s0;
	[sflag:s20] =	ssyncset.done $0x0  }
0x16e: {  	s1 =	sshrl.u32 s30, $0x3;
	[sflag:s20] =	ssyncadd.s32 $0xFFFFA600  }
0x16f: {  	s1 =	sadd.s32 s4, s1  }
0x170: {  	[spmem:s22], [sflag:s23] =	dma.local [hbm:s1], $0x5A00  }
0x171: {  	_ =	swait.ge [sflag:s10], $0x5A00  }
0x172: {  	[sflag:s10] =	ssyncset.done $0x0  }
0x173: {  	[sflag:s10] =	ssyncadd.s32 $0xFFFFA600  }
0x174: {  	s3 =	sadd.s32 $0x87000, s18  }
0x175: {  	[hbm:s3], [sflag:s11] =	dma.local [spmem:s9], $0x5A00  }
0x176: {  	_ =	swait.ge [sflag:s28], $0x5A00  }
0x177: {  	s0 =	sadd.s32 s12, s0;
	[sflag:s28] =	ssyncset.done $0x0  }
0x178: {  	s0 =	sshrl.u32 s0, $0x3;
	[sflag:s28] =	ssyncadd.s32 $0xFFFFA600  }
0x179: {  	s0 =	sadd.s32 s4, s0  }
0x17a: {  	[spmem:s24], [sflag:s26] =	dma.local [hbm:s0], $0x5A00  }
0x17b: {  	_ =	swait.ge [sflag:s25], $0x5A00  }
0x17c: {  	[sflag:s25] =	ssyncset.done $0x0  }
0x17d: {  	[sflag:s25] =	ssyncadd.s32 $0xFFFFA600  }
0x17e: {  	s29 =	sadd.s32 $0xA8C00, s13;
	s0 =	smul.u32 $0x10E000, s31  }
0x17f: {  	[hbm:s29], [sflag:s19] =	dma.local [spmem:s21], $0x5A00  }
0x180: {  	_ =	swait.ge [sflag:s5], $0x5A00  }
0x181: {  	s30 =	sadd.s32 s14, s0;
	[sflag:s5] =	ssyncset.done $0x0  }
0x182: {  	s1 =	sshrl.u32 s30, $0x3;
	[sflag:s5] =	ssyncadd.s32 $0xFFFFA600  }
0x183: {  	s1 =	sadd.s32 s4, s1  }
0x184: {  	[spmem:s17], [sflag:s6] =	dma.local [hbm:s1], $0x5A00  }
0x185: {  	_ =	swait.ge [sflag:s23], $0x5A00  }
0x186: {  	[sflag:s23] =	ssyncset.done $0x0  }
0x187: {  	[sflag:s23] =	ssyncadd.s32 $0xFFFFA600  }
0x188: {  	s31 =	sadd.s32 $0xA8C00, s16  }
0x189: {  	[hbm:s31], [sflag:s20] =	dma.local [spmem:s22], $0x5A00  }
0x18a: {  	_ =	swait.ge [sflag:s2], $0x5A00  }
0x18b: {  	s3 =	sadd.s32 s15, s0;
	[sflag:s2] =	ssyncset.done $0x0  }
0x18c: {  	s1 =	sshrl.u32 s3, $0x3;
	[sflag:s2] =	ssyncadd.s32 $0xFFFFA600  }
0x18d: {  	s1 =	sadd.s32 s4, s1  }
0x18e: {  	[spmem:s7], [sflag:s8] =	dma.local [hbm:s1], $0x5A00  }
0x18f: {  	_ =	swait.ge [sflag:s26], $0x5A00  }
0x190: {  	[sflag:s26] =	ssyncset.done $0x0  }
0x191: {  	[sflag:s26] =	ssyncadd.s32 $0xFFFFA600  }
0x192: {  	s29 =	sadd.s32 $0xA8C00, s18  }
0x193: {  	[hbm:s29], [sflag:s28] =	dma.local [spmem:s24], $0x5A00  }
0x194: {  	_ =	swait.ge [sflag:s11], $0x5A00  }
0x195: {  	s0 =	sadd.s32 s12, s0;
	[sflag:s11] =	ssyncset.done $0x0  }
0x196: {  	s0 =	sshrl.u32 s0, $0x3;
	[sflag:s11] =	ssyncadd.s32 $0xFFFFA600  }
0x197: {  	s0 =	sadd.s32 s4, s0  }
0x198: {  	[spmem:s9], [sflag:s10] =	dma.local [hbm:s0], $0x5A00  }
0x199: {  	_ =	swait.ge [sflag:s6], $0x5A00  }
0x19a: {  	[sflag:s6] =	ssyncset.done $0x0  }
0x19b: {  	s30 =	rddreg [dreg:$0x6];
	[sflag:s6] =	ssyncadd.s32 $0xFFFFA600  }
0x19c: {  	s31 =	sadd.s32 $0xCA800, s13;
	s0 =	smul.u32 $0x10E000, s30  }
0x19d: {  	[hbm:s31], [sflag:s5] =	dma.local [spmem:s17], $0x5A00  }
0x19e: {  	_ =	swait.ge [sflag:s19], $0x5A00  }
0x19f: {  	s3 =	sadd.s32 s14, s0;
	[sflag:s19] =	ssyncset.done $0x0  }
0x1a0: {  	s1 =	sshrl.u32 s3, $0x3;
	[sflag:s19] =	ssyncadd.s32 $0xFFFFA600  }
0x1a1: {  	s1 =	sadd.s32 s4, s1  }
0x1a2: {  	[spmem:s21], [sflag:s25] =	dma.local [hbm:s1], $0x5A00  }
0x1a3: {  	_ =	swait.ge [sflag:s8], $0x5A00  }
0x1a4: {  	[sflag:s8] =	ssyncset.done $0x0  }
0x1a5: {  	[sflag:s8] =	ssyncadd.s32 $0xFFFFA600  }
0x1a6: {  	s29 =	sadd.s32 $0xCA800, s16  }
0x1a7: {  	[hbm:s29], [sflag:s2] =	dma.local [spmem:s7], $0x5A00  }
0x1a8: {  	_ =	swait.ge [sflag:s20], $0x5A00  }
0x1a9: {  	s30 =	sadd.s32 s15, s0;
	[sflag:s20] =	ssyncset.done $0x0  }
0x1aa: {  	s1 =	sshrl.u32 s30, $0x3;
	[sflag:s20] =	ssyncadd.s32 $0xFFFFA600  }
0x1ab: {  	s1 =	sadd.s32 s4, s1  }
0x1ac: {  	[spmem:s22], [sflag:s23] =	dma.local [hbm:s1], $0x5A00  }
0x1ad: {  	_ =	swait.ge [sflag:s10], $0x5A00  }
0x1ae: {  	[sflag:s10] =	ssyncset.done $0x0  }
0x1af: {  	[sflag:s10] =	ssyncadd.s32 $0xFFFFA600  }
0x1b0: {  	s31 =	sadd.s32 $0xCA800, s18  }
0x1b1: {  	[hbm:s31], [sflag:s11] =	dma.local [spmem:s9], $0x5A00  }
0x1b2: {  	_ =	swait.ge [sflag:s28], $0x5A00  }
0x1b3: {  	s0 =	sadd.s32 s12, s0;
	[sflag:s28] =	ssyncset.done $0x0  }
0x1b4: {  	s0 =	sshrl.u32 s0, $0x3;
	[sflag:s28] =	ssyncadd.s32 $0xFFFFA600  }
0x1b5: {  	s0 =	sadd.s32 s4, s0  }
0x1b6: {  	[spmem:s24], [sflag:s26] =	dma.local [hbm:s0], $0x5A00  }
0x1b7: {  	_ =	swait.ge [sflag:s25], $0x5A00  }
0x1b8: {  	[sflag:s25] =	ssyncset.done $0x0  }
0x1b9: {  	s3 =	rddreg [dreg:$0x5];
	[sflag:s25] =	ssyncadd.s32 $0xFFFFA600  }
0x1ba: {  	s29 =	sadd.s32 $0xEC400, s13;
	s0 =	smul.u32 $0x10E000, s3  }
0x1bb: {  	[hbm:s29], [sflag:s19] =	dma.local [spmem:s21], $0x5A00  }
0x1bc: {  	_ =	swait.ge [sflag:s5], $0x5A00  }
0x1bd: {  	s30 =	sadd.s32 s14, s0;
	[sflag:s5] =	ssyncset.done $0x0  }
0x1be: {  	s1 =	sshrl.u32 s30, $0x3;
	[sflag:s5] =	ssyncadd.s32 $0xFFFFA600  }
0x1bf: {  	s1 =	sadd.s32 s4, s1  }
0x1c0: {  	[spmem:s17], [sflag:s6] =	dma.local [hbm:s1], $0x5A00  }
0x1c1: {  	_ =	swait.ge [sflag:s23], $0x5A00  }
0x1c2: {  	[sflag:s23] =	ssyncset.done $0x0  }
0x1c3: {  	[sflag:s23] =	ssyncadd.s32 $0xFFFFA600  }
0x1c4: {  	s31 =	sadd.s32 $0xEC400, s16  }
0x1c5: {  	[hbm:s31], [sflag:s20] =	dma.local [spmem:s22], $0x5A00  }
0x1c6: {  	_ =	swait.ge [sflag:s2], $0x5A00  }
0x1c7: {  	s3 =	sadd.s32 s15, s0;
	[sflag:s2] =	ssyncset.done $0x0  }
0x1c8: {  	s1 =	sshrl.u32 s3, $0x3;
	[sflag:s2] =	ssyncadd.s32 $0xFFFFA600  }
0x1c9: {  	s1 =	sadd.s32 s4, s1  }
0x1ca: {  	[spmem:s7], [sflag:s8] =	dma.local [hbm:s1], $0x5A00  }
0x1cb: {  	_ =	swait.ge [sflag:s26], $0x5A00  }
0x1cc: {  	[sflag:s26] =	ssyncset.done $0x0  }
0x1cd: {  	[sflag:s26] =	ssyncadd.s32 $0xFFFFA600  }
0x1ce: {  	s29 =	sadd.s32 $0xEC400, s18  }
0x1cf: {  	[hbm:s29], [sflag:s28] =	dma.local [spmem:s24], $0x5A00  }
0x1d0: {  	_ =	swait.ge [sflag:s11], $0x5A00  }
0x1d1: {  	s0 =	sadd.s32 s12, s0;
	[sflag:s11] =	ssyncset.done $0x0  }
0x1d2: {  	s0 =	sshrl.u32 s0, $0x3;
	[sflag:s11] =	ssyncadd.s32 $0xFFFFA600  }
0x1d3: {  	s0 =	sadd.s32 s4, s0  }
0x1d4: {  	[spmem:s9], [sflag:s10] =	dma.local [hbm:s0], $0x5A00  }
0x1d5: {  	_ =	swait.ge [sflag:s6], $0x5A00  }
0x1d6: {  	[sflag:s6] =	ssyncset.done $0x0  }
0x1d7: {  	s30 =	rddreg [dreg:$0x4];
	[sflag:s6] =	ssyncadd.s32 $0xFFFFA600  }
0x1d8: {  	s31 =	sadd.s32 $0x10E000, s13;
	s0 =	smul.u32 $0x10E000, s30  }
0x1d9: {  	[hbm:s31], [sflag:s5] =	dma.local [spmem:s17], $0x5A00  }
0x1da: {  	_ =	swait.ge [sflag:s19], $0x5A00  }
0x1db: {  	s3 =	sadd.s32 s14, s0;
	[sflag:s19] =	ssyncset.done $0x0  }
0x1dc: {  	s1 =	sshrl.u32 s3, $0x3;
	[sflag:s19] =	ssyncadd.s32 $0xFFFFA600  }
0x1dd: {  	s1 =	sadd.s32 s4, s1  }
0x1de: {  	[spmem:s21], [sflag:s25] =	dma.local [hbm:s1], $0x5A00  }
0x1df: {  	_ =	swait.ge [sflag:s8], $0x5A00  }
0x1e0: {  	[sflag:s8] =	ssyncset.done $0x0  }
0x1e1: {  	[sflag:s8] =	ssyncadd.s32 $0xFFFFA600  }
0x1e2: {  	s29 =	sadd.s32 $0x10E000, s16  }
0x1e3: {  	[hbm:s29], [sflag:s2] =	dma.local [spmem:s7], $0x5A00  }
0x1e4: {  	_ =	swait.ge [sflag:s20], $0x5A00  }
0x1e5: {  	s30 =	sadd.s32 s15, s0;
	[sflag:s20] =	ssyncset.done $0x0  }
0x1e6: {  	s1 =	sshrl.u32 s30, $0x3;
	[sflag:s20] =	ssyncadd.s32 $0xFFFFA600  }
0x1e7: {  	s1 =	sadd.s32 s4, s1  }
0x1e8: {  	[spmem:s22], [sflag:s23] =	dma.local [hbm:s1], $0x5A00  }
0x1e9: {  	_ =	swait.ge [sflag:s10], $0x5A00  }
0x1ea: {  	[sflag:s10] =	ssyncset.done $0x0  }
0x1eb: {  	[sflag:s10] =	ssyncadd.s32 $0xFFFFA600  }
0x1ec: {  	s31 =	sadd.s32 $0x10E000, s18  }
0x1ed: {  	[hbm:s31], [sflag:s11] =	dma.local [spmem:s9], $0x5A00  }
0x1ee: {  	_ =	swait.ge [sflag:s28], $0x5A00  }
0x1ef: {  	s0 =	sadd.s32 s12, s0;
	[sflag:s28] =	ssyncset.done $0x0  }
0x1f0: {  	s0 =	sshrl.u32 s0, $0x3;
	[sflag:s28] =	ssyncadd.s32 $0xFFFFA600  }
0x1f1: {  	s0 =	sadd.s32 s4, s0  }
0x1f2: {  	[spmem:s24], [sflag:s26] =	dma.local [hbm:s0], $0x5A00  }
0x1f3: {  	_ =	swait.ge [sflag:s25], $0x5A00  }
0x1f4: {  	[sflag:s25] =	ssyncset.done $0x0  }
0x1f5: {  	s3 =	rddreg [dreg:$0x3];
	[sflag:s25] =	ssyncadd.s32 $0xFFFFA600  }
0x1f6: {  	s29 =	sadd.s32 $0x12FC00, s13;
	s0 =	smul.u32 $0x10E000, s3  }
0x1f7: {  	[hbm:s29], [sflag:s19] =	dma.local [spmem:s21], $0x5A00  }
0x1f8: {  	_ =	swait.ge [sflag:s5], $0x5A00  }
0x1f9: {  	s30 =	sadd.s32 s14, s0;
	[sflag:s5] =	ssyncset.done $0x0  }
0x1fa: {  	s1 =	sshrl.u32 s30, $0x3;
	[sflag:s5] =	ssyncadd.s32 $0xFFFFA600  }
0x1fb: {  	s1 =	sadd.s32 s4, s1  }
0x1fc: {  	[spmem:s17], [sflag:s6] =	dma.local [hbm:s1], $0x5A00  }
0x1fd: {  	_ =	swait.ge [sflag:s23], $0x5A00  }
0x1fe: {  	[sflag:s23] =	ssyncset.done $0x0  }
0x1ff: {  	[sflag:s23] =	ssyncadd.s32 $0xFFFFA600  }
0x200: {  	s31 =	sadd.s32 $0x12FC00, s16  }
0x201: {  	[hbm:s31], [sflag:s20] =	dma.local [spmem:s22], $0x5A00  }
0x202: {  	_ =	swait.ge [sflag:s2], $0x5A00  }
0x203: {  	s3 =	sadd.s32 s15, s0;
	[sflag:s2] =	ssyncset.done $0x0  }
0x204: {  	s1 =	sshrl.u32 s3, $0x3;
	[sflag:s2] =	ssyncadd.s32 $0xFFFFA600  }
0x205: {  	s1 =	sadd.s32 s4, s1  }
0x206: {  	[spmem:s7], [sflag:s8] =	dma.local [hbm:s1], $0x5A00  }
0x207: {  	_ =	swait.ge [sflag:s26], $0x5A00  }
0x208: {  	[sflag:s26] =	ssyncset.done $0x0  }
0x209: {  	[sflag:s26] =	ssyncadd.s32 $0xFFFFA600  }
0x20a: {  	s29 =	sadd.s32 $0x12FC00, s18  }
0x20b: {  	[hbm:s29], [sflag:s28] =	dma.local [spmem:s24], $0x5A00  }
0x20c: {  	_ =	swait.ge [sflag:s11], $0x5A00  }
0x20d: {  	s0 =	sadd.s32 s12, s0;
	[sflag:s11] =	ssyncset.done $0x0  }
0x20e: {  	s0 =	sshrl.u32 s0, $0x3;
	[sflag:s11] =	ssyncadd.s32 $0xFFFFA600  }
0x20f: {  	s0 =	sadd.s32 s4, s0  }
0x210: {  	[spmem:s9], [sflag:s10] =	dma.local [hbm:s0], $0x5A00  }
0x211: {  	_ =	swait.ge [sflag:s6], $0x5A00  }
0x212: {  	[sflag:s6] =	ssyncset.done $0x0  }
0x213: {  	s30 =	rddreg [dreg:$0x2];
	[sflag:s6] =	ssyncadd.s32 $0xFFFFA600  }
0x214: {  	s31 =	sadd.s32 $0x151800, s13;
	s0 =	smul.u32 $0x10E000, s30  }
0x215: {  	[hbm:s31], [sflag:s5] =	dma.local [spmem:s17], $0x5A00  }
0x216: {  	_ =	swait.ge [sflag:s19], $0x5A00  }
0x217: {  	s3 =	sadd.s32 s14, s0;
	[sflag:s19] =	ssyncset.done $0x0  }
0x218: {  	s1 =	sshrl.u32 s3, $0x3;
	[sflag:s19] =	ssyncadd.s32 $0xFFFFA600  }
0x219: {  	s1 =	sadd.s32 s4, s1  }
0x21a: {  	[spmem:s21], [sflag:s25] =	dma.local [hbm:s1], $0x5A00  }
0x21b: {  	_ =	swait.ge [sflag:s8], $0x5A00  }
0x21c: {  	[sflag:s8] =	ssyncset.done $0x0  }
0x21d: {  	[sflag:s8] =	ssyncadd.s32 $0xFFFFA600  }
0x21e: {  	s29 =	sadd.s32 $0x151800, s16  }
0x21f: {  	[hbm:s29], [sflag:s2] =	dma.local [spmem:s7], $0x5A00  }
0x220: {  	_ =	swait.ge [sflag:s20], $0x5A00  }
0x221: {  	s30 =	sadd.s32 s15, s0;
	[sflag:s20] =	ssyncset.done $0x0  }
0x222: {  	s1 =	sshrl.u32 s30, $0x3;
	[sflag:s20] =	ssyncadd.s32 $0xFFFFA600  }
0x223: {  	s1 =	sadd.s32 s4, s1  }
0x224: {  	[spmem:s22], [sflag:s23] =	dma.local [hbm:s1], $0x5A00  }
0x225: {  	_ =	swait.ge [sflag:s10], $0x5A00  }
0x226: {  	[sflag:s10] =	ssyncset.done $0x0  }
0x227: {  	[sflag:s10] =	ssyncadd.s32 $0xFFFFA600  }
0x228: {  	s31 =	sadd.s32 $0x151800, s18  }
0x229: {  	[hbm:s31], [sflag:s11] =	dma.local [spmem:s9], $0x5A00  }
0x22a: {  	_ =	swait.ge [sflag:s28], $0x5A00  }
0x22b: {  	s0 =	sadd.s32 s12, s0;
	[sflag:s28] =	ssyncset.done $0x0  }
0x22c: {  	s0 =	sshrl.u32 s0, $0x3;
	[sflag:s28] =	ssyncadd.s32 $0xFFFFA600  }
0x22d: {  	s0 =	sadd.s32 s4, s0  }
0x22e: {  	[spmem:s24], [sflag:s26] =	dma.local [hbm:s0], $0x5A00  }
0x22f: {  	_ =	swait.ge [sflag:s25], $0x5A00  }
0x230: {  	[sflag:s25] =	ssyncset.done $0x0  }
0x231: {  	s1 =	rddreg [dreg:$0x1];
	[sflag:s25] =	ssyncadd.s32 $0xFFFFA600  }
0x232: {  	s3 =	sadd.s32 $0x173400, s13;
	s0 =	smul.u32 $0x10E000, s1  }
0x233: {  	[hbm:s3], [sflag:s19] =	dma.local [spmem:s21], $0x5A00  }
0x234: {  	_ =	swait.ge [sflag:s5], $0x5A00  }
0x235: {  	s14 =	sadd.s32 s14, s0;
	[sflag:s5] =	ssyncset.done $0x0  }
0x236: {  	s1 =	sshrl.u32 s14, $0x3;
	[sflag:s5] =	ssyncadd.s32 $0xFFFFA600  }
0x237: {  	s1 =	sadd.s32 s4, s1  }
0x238: {  	[spmem:s17], [sflag:s6] =	dma.local [hbm:s1], $0x5A00  }
0x239: {  	_ =	swait.ge [sflag:s23], $0x5A00  }
0x23a: {  	[sflag:s23] =	ssyncset.done $0x0  }
0x23b: {  	[sflag:s23] =	ssyncadd.s32 $0xFFFFA600  }
0x23c: {  	s21 =	sadd.s32 $0x173400, s16  }
0x23d: {  	[hbm:s21], [sflag:s20] =	dma.local [spmem:s22], $0x5A00  }
0x23e: {  	_ =	swait.ge [sflag:s2], $0x5A00  }
0x23f: {  	s22 =	sadd.s32 s15, s0;
	[sflag:s2] =	ssyncset.done $0x0  }
0x240: {  	s1 =	sshrl.u32 s22, $0x3;
	[sflag:s2] =	ssyncadd.s32 $0xFFFFA600  }
0x241: {  	s1 =	sadd.s32 s4, s1  }
0x242: {  	[spmem:s7], [sflag:s8] =	dma.local [hbm:s1], $0x5A00  }
0x243: {  	_ =	swait.ge [sflag:s26], $0x5A00  }
0x244: {  	[sflag:s26] =	ssyncset.done $0x0  }
0x245: {  	[sflag:s26] =	ssyncadd.s32 $0xFFFFA600  }
0x246: {  	s23 =	sadd.s32 $0x173400, s18  }
0x247: {  	[hbm:s23], [sflag:s28] =	dma.local [spmem:s24], $0x5A00  }
0x248: {  	_ =	swait.ge [sflag:s11], $0x5A00  }
0x249: {  	s0 =	sadd.s32 s12, s0;
	[sflag:s11] =	ssyncset.done $0x0  }
0x24a: {  	s0 =	sshrl.u32 s0, $0x3;
	[sflag:s11] =	ssyncadd.s32 $0xFFFFA600  }
0x24b: {  	s0 =	sadd.s32 s4, s0  }
0x24c: {  	[spmem:s9], [sflag:s10] =	dma.local [hbm:s0], $0x5A00  }
0x24d: {  	_ =	swait.ge [sflag:s6], $0x5A00  }
0x24e: {  	[sflag:s6] =	ssyncset.done $0x0  }
0x24f: {  	[sflag:s6] =	ssyncadd.s32 $0xFFFFA600  }
0x250: {  	s24 =	sadd.s32 $0x195000, s13  }
0x251: {  	[hbm:s24], [sflag:s5] =	dma.local [spmem:s17], $0x5A00  }
0x252: {  	_ =	swait.ge [sflag:s8], $0x5A00  }
0x253: {  	[sflag:s8] =	ssyncset.done $0x0  }
0x254: {  	[sflag:s8] =	ssyncadd.s32 $0xFFFFA600  }
0x255: {  	s25 =	sadd.s32 $0x195000, s16  }
0x256: {  	[hbm:s25], [sflag:s2] =	dma.local [spmem:s7], $0x5A00  }
0x257: {  	_ =	swait.ge [sflag:s10], $0x5A00  }
0x258: {  	[sflag:s10] =	ssyncset.done $0x0  }
0x259: {  	[sflag:s10] =	ssyncadd.s32 $0xFFFFA600  }
0x25a: {  	s26 =	sadd.s32 $0x195000, s18  }
0x25b: {  	[hbm:s26], [sflag:s11] =	dma.local [spmem:s9], $0x5A00  }
0x25c: {  	_ =	swait.ge [sflag:s19], $0x5A00  }
0x25d: {  	[sflag:s19] =	ssyncset.done $0x0  }
0x25e: {  	[sflag:s19] =	ssyncadd.s32 $0xFFFFA600;
	_ =	sdelay $0x2  }
0x25f: {  	_ =	swait.ge [sflag:s20], $0x5A00  }
0x260: {  	[sflag:s20] =	ssyncset.done $0x0  }
0x261: {  	[sflag:s20] =	ssyncadd.s32 $0xFFFFA600;
	_ =	sdelay $0x2  }
0x262: {  	_ =	swait.ge [sflag:s28], $0x5A00  }
0x263: {  	[sflag:s28] =	ssyncset.done $0x0  }
0x264: {  	[sflag:s28] =	ssyncadd.s32 $0xFFFFA600;
	_ =	sdelay $0x2  }
0x265: {  	_ =	swait.ge [sflag:s5], $0x5A00  }
0x266: {  	[sflag:s5] =	ssyncset.done $0x0  }
0x267: {  	[sflag:s5] =	ssyncadd.s32 $0xFFFFA600;
	_ =	sdelay $0x2  }
0x268: {  	_ =	swait.ge [sflag:s2], $0x5A00  }
0x269: {  	[sflag:s2] =	ssyncset.done $0x0  }
0x26a: {  	[sflag:s2] =	ssyncadd.s32 $0xFFFFA600;
	_ =	sdelay $0x2  }
0x26b: {  	_ =	swait.ge [sflag:s11], $0x5A00  }
0x26c: {  	[sflag:s11] =	ssyncset.done $0x0  }
0x26d: {  	[sflag:s11] =	ssyncadd.s32 $0xFFFFA600  }
0x26e: {  	_ =	strace $0x90000046  }
0x26f: {  	_ =	sfence  }
0x270: {  	s28 =	sld [smem:$0x0];
	_ =	sdelay $0x1  }
0x271: {  	s29 =	srdreg.scid  }
0x272: {  	s30 =	sshll.u32 s29, $0xD;
	s2 =	sshrl.u32 s29, $0x2  }
0x273: {  	s1 =	sand.u32 $0x4000, s30;
	s31 =	rddreg [dreg:$0x0];
	s0 =	sadd.s32 s2, s28  }
0x274: {  	s1 =	sor.u32 s1, s31;
	s0 =	sshll.u32 s0, $0x11  }
0x275: {  	s0 =	sor.u32 s0, s1  }
0x276: {  	s0 =	sadd.s32 $0x8F2B, s0;
	(pc) =	sbr.abs _section_cstart, $3  }
0x277: {  	[sflag:s0] =	ssyncadd.remote.s32 $0x1  }
0x278: {  	_ =	strace $0x9FFFFFFF  }
0x279: {  	(tm) =	ssettm $0x7FFFFFFF  }

</sc_bundles>
